<compile_context>
chip_gen: v7x
topology: tpu7x:2x2x1
jax: 0.10.2.dev20260603
libtpu: 0.0.44.dev20260713+nightly
codegen_flags: <defaults>
</compile_context>

<pallas_src>
import functools

import jax
import jax.numpy as jnp
from jax import lax
from jax.experimental import pallas as pl
from jax.experimental.pallas import tpu as pltpu
from jax.experimental.pallas import tpu_sc as plsc

N_HE = 10000
EPS = 1e-5
_INTERP = False


def _pick(b, n):
    return b if n % b == 0 else n


def _mm_plain(act, W):
    n, fin = act.shape
    fout = W.shape[1]
    rb = _pick(1000, n)

    def body(a_ref, w_ref, o_ref):
        acc = jnp.dot(a_ref[...], w_ref[...], preferred_element_type=jnp.float32)
        hi = acc.astype(jnp.bfloat16)
        lo = (acc - hi.astype(jnp.float32)).astype(jnp.bfloat16)
        o_ref[...] = jnp.concatenate([hi, lo], axis=1)

    return pl.pallas_call(
        body,
        grid=(n // rb,),
        in_specs=[pl.BlockSpec((rb, fin), lambda i: (i, 0)),
                  pl.BlockSpec((fin, fout), lambda i: (0, 0))],
        out_specs=pl.BlockSpec((rb, 2 * fout), lambda i: (i, 0)),
        out_shape=jax.ShapeDtypeStruct((n, 2 * fout), jnp.bfloat16),
        interpret=_INTERP,
    )(act, W)


def _mm_bn(h, stats, g2d, bt2d, W):
    n, fin = h.shape
    fout = W.shape[1]
    rb = _pick(1000, n)
    inv_n = 1.0 / n

    def body(h_ref, s_ref, g_ref, b_ref, w_ref, o_ref):
        mean = s_ref[0:1, :] * inv_n
        var = s_ref[1:2, :] * inv_n - mean * mean
        scale = g_ref[...] * lax.rsqrt(var + EPS)
        shift = b_ref[...] - mean * scale
        a = h_ref[...] * scale + shift
        acc = jnp.dot(a, w_ref[...], preferred_element_type=jnp.float32)
        hi = acc.astype(jnp.bfloat16)
        lo = (acc - hi.astype(jnp.float32)).astype(jnp.bfloat16)
        o_ref[...] = jnp.concatenate([hi, lo], axis=1)

    return pl.pallas_call(
        body,
        grid=(n // rb,),
        in_specs=[pl.BlockSpec((rb, fin), lambda i: (i, 0)),
                  pl.BlockSpec((2, fin), lambda i: (0, 0)),
                  pl.BlockSpec((1, fin), lambda i: (0, 0)),
                  pl.BlockSpec((1, fin), lambda i: (0, 0)),
                  pl.BlockSpec((fin, fout), lambda i: (0, 0))],
        out_specs=pl.BlockSpec((rb, 2 * fout), lambda i: (i, 0)),
        out_shape=jax.ShapeDtypeStruct((n, 2 * fout), jnp.bfloat16),
        interpret=_INTERP,
    )(h, stats, g2d, bt2d, W)


def _ht_mm(H, xw, b_col):
    n, hep = H.shape
    f = xw.shape[1]
    cb = _pick(512, hep)

    def body(h_ref, x_ref, s_ref, o_ref):
        acc = lax.dot_general(h_ref[...], x_ref[...],
                              (((0,), (0,)), ((), ())),
                              preferred_element_type=jnp.float32)
        fo = acc.shape[1] // 2
        cnt = s_ref[...]
        inv = jnp.where(cnt > 0, 1.0 / cnt, 0.0)
        val = (acc[:, :fo] + acc[:, fo:]) * inv
        hi = val.astype(jnp.bfloat16)
        lo = (val - hi.astype(jnp.float32)).astype(jnp.bfloat16)
        o_ref[...] = jnp.concatenate([hi, lo], axis=1)

    return pl.pallas_call(
        body,
        grid=(hep // cb,),
        in_specs=[pl.BlockSpec((n, cb), lambda i: (0, i)),
                  pl.BlockSpec((n, f), lambda i: (0, 0)),
                  pl.BlockSpec((cb, 1), lambda i: (i, 0))],
        out_specs=pl.BlockSpec((cb, f), lambda i: (i, 0)),
        out_shape=jax.ShapeDtypeStruct((hep, f), jnp.bfloat16),
        interpret=_INTERP,
    )(H, xw, b_col)


def _ht_mm_conv(H32, xw, b_col):
    n, hep = H32.shape
    f = xw.shape[1]
    cb = _pick(256, hep)

    def body(h_ref, x_ref, s_ref, o_ref, hb_ref):
        hb = h_ref[...].astype(jnp.bfloat16)
        hb_ref[...] = hb
        acc = lax.dot_general(hb, x_ref[...],
                              (((0,), (0,)), ((), ())),
                              preferred_element_type=jnp.float32)
        fo = acc.shape[1] // 2
        cnt = s_ref[...]
        inv = jnp.where(cnt > 0, 1.0 / cnt, 0.0)
        val = (acc[:, :fo] + acc[:, fo:]) * inv
        hi = val.astype(jnp.bfloat16)
        lo = (val - hi.astype(jnp.float32)).astype(jnp.bfloat16)
        o_ref[...] = jnp.concatenate([hi, lo], axis=1)

    return pl.pallas_call(
        body,
        grid=(hep // cb,),
        in_specs=[pl.BlockSpec((n, cb), lambda i: (0, i)),
                  pl.BlockSpec((n, f), lambda i: (0, 0)),
                  pl.BlockSpec((cb, 1), lambda i: (i, 0))],
        out_specs=[pl.BlockSpec((cb, f), lambda i: (i, 0)),
                   pl.BlockSpec((n, cb), lambda i: (0, i))],
        out_shape=[jax.ShapeDtypeStruct((hep, f), jnp.bfloat16),
                   jax.ShapeDtypeStruct((n, hep), jnp.bfloat16)],
        interpret=_INTERP,
    )(H32, xw, b_col)


def _h_mm(H, t, d_col, b2d):
    n, hep = H.shape
    f = t.shape[1]
    fo = f // 2
    rb = _pick(400, n)

    def body(h_ref, t_ref, s_ref, b_ref, o_ref):
        acc = jnp.dot(h_ref[...], t_ref[...], preferred_element_type=jnp.float32)
        fo = acc.shape[1] // 2
        val = acc[:, :fo] + acc[:, fo:]
        cnt = s_ref[...]
        inv = jnp.where(cnt > 0, 1.0 / cnt, 0.0)
        o_ref[...] = jnp.maximum(val * inv + b_ref[...], 0.0)

    return pl.pallas_call(
        body,
        grid=(n // rb,),
        in_specs=[pl.BlockSpec((rb, hep), lambda i: (i, 0)),
                  pl.BlockSpec((hep, f), lambda i: (0, 0)),
                  pl.BlockSpec((rb, 1), lambda i: (i, 0)),
                  pl.BlockSpec((1, fo), lambda i: (0, 0))],
        out_specs=pl.BlockSpec((rb, fo), lambda i: (i, 0)),
        out_shape=jax.ShapeDtypeStruct((n, fo), jnp.float32),
        interpret=_INTERP,
    )(H, t, d_col, b2d)


def _bn_stats(h):
    n, f = h.shape
    rb = _pick(1000, n)

    def body(h_ref, o_ref):
        i = pl.program_id(0)

        @pl.when(i == 0)
        def _():
            o_ref[...] = jnp.zeros_like(o_ref)

        v = h_ref[...]
        s = jnp.sum(v, axis=0, keepdims=True)
        ss = jnp.sum(v * v, axis=0, keepdims=True)
        o_ref[...] += jnp.concatenate([s, ss], axis=0)

    return pl.pallas_call(
        body,
        grid=(n // rb,),
        in_specs=[pl.BlockSpec((rb, f), lambda i: (i, 0))],
        out_specs=pl.BlockSpec((2, f), lambda i: (0, 0)),
        out_shape=jax.ShapeDtypeStruct((2, f), jnp.float32),
        interpret=_INTERP,
    )(h)


_N = 10000
_HEP = 10240
_E = 320000
_EPT = 10240
_EP = 32 * _EPT
_K = 1_024_000
_KT = _K // 16
_TOTAL = _N * _HEP
_NPASS = _TOTAL // (2 * _K)
_SENT = 200000


def _build_incidence_sc(edge):
    mesh = plsc.VectorSubcoreMesh(core_axis_name="c", subcore_axis_name="s")
    pad = jnp.full((2, _EP - _E), _SENT, jnp.int32)
    edge_flat = jnp.concatenate([edge, pad], axis=1).reshape(2 * _EP)
    zer_b = jnp.zeros((_KT,), jnp.float32)

    @functools.partial(
        pl.kernel,
        out_type=(
            jax.ShapeDtypeStruct((_TOTAL,), jnp.float32),
            jax.ShapeDtypeStruct((_HEP,), jnp.float32),
            jax.ShapeDtypeStruct((_HEP,), jnp.float32),
        ),
        mesh=mesh,
        scratch_types=(
            pltpu.VMEM((_EPT,), jnp.int32),
            pltpu.VMEM((_EPT,), jnp.int32),
            pltpu.VMEM((_EPT,), jnp.int32),
            pltpu.VMEM((_EPT,), jnp.int32),
            pltpu.VMEM((_EPT,), jnp.int32),
            pltpu.VMEM((_EPT,), jnp.float32),
            pltpu.VMEM_SHARED((_K + 1024,), jnp.float32),
            pltpu.VMEM_SHARED((_HEP + 1024,), jnp.float32),
        ),
    )
    def build(edge_ref, zer_ref, h_ref, d_ref, b_ref,
              n1, h1, n2, h2, idx1, vals1, acc, accd):
        cid = lax.axis_index("c")
        sid = lax.axis_index("s")

        onef = jnp.ones((16,), jnp.float32)
        lax.fori_loop(0, _EPT // 16,
                      lambda i, _: (vals1.__setitem__(pl.ds(i * 16, 16), onef), 0)[1],
                      0, unroll=8)

        pltpu.sync_copy(edge_ref.at[pl.ds(pl.multiple_of(sid * _EPT, 256), _EPT)],
                        n1)
        pltpu.sync_copy(edge_ref.at[pl.ds(pl.multiple_of(_EP + sid * _EPT, 256), _EPT)],
                        h1)
        pltpu.sync_copy(edge_ref.at[pl.ds(pl.multiple_of((16 + sid) * _EPT, 256), _EPT)],
                        n2)
        pltpu.sync_copy(edge_ref.at[pl.ds(pl.multiple_of(_EP + (16 + sid) * _EPT, 256), _EPT)],
                        h2)

        pltpu.sync_copy(zer_ref, acc.at[pl.ds(pl.multiple_of(sid * _KT, 256), _KT)])

        @pl.when(sid == 0)
        def _():
            pltpu.sync_copy(zer_ref.at[pl.ds(0, 1024)], acc.at[pl.ds(_K, 1024)])
            pltpu.sync_copy(zer_ref.at[pl.ds(0, _HEP + 1024)], accd)
        plsc.subcore_barrier()

        def fill_idx(src, base, limit, trash):
            def _row(r, _):
                for c in range(8):
                    s = r * 128 + c * 16
                    v = src[pl.ds(s, 16)]
                    off = v - base
                    ok = (off >= 0) & (off < limit)
                    idx1[pl.ds(s, 16)] = jnp.where(ok, off, trash + (v & 1023))
                return 0
            lax.fori_loop(0, 80, _row, 0)

        def scatter_add(dst):
            pltpu.sync_copy(vals1, dst.at[idx1], add=True)

        @pl.when(cid == 0)
        def _():
            fill_idx(n1, 0, _HEP, _HEP)
        @pl.when(cid == 1)
        def _():
            fill_idx(h1, 0, _HEP, _HEP)
        scatter_add(accd)
        @pl.when(cid == 0)
        def _():
            fill_idx(n2, 0, _HEP, _HEP)
        @pl.when(cid == 1)
        def _():
            fill_idx(h2, 0, _HEP, _HEP)
        scatter_add(accd)
        plsc.subcore_barrier()

        @pl.when((sid == 0) & (cid == 0))
        def _():
            pltpu.sync_copy(accd.at[pl.ds(0, _HEP)], d_ref)

        @pl.when((sid == 0) & (cid == 1))
        def _():
            pltpu.sync_copy(accd.at[pl.ds(0, _HEP)], b_ref)

        def _keys(r, _):
            for c in range(8):
                s = r * 128 + c * 16
                n1[pl.ds(s, 16)] = n1[pl.ds(s, 16)] * _HEP + h1[pl.ds(s, 16)]
                n2[pl.ds(s, 16)] = n2[pl.ds(s, 16)] * _HEP + h2[pl.ds(s, 16)]
            return 0
        lax.fori_loop(0, 80, _keys, 0)

        def _pass(p, _):
            base = (2 * p + cid) * _K
            fill_idx(n1, base, _K, _K)
            scatter_add(acc)
            fill_idx(n2, base, _K, _K)
            scatter_add(acc)
            plsc.subcore_barrier()
            off = sid * _KT
            pltpu.sync_copy(acc.at[pl.ds(pl.multiple_of(off, 256), _KT)],
                            h_ref.at[pl.ds(pl.multiple_of(base + off, 256), _KT)])
            pltpu.sync_copy(zer_ref, acc.at[pl.ds(pl.multiple_of(off, 256), _KT)])
            plsc.subcore_barrier()
            return 0
        lax.fori_loop(0, _NPASS, _pass, 0)

    return build(edge_flat, zer_b)


def _encode(x, H32, dcol, bcol, W1, b1, g1, bt1, W2, b2, g2, bt2, W3, b3):
    H = None
    h = x
    for (W, b, g, bt) in ((W1, b1, None, None),
                          (W2, b2, g1, bt1),
                          (W3, b3, g2, bt2)):
        if g is None:
            xw = _mm_plain(h, W)
            t, H = _ht_mm_conv(H32, xw, bcol)
        else:
            stats = _bn_stats(h)
            xw = _mm_bn(h, stats, g.reshape(1, -1), bt.reshape(1, -1), W)
            t = _ht_mm(H, xw, bcol)
        h = _h_mm(H, t, dcol, b.reshape(1, -1))
    return h


def kernel(x, edge, W1, b1, g1, bt1, W2, b2, g2, bt2, W3, b3):
    H_flat, D, B = _build_incidence_sc(edge)
    return _encode(x, H_flat.reshape(_N, _HEP), D[:_N].reshape(_N, 1),
                   B.reshape(_HEP, 1), W1, b1, g1, bt1, W2, b2, g2, bt2, W3, b3)

# --- scband reference (transcript-rebuilt; emitter-appended) ---
"""Pipeline reference for scband-hgnn-encoder-15642270892331 (READ-ONLY COPY).

The authoritative reference and input builder live on the scoring server;
editing this copy changes nothing except your own understanding.
"""

import jax, jax.numpy as jnp
import numpy as np

N_NODES = 10000
N_EDGES = 320000
N_HE = 10000
EPS = 1e-5


def setup_inputs(seed: int = 0) -> dict:
    key = jax.random.key(seed)
    ks = jax.random.split(key, 8)
    x = jax.random.normal(ks[0], (N_NODES, 128), dtype=jnp.float32)
    edge = jax.random.randint(ks[1], (2, N_EDGES), 0, N_NODES, dtype=jnp.int32)
    W1 = jax.random.normal(ks[2], (128, 256), dtype=jnp.float32) * (1.0 / np.sqrt(128))
    b1 = jnp.zeros((256,), dtype=jnp.float32)
    g1 = jnp.ones((256,), dtype=jnp.float32)
    bt1 = jnp.zeros((256,), dtype=jnp.float32)
    W2 = jax.random.normal(ks[3], (256, 256), dtype=jnp.float32) * (1.0 / np.sqrt(256))
    b2 = jnp.zeros((256,), dtype=jnp.float32)
    g2 = jnp.ones((256,), dtype=jnp.float32)
    bt2 = jnp.zeros((256,), dtype=jnp.float32)
    W3 = jax.random.normal(ks[4], (256, 256), dtype=jnp.float32) * (1.0 / np.sqrt(256))
    b3 = jnp.zeros((256,), dtype=jnp.float32)
    return {"x": x, "edge": edge, "W1": W1, "b1": b1, "g1": g1, "bt1": bt1,
            "W2": W2, "b2": b2, "g2": g2, "bt2": bt2, "W3": W3, "b3": b3}


def _hypergraph_conv(x, node_idx, he_idx, W, b):
    # PyG HypergraphConv (use_attention=False), hyperedge_weight = ones
    xw = x @ W
    ones_e = jnp.ones((node_idx.shape[0],), dtype=xw.dtype)
    D = jax.ops.segment_sum(ones_e, node_idx, num_segments=N_NODES)
    Dinv = jnp.where(D > 0, 1.0 / D, 0.0)
    B = jax.ops.segment_sum(ones_e, he_idx, num_segments=N_HE)
    Binv = jnp.where(B > 0, 1.0 / B, 0.0)
    # node -> hyperedge: out_e[e] = sum_{v in e} B^{-1}[e] * xw[v]
    out_e = jax.ops.segment_sum(xw[node_idx] * Binv[he_idx][:, None], he_idx, num_segments=N_HE)
    # hyperedge -> node: out_n[v] = sum_{e ni v} D^{-1}[v] * out_e[e]
    out_n = jax.ops.segment_sum(out_e[he_idx] * Dinv[node_idx][:, None], node_idx, num_segments=N_NODES)
    return out_n + b


def _batchnorm(x, gamma, beta):
    # BatchNorm1d in training mode: biased batch statistics
    m = jnp.mean(x, axis=0)
    v = jnp.mean((x - m) ** 2, axis=0)
    return (x - m) / jnp.sqrt(v + EPS) * gamma + beta


def reference(x, edge, W1, b1, g1, bt1, W2, b2, g2, bt2, W3, b3):
    node_idx = edge[0]
    he_idx = edge[1]
    h = _hypergraph_conv(x, node_idx, he_idx, W1, b1)
    h = _batchnorm(jax.nn.relu(h), g1, bt1)
    h = _hypergraph_conv(h, node_idx, he_idx, W2, b2)
    h = _batchnorm(jax.nn.relu(h), g2, bt2)
    h = jax.nn.relu(_hypergraph_conv(h, node_idx, he_idx, W3, b3))
    return h

if __name__ == "__main__":
    import jax
    _d = setup_inputs()
    print(jax.jit(kernel)(*tuple(_d.values())))

</pallas_src>

<mosaic_0001>
#map = affine_map<(d0, d1) -> (0)>
module attributes {stable_mosaic.version = 14 : i64} {
  func.func @build(%arg0: i32, %arg1: i32, %arg2: memref<655360xi32, #tpu.memory_space<hbm>>, %arg3: memref<64000xf32, #tpu.memory_space<hbm>>, %arg4: memref<102400000xf32, #tpu.memory_space<hbm>>, %arg5: memref<10240xf32, #tpu.memory_space<hbm>>, %arg6: memref<10240xf32, #tpu.memory_space<hbm>>, %arg7: memref<10240xi32, #tpu.memory_space<vmem>>, %arg8: memref<10240xi32, #tpu.memory_space<vmem>>, %arg9: memref<10240xi32, #tpu.memory_space<vmem>>, %arg10: memref<10240xi32, #tpu.memory_space<vmem>>, %arg11: memref<10240xi32, #tpu.memory_space<vmem>>, %arg12: memref<10240xf32, #tpu.memory_space<vmem>>, %arg13: memref<1025024xf32, #tpu.memory_space<vmem_shared>>, %arg14: memref<11264xf32, #tpu.memory_space<vmem_shared>>) attributes {dimension_semantics = [#tpu.dimension_semantics<core_parallel>, #tpu.dimension_semantics<subcore_parallel>], iteration_bounds = array<i64: 2, 16>, scalar_prefetch = 0 : i64, scratch_operands = 8 : i64, tpu.core_type = #tpu.core_type<sc_vector_subcore>, window_params = [{transform_indices = #map}, {transform_indices = #map}, {transform_indices = #map}, {transform_indices = #map}, {transform_indices = #map}]} {
    %broadcast_in_dim3A = arith.constant 1.000000e+00 : f32
    %broadcast_in_dim3A_0 = vector.broadcast %broadcast_in_dim3A : f32 to vector<16xf32>
    %scan3A = arith.constant 0 : i32
    %scan3A_1 = arith.constant 0 : i32
    %scan3A_2 = arith.constant 640 : i32
    %scan3A_3 = arith.addi %scan3A_1, %scan3A_2 : i32
    %scan3A_4 = arith.constant 8 : i32
    %scan3A_5 = scf.for %scan3A_79 = %scan3A_1 to %scan3A_3 step %scan3A_4 iter_args(%scan3A_80 = %scan3A) -> (i32)  : i32 {
      %mul3A_81 = arith.constant 16 : i32
      %mul3A_82 = arith.muli %scan3A_79, %mul3A_81 : i32
      %swap3A = arith.index_cast %mul3A_82 : i32 to index
      %swap3A_83 = tpu.vector_load %arg12[%swap3A] {strides = array<i32>} : memref<10240xf32, #tpu.memory_space<vmem>>, vector<16xf32>,
      %swap3A_84 = vector.shape_cast %swap3A_83 : vector<16xf32> to vector<16xf32>
      %swap3A_85 = vector.shape_cast %broadcast_in_dim3A_0 : vector<16xf32> to vector<16xf32>
      tpu.vector_store %arg12[%swap3A], %swap3A_85 {strides = array<i32>} : memref<10240xf32, #tpu.memory_space<vmem>>, vector<16xf32>,
      %scan3A_86 = arith.constant 0 : i32
      %scan3A_87 = arith.constant 1 : i32
      %scan3A_88 = arith.addi %scan3A_79, %scan3A_87 : i32
      %mul3A_89 = arith.constant 16 : i32
      %mul3A_90 = arith.muli %scan3A_88, %mul3A_89 : i32
      %swap3A_91 = arith.index_cast %mul3A_90 : i32 to index
      %swap3A_92 = tpu.vector_load %arg12[%swap3A_91] {strides = array<i32>} : memref<10240xf32, #tpu.memory_space<vmem>>, vector<16xf32>,
      %swap3A_93 = vector.shape_cast %swap3A_92 : vector<16xf32> to vector<16xf32>
      %swap3A_94 = vector.shape_cast %broadcast_in_dim3A_0 : vector<16xf32> to vector<16xf32>
      tpu.vector_store %arg12[%swap3A_91], %swap3A_94 {strides = array<i32>} : memref<10240xf32, #tpu.memory_space<vmem>>, vector<16xf32>,
      %scan3A_95 = arith.constant 0 : i32
      %scan3A_96 = arith.constant 2 : i32
      %scan3A_97 = arith.addi %scan3A_79, %scan3A_96 : i32
      %mul3A_98 = arith.constant 16 : i32
      %mul3A_99 = arith.muli %scan3A_97, %mul3A_98 : i32
      %swap3A_100 = arith.index_cast %mul3A_99 : i32 to index
      %swap3A_101 = tpu.vector_load %arg12[%swap3A_100] {strides = array<i32>} : memref<10240xf32, #tpu.memory_space<vmem>>, vector<16xf32>,
      %swap3A_102 = vector.shape_cast %swap3A_101 : vector<16xf32> to vector<16xf32>
      %swap3A_103 = vector.shape_cast %broadcast_in_dim3A_0 : vector<16xf32> to vector<16xf32>
      tpu.vector_store %arg12[%swap3A_100], %swap3A_103 {strides = array<i32>} : memref<10240xf32, #tpu.memory_space<vmem>>, vector<16xf32>,
      %scan3A_104 = arith.constant 0 : i32
      %scan3A_105 = arith.constant 3 : i32
      %scan3A_106 = arith.addi %scan3A_79, %scan3A_105 : i32
      %mul3A_107 = arith.constant 16 : i32
      %mul3A_108 = arith.muli %scan3A_106, %mul3A_107 : i32
      %swap3A_109 = arith.index_cast %mul3A_108 : i32 to index
      %swap3A_110 = tpu.vector_load %arg12[%swap3A_109] {strides = array<i32>} : memref<10240xf32, #tpu.memory_space<vmem>>, vector<16xf32>,
      %swap3A_111 = vector.shape_cast %swap3A_110 : vector<16xf32> to vector<16xf32>
      %swap3A_112 = vector.shape_cast %broadcast_in_dim3A_0 : vector<16xf32> to vector<16xf32>
      tpu.vector_store %arg12[%swap3A_109], %swap3A_112 {strides = array<i32>} : memref<10240xf32, #tpu.memory_space<vmem>>, vector<16xf32>,
      %scan3A_113 = arith.constant 0 : i32
      %scan3A_114 = arith.constant 4 : i32
      %scan3A_115 = arith.addi %scan3A_79, %scan3A_114 : i32
      %mul3A_116 = arith.constant 16 : i32
      %mul3A_117 = arith.muli %scan3A_115, %mul3A_116 : i32
      %swap3A_118 = arith.index_cast %mul3A_117 : i32 to index
      %swap3A_119 = tpu.vector_load %arg12[%swap3A_118] {strides = array<i32>} : memref<10240xf32, #tpu.memory_space<vmem>>, vector<16xf32>,
      %swap3A_120 = vector.shape_cast %swap3A_119 : vector<16xf32> to vector<16xf32>
      %swap3A_121 = vector.shape_cast %broadcast_in_dim3A_0 : vector<16xf32> to vector<16xf32>
      tpu.vector_store %arg12[%swap3A_118], %swap3A_121 {strides = array<i32>} : memref<10240xf32, #tpu.memory_space<vmem>>, vector<16xf32>,
      %scan3A_122 = arith.constant 0 : i32
      %scan3A_123 = arith.constant 5 : i32
      %scan3A_124 = arith.addi %scan3A_79, %scan3A_123 : i32
      %mul3A_125 = arith.constant 16 : i32
      %mul3A_126 = arith.muli %scan3A_124, %mul3A_125 : i32
      %swap3A_127 = arith.index_cast %mul3A_126 : i32 to index
      %swap3A_128 = tpu.vector_load %arg12[%swap3A_127] {strides = array<i32>} : memref<10240xf32, #tpu.memory_space<vmem>>, vector<16xf32>,
      %swap3A_129 = vector.shape_cast %swap3A_128 : vector<16xf32> to vector<16xf32>
      %swap3A_130 = vector.shape_cast %broadcast_in_dim3A_0 : vector<16xf32> to vector<16xf32>
      tpu.vector_store %arg12[%swap3A_127], %swap3A_130 {strides = array<i32>} : memref<10240xf32, #tpu.memory_space<vmem>>, vector<16xf32>,
      %scan3A_131 = arith.constant 0 : i32
      %scan3A_132 = arith.constant 6 : i32
      %scan3A_133 = arith.addi %scan3A_79, %scan3A_132 : i32
      %mul3A_134 = arith.constant 16 : i32
      %mul3A_135 = arith.muli %scan3A_133, %mul3A_134 : i32
      %swap3A_136 = arith.index_cast %mul3A_135 : i32 to index
      %swap3A_137 = tpu.vector_load %arg12[%swap3A_136] {strides = array<i32>} : memref<10240xf32, #tpu.memory_space<vmem>>, vector<16xf32>,
      %swap3A_138 = vector.shape_cast %swap3A_137 : vector<16xf32> to vector<16xf32>
      %swap3A_139 = vector.shape_cast %broadcast_in_dim3A_0 : vector<16xf32> to vector<16xf32>
      tpu.vector_store %arg12[%swap3A_136], %swap3A_139 {strides = array<i32>} : memref<10240xf32, #tpu.memory_space<vmem>>, vector<16xf32>,
      %scan3A_140 = arith.constant 0 : i32
      %scan3A_141 = arith.constant 7 : i32
      %scan3A_142 = arith.addi %scan3A_79, %scan3A_141 : i32
      %mul3A_143 = arith.constant 16 : i32
      %mul3A_144 = arith.muli %scan3A_142, %mul3A_143 : i32
      %swap3A_145 = arith.index_cast %mul3A_144 : i32 to index
      %swap3A_146 = tpu.vector_load %arg12[%swap3A_145] {strides = array<i32>} : memref<10240xf32, #tpu.memory_space<vmem>>, vector<16xf32>,
      %swap3A_147 = vector.shape_cast %swap3A_146 : vector<16xf32> to vector<16xf32>
      %swap3A_148 = vector.shape_cast %broadcast_in_dim3A_0 : vector<16xf32> to vector<16xf32>
      tpu.vector_store %arg12[%swap3A_145], %swap3A_148 {strides = array<i32>} : memref<10240xf32, #tpu.memory_space<vmem>>, vector<16xf32>,
      %scan3A_149 = arith.constant 0 : i32
      scf.yield %scan3A_149 : i32
    }
    %scan3A_6 = arith.constant 640 : i32
    %mul3A = arith.constant 10240 : i32
    %mul3A_7 = arith.muli %arg1, %mul3A : i32
    %multiple_of3A = tpu.assume_multiple %mul3A_7, 256 : i32
    "tpu.region"() ({
      %run_scoped3A = tpu.sem_alloc : memref<!tpu.dma_semaphore, #tpu.memory_space<semaphore_mem>>
      %dma_start3A = tpu.memref_slice %arg2[%multiple_of3A] : memref<655360xi32, #tpu.memory_space<hbm>> -> memref<10240xi32, #tpu.memory_space<hbm>>
      %dma_start3A_79 = tpu.memref_slice %arg2[%multiple_of3A] : memref<655360xi32, #tpu.memory_space<hbm>> -> memref<10240xi32, #tpu.memory_space<hbm>>
      tpu.enqueue_dma source(%dma_start3A_79 : memref<10240xi32, #tpu.memory_space<hbm>>) target(%arg7 : memref<10240xi32, #tpu.memory_space<vmem>>) target_semaphore(%run_scoped3A : memref<!tpu.dma_semaphore, #tpu.memory_space<semaphore_mem>>)
      %dma_wait3A = tpu.memref_slice %arg2[%multiple_of3A] : memref<655360xi32, #tpu.memory_space<hbm>> -> memref<10240xi32, #tpu.memory_space<hbm>>
      %dma_wait3A_80 = tpu.memref_slice %arg2[%multiple_of3A] : memref<655360xi32, #tpu.memory_space<hbm>> -> memref<10240xi32, #tpu.memory_space<hbm>>
      tpu.wait_dma2 semaphore(%run_scoped3A : memref<!tpu.dma_semaphore, #tpu.memory_space<semaphore_mem>>) src(%dma_wait3A_80 : memref<10240xi32, #tpu.memory_space<hbm>>) dst(%arg7 : memref<10240xi32, #tpu.memory_space<vmem>>)
      tpu.yield
    }) : () -> ()
    %mul3A_8 = arith.constant 10240 : i32
    %mul3A_9 = arith.muli %arg1, %mul3A_8 : i32
    %add3A = arith.constant 327680 : i32
    %add3A_10 = arith.addi %add3A, %mul3A_9 : i32
    %multiple_of3A_11 = tpu.assume_multiple %add3A_10, 256 : i32
    "tpu.region"() ({
      %run_scoped3A = tpu.sem_alloc : memref<!tpu.dma_semaphore, #tpu.memory_space<semaphore_mem>>
      %dma_start3A = tpu.memref_slice %arg2[%multiple_of3A_11] : memref<655360xi32, #tpu.memory_space<hbm>> -> memref<10240xi32, #tpu.memory_space<hbm>>
      %dma_start3A_79 = tpu.memref_slice %arg2[%multiple_of3A_11] : memref<655360xi32, #tpu.memory_space<hbm>> -> memref<10240xi32, #tpu.memory_space<hbm>>
      tpu.enqueue_dma source(%dma_start3A_79 : memref<10240xi32, #tpu.memory_space<hbm>>) target(%arg8 : memref<10240xi32, #tpu.memory_space<vmem>>) target_semaphore(%run_scoped3A : memref<!tpu.dma_semaphore, #tpu.memory_space<semaphore_mem>>)
      %dma_wait3A = tpu.memref_slice %arg2[%multiple_of3A_11] : memref<655360xi32, #tpu.memory_space<hbm>> -> memref<10240xi32, #tpu.memory_space<hbm>>
      %dma_wait3A_80 = tpu.memref_slice %arg2[%multiple_of3A_11] : memref<655360xi32, #tpu.memory_space<hbm>> -> memref<10240xi32, #tpu.memory_space<hbm>>
      tpu.wait_dma2 semaphore(%run_scoped3A : memref<!tpu.dma_semaphore, #tpu.memory_space<semaphore_mem>>) src(%dma_wait3A_80 : memref<10240xi32, #tpu.memory_space<hbm>>) dst(%arg8 : memref<10240xi32, #tpu.memory_space<vmem>>)
      tpu.yield
    }) : () -> ()
    %add3A_12 = arith.constant 16 : i32
    %add3A_13 = arith.addi %add3A_12, %arg1 : i32
    %mul3A_14 = arith.constant 10240 : i32
    %mul3A_15 = arith.muli %add3A_13, %mul3A_14 : i32
    %multiple_of3A_16 = tpu.assume_multiple %mul3A_15, 256 : i32
    "tpu.region"() ({
      %run_scoped3A = tpu.sem_alloc : memref<!tpu.dma_semaphore, #tpu.memory_space<semaphore_mem>>
      %dma_start3A = tpu.memref_slice %arg2[%multiple_of3A_16] : memref<655360xi32, #tpu.memory_space<hbm>> -> memref<10240xi32, #tpu.memory_space<hbm>>
      %dma_start3A_79 = tpu.memref_slice %arg2[%multiple_of3A_16] : memref<655360xi32, #tpu.memory_space<hbm>> -> memref<10240xi32, #tpu.memory_space<hbm>>
      tpu.enqueue_dma source(%dma_start3A_79 : memref<10240xi32, #tpu.memory_space<hbm>>) target(%arg9 : memref<10240xi32, #tpu.memory_space<vmem>>) target_semaphore(%run_scoped3A : memref<!tpu.dma_semaphore, #tpu.memory_space<semaphore_mem>>)
      %dma_wait3A = tpu.memref_slice %arg2[%multiple_of3A_16] : memref<655360xi32, #tpu.memory_space<hbm>> -> memref<10240xi32, #tpu.memory_space<hbm>>
      %dma_wait3A_80 = tpu.memref_slice %arg2[%multiple_of3A_16] : memref<655360xi32, #tpu.memory_space<hbm>> -> memref<10240xi32, #tpu.memory_space<hbm>>
      tpu.wait_dma2 semaphore(%run_scoped3A : memref<!tpu.dma_semaphore, #tpu.memory_space<semaphore_mem>>) src(%dma_wait3A_80 : memref<10240xi32, #tpu.memory_space<hbm>>) dst(%arg9 : memref<10240xi32, #tpu.memory_space<vmem>>)
      tpu.yield
    }) : () -> ()
    %add3A_17 = arith.constant 16 : i32
    %add3A_18 = arith.addi %add3A_17, %arg1 : i32
    %mul3A_19 = arith.constant 10240 : i32
    %mul3A_20 = arith.muli %add3A_18, %mul3A_19 : i32
    %add3A_21 = arith.constant 327680 : i32
    %add3A_22 = arith.addi %add3A_21, %mul3A_20 : i32
    %multiple_of3A_23 = tpu.assume_multiple %add3A_22, 256 : i32
    "tpu.region"() ({
      %run_scoped3A = tpu.sem_alloc : memref<!tpu.dma_semaphore, #tpu.memory_space<semaphore_mem>>
      %dma_start3A = tpu.memref_slice %arg2[%multiple_of3A_23] : memref<655360xi32, #tpu.memory_space<hbm>> -> memref<10240xi32, #tpu.memory_space<hbm>>
      %dma_start3A_79 = tpu.memref_slice %arg2[%multiple_of3A_23] : memref<655360xi32, #tpu.memory_space<hbm>> -> memref<10240xi32, #tpu.memory_space<hbm>>
      tpu.enqueue_dma source(%dma_start3A_79 : memref<10240xi32, #tpu.memory_space<hbm>>) target(%arg10 : memref<10240xi32, #tpu.memory_space<vmem>>) target_semaphore(%run_scoped3A : memref<!tpu.dma_semaphore, #tpu.memory_space<semaphore_mem>>)
      %dma_wait3A = tpu.memref_slice %arg2[%multiple_of3A_23] : memref<655360xi32, #tpu.memory_space<hbm>> -> memref<10240xi32, #tpu.memory_space<hbm>>
      %dma_wait3A_80 = tpu.memref_slice %arg2[%multiple_of3A_23] : memref<655360xi32, #tpu.memory_space<hbm>> -> memref<10240xi32, #tpu.memory_space<hbm>>
      tpu.wait_dma2 semaphore(%run_scoped3A : memref<!tpu.dma_semaphore, #tpu.memory_space<semaphore_mem>>) src(%dma_wait3A_80 : memref<10240xi32, #tpu.memory_space<hbm>>) dst(%arg10 : memref<10240xi32, #tpu.memory_space<vmem>>)
      tpu.yield
    }) : () -> ()
    %mul3A_24 = arith.constant 64000 : i32
    %mul3A_25 = arith.muli %arg1, %mul3A_24 : i32
    %multiple_of3A_26 = tpu.assume_multiple %mul3A_25, 256 : i32
    "tpu.region"() ({
      %run_scoped3A = tpu.sem_alloc : memref<!tpu.dma_semaphore, #tpu.memory_space<semaphore_mem>>
      %dma_start3A = tpu.memref_slice %arg13[%multiple_of3A_26] : memref<1025024xf32, #tpu.memory_space<vmem_shared>> -> memref<64000xf32, #tpu.memory_space<vmem_shared>>
      tpu.enqueue_dma source(%arg3 : memref<64000xf32, #tpu.memory_space<hbm>>) target(%dma_start3A : memref<64000xf32, #tpu.memory_space<vmem_shared>>) target_semaphore(%run_scoped3A : memref<!tpu.dma_semaphore, #tpu.memory_space<semaphore_mem>>)
      %dma_wait3A = tpu.memref_slice %arg13[%multiple_of3A_26] : memref<1025024xf32, #tpu.memory_space<vmem_shared>> -> memref<64000xf32, #tpu.memory_space<vmem_shared>>
      tpu.wait_dma2 semaphore(%run_scoped3A : memref<!tpu.dma_semaphore, #tpu.memory_space<semaphore_mem>>) src(%arg3 : memref<64000xf32, #tpu.memory_space<hbm>>) dst(%dma_wait3A : memref<64000xf32, #tpu.memory_space<vmem_shared>>)
      tpu.yield
    }) : () -> ()
    %eq3A = arith.constant 0 : i32
    %eq3A_27 = arith.cmpi eq, %arg1, %eq3A : i32
    %convert_element_type3A = arith.extui %eq3A_27 : i1 to i32
    %cond3A = arith.constant 0 : i32
    %cond3A_28 = arith.cmpi ne, %convert_element_type3A, %cond3A : i32
    scf.if %cond3A_28 {
      "tpu.region"() ({
        %run_scoped3A = tpu.sem_alloc : memref<!tpu.dma_semaphore, #tpu.memory_space<semaphore_mem>>
        %dma_start3A = arith.constant 1024000 : i32
        %dma_start3A_79 = tpu.memref_slice %arg13[%dma_start3A] : memref<1025024xf32, #tpu.memory_space<vmem_shared>> -> memref<1024xf32, #tpu.memory_space<vmem_shared>>
        %dma_start3A_80 = arith.constant 0 : i32
        %dma_start3A_81 = tpu.memref_slice %arg3[%dma_start3A_80] : memref<64000xf32, #tpu.memory_space<hbm>> -> memref<1024xf32, #tpu.memory_space<hbm>>
        tpu.enqueue_dma source(%dma_start3A_81 : memref<1024xf32, #tpu.memory_space<hbm>>) target(%dma_start3A_79 : memref<1024xf32, #tpu.memory_space<vmem_shared>>) target_semaphore(%run_scoped3A : memref<!tpu.dma_semaphore, #tpu.memory_space<semaphore_mem>>)
        %dma_wait3A = arith.constant 1024000 : i32
        %dma_wait3A_82 = tpu.memref_slice %arg13[%dma_wait3A] : memref<1025024xf32, #tpu.memory_space<vmem_shared>> -> memref<1024xf32, #tpu.memory_space<vmem_shared>>
        %dma_wait3A_83 = arith.constant 0 : i32
        %dma_wait3A_84 = tpu.memref_slice %arg3[%dma_wait3A_83] : memref<64000xf32, #tpu.memory_space<hbm>> -> memref<1024xf32, #tpu.memory_space<hbm>>
        tpu.wait_dma2 semaphore(%run_scoped3A : memref<!tpu.dma_semaphore, #tpu.memory_space<semaphore_mem>>) src(%dma_wait3A_84 : memref<1024xf32, #tpu.memory_space<hbm>>) dst(%dma_wait3A_82 : memref<1024xf32, #tpu.memory_space<vmem_shared>>)
        tpu.yield
      }) : () -> ()
      "tpu.region"() ({
        %run_scoped3A = tpu.sem_alloc : memref<!tpu.dma_semaphore, #tpu.memory_space<semaphore_mem>>
        %dma_start3A = arith.constant 0 : i32
        %dma_start3A_79 = tpu.memref_slice %arg3[%dma_start3A] : memref<64000xf32, #tpu.memory_space<hbm>> -> memref<11264xf32, #tpu.memory_space<hbm>>
        tpu.enqueue_dma source(%dma_start3A_79 : memref<11264xf32, #tpu.memory_space<hbm>>) target(%arg14 : memref<11264xf32, #tpu.memory_space<vmem_shared>>) target_semaphore(%run_scoped3A : memref<!tpu.dma_semaphore, #tpu.memory_space<semaphore_mem>>)
        %dma_wait3A = arith.constant 0 : i32
        %dma_wait3A_80 = tpu.memref_slice %arg3[%dma_wait3A] : memref<64000xf32, #tpu.memory_space<hbm>> -> memref<11264xf32, #tpu.memory_space<hbm>>
        tpu.wait_dma2 semaphore(%run_scoped3A : memref<!tpu.dma_semaphore, #tpu.memory_space<semaphore_mem>>) src(%dma_wait3A_80 : memref<11264xf32, #tpu.memory_space<hbm>>) dst(%arg14 : memref<11264xf32, #tpu.memory_space<vmem_shared>>)
        tpu.yield
      }) : () -> ()
    } else {
    }
    %barrier3A = arith.constant 0 : index
    tpu.barrier barrier_id(%barrier3A)
    %eq3A_29 = arith.constant 0 : i32
    %eq3A_30 = arith.cmpi eq, %arg0, %eq3A_29 : i32
    %convert_element_type3A_31 = arith.extui %eq3A_30 : i1 to i32
    %cond3A_32 = arith.constant 0 : i32
    %cond3A_33 = arith.cmpi ne, %convert_element_type3A_31, %cond3A_32 : i32
    scf.if %cond3A_33 {
      %scan3A_79 = arith.constant 0 : i32
      %scan3A_80 = arith.constant 0 : i32
      %scan3A_81 = arith.constant 80 : i32
      %scan3A_82 = arith.addi %scan3A_80, %scan3A_81 : i32
      %scan3A_83 = arith.constant 1 : i32
      %scan3A_84 = scf.for %scan3A_86 = %scan3A_80 to %scan3A_82 step %scan3A_83 iter_args(%scan3A_87 = %scan3A_79) -> (i32)  : i32 {
        %mul3A_88 = arith.constant 128 : i32
        %mul3A_89 = arith.muli %scan3A_86, %mul3A_88 : i32
        %add3A_90 = arith.constant 0 : i32
        %add3A_91 = arith.addi %mul3A_89, %add3A_90 : i32
        %get3A = arith.index_cast %add3A_91 : i32 to index
        %get3A_92 = tpu.vector_load %arg7[%get3A] {strides = array<i32>} : memref<10240xi32, #tpu.memory_space<vmem>>, vector<16xi32>,
        %get3A_93 = vector.shape_cast %get3A_92 : vector<16xi32> to vector<16xi32>
        %sub3A = arith.constant 0 : i32
        %sub3A_94 = vector.broadcast %sub3A : i32 to vector<16xi32>
        %sub3A_95 = arith.subi %get3A_93, %sub3A_94 : vector<16xi32>
        %ge3A = arith.constant 0 : i32
        %ge3A_96 = vector.broadcast %ge3A : i32 to vector<16xi32>
        %ge3A_97 = arith.cmpi sge, %sub3A_95, %ge3A_96 : vector<16xi32>
        %lt3A = arith.constant 10240 : i32
        %lt3A_98 = vector.broadcast %lt3A : i32 to vector<16xi32>
        %lt3A_99 = arith.cmpi slt, %sub3A_95, %lt3A_98 : vector<16xi32>
        %and3A_100 = arith.andi %ge3A_97, %lt3A_99 : vector<16xi1>
        %and3A_101 = arith.constant 1023 : i32
        %and3A_102 = vector.broadcast %and3A_101 : i32 to vector<16xi32>
        %and3A_103 = arith.andi %get3A_93, %and3A_102 : vector<16xi32>
        %add3A_104 = arith.constant 10240 : i32
        %add3A_105 = vector.broadcast %add3A_104 : i32 to vector<16xi32>
        %add3A_106 = arith.addi %add3A_105, %and3A_103 : vector<16xi32>
        %select_n3A = arith.select %and3A_100, %sub3A_95, %add3A_106 : vector<16xi1>, vector<16xi32>
        %swap3A = arith.index_cast %add3A_91 : i32 to index
        %swap3A_107 = tpu.vector_load %arg11[%swap3A] {strides = array<i32>} : memref<10240xi32, #tpu.memory_space<vmem>>, vector<16xi32>,
        %swap3A_108 = vector.shape_cast %swap3A_107 : vector<16xi32> to vector<16xi32>
        %swap3A_109 = vector.shape_cast %select_n3A : vector<16xi32> to vector<16xi32>
        tpu.vector_store %arg11[%swap3A], %swap3A_109 {strides = array<i32>} : memref<10240xi32, #tpu.memory_space<vmem>>, vector<16xi32>,
        %mul3A_110 = arith.constant 128 : i32
        %mul3A_111 = arith.muli %scan3A_86, %mul3A_110 : i32
        %add3A_112 = arith.constant 16 : i32
        %add3A_113 = arith.addi %mul3A_111, %add3A_112 : i32
        %get3A_114 = arith.index_cast %add3A_113 : i32 to index
        %get3A_115 = tpu.vector_load %arg7[%get3A_114] {strides = array<i32>} : memref<10240xi32, #tpu.memory_space<vmem>>, vector<16xi32>,
        %get3A_116 = vector.shape_cast %get3A_115 : vector<16xi32> to vector<16xi32>
        %sub3A_117 = arith.constant 0 : i32
        %sub3A_118 = vector.broadcast %sub3A_117 : i32 to vector<16xi32>
        %sub3A_119 = arith.subi %get3A_116, %sub3A_118 : vector<16xi32>
        %ge3A_120 = arith.constant 0 : i32
        %ge3A_121 = vector.broadcast %ge3A_120 : i32 to vector<16xi32>
        %ge3A_122 = arith.cmpi sge, %sub3A_119, %ge3A_121 : vector<16xi32>
        %lt3A_123 = arith.constant 10240 : i32
        %lt3A_124 = vector.broadcast %lt3A_123 : i32 to vector<16xi32>
        %lt3A_125 = arith.cmpi slt, %sub3A_119, %lt3A_124 : vector<16xi32>
        %and3A_126 = arith.andi %ge3A_122, %lt3A_125 : vector<16xi1>
        %and3A_127 = arith.constant 1023 : i32
        %and3A_128 = vector.broadcast %and3A_127 : i32 to vector<16xi32>
        %and3A_129 = arith.andi %get3A_116, %and3A_128 : vector<16xi32>
        %add3A_130 = arith.constant 10240 : i32
        %add3A_131 = vector.broadcast %add3A_130 : i32 to vector<16xi32>
        %add3A_132 = arith.addi %add3A_131, %and3A_129 : vector<16xi32>
        %select_n3A_133 = arith.select %and3A_126, %sub3A_119, %add3A_132 : vector<16xi1>, vector<16xi32>
        %swap3A_134 = arith.index_cast %add3A_113 : i32 to index
        %swap3A_135 = tpu.vector_load %arg11[%swap3A_134] {strides = array<i32>} : memref<10240xi32, #tpu.memory_space<vmem>>, vector<16xi32>,
        %swap3A_136 = vector.shape_cast %swap3A_135 : vector<16xi32> to vector<16xi32>
        %swap3A_137 = vector.shape_cast %select_n3A_133 : vector<16xi32> to vector<16xi32>
        tpu.vector_store %arg11[%swap3A_134], %swap3A_137 {strides = array<i32>} : memref<10240xi32, #tpu.memory_space<vmem>>, vector<16xi32>,
        %mul3A_138 = arith.constant 128 : i32
        %mul3A_139 = arith.muli %scan3A_86, %mul3A_138 : i32
        %add3A_140 = arith.constant 32 : i32
        %add3A_141 = arith.addi %mul3A_139, %add3A_140 : i32
        %get3A_142 = arith.index_cast %add3A_141 : i32 to index
        %get3A_143 = tpu.vector_load %arg7[%get3A_142] {strides = array<i32>} : memref<10240xi32, #tpu.memory_space<vmem>>, vector<16xi32>,
        %get3A_144 = vector.shape_cast %get3A_143 : vector<16xi32> to vector<16xi32>
        %sub3A_145 = arith.constant 0 : i32
        %sub3A_146 = vector.broadcast %sub3A_145 : i32 to vector<16xi32>
        %sub3A_147 = arith.subi %get3A_144, %sub3A_146 : vector<16xi32>
        %ge3A_148 = arith.constant 0 : i32
        %ge3A_149 = vector.broadcast %ge3A_148 : i32 to vector<16xi32>
        %ge3A_150 = arith.cmpi sge, %sub3A_147, %ge3A_149 : vector<16xi32>
        %lt3A_151 = arith.constant 10240 : i32
        %lt3A_152 = vector.broadcast %lt3A_151 : i32 to vector<16xi32>
        %lt3A_153 = arith.cmpi slt, %sub3A_147, %lt3A_152 : vector<16xi32>
        %and3A_154 = arith.andi %ge3A_150, %lt3A_153 : vector<16xi1>
        %and3A_155 = arith.constant 1023 : i32
        %and3A_156 = vector.broadcast %and3A_155 : i32 to vector<16xi32>
        %and3A_157 = arith.andi %get3A_144, %and3A_156 : vector<16xi32>
        %add3A_158 = arith.constant 10240 : i32
        %add3A_159 = vector.broadcast %add3A_158 : i32 to vector<16xi32>
        %add3A_160 = arith.addi %add3A_159, %and3A_157 : vector<16xi32>
        %select_n3A_161 = arith.select %and3A_154, %sub3A_147, %add3A_160 : vector<16xi1>, vector<16xi32>
        %swap3A_162 = arith.index_cast %add3A_141 : i32 to index
        %swap3A_163 = tpu.vector_load %arg11[%swap3A_162] {strides = array<i32>} : memref<10240xi32, #tpu.memory_space<vmem>>, vector<16xi32>,
        %swap3A_164 = vector.shape_cast %swap3A_163 : vector<16xi32> to vector<16xi32>
        %swap3A_165 = vector.shape_cast %select_n3A_161 : vector<16xi32> to vector<16xi32>
        tpu.vector_store %arg11[%swap3A_162], %swap3A_165 {strides = array<i32>} : memref<10240xi32, #tpu.memory_space<vmem>>, vector<16xi32>,
        %mul3A_166 = arith.constant 128 : i32
        %mul3A_167 = arith.muli %scan3A_86, %mul3A_166 : i32
        %add3A_168 = arith.constant 48 : i32
        %add3A_169 = arith.addi %mul3A_167, %add3A_168 : i32
        %get3A_170 = arith.index_cast %add3A_169 : i32 to index
        %get3A_171 = tpu.vector_load %arg7[%get3A_170] {strides = array<i32>} : memref<10240xi32, #tpu.memory_space<vmem>>, vector<16xi32>,
        %get3A_172 = vector.shape_cast %get3A_171 : vector<16xi32> to vector<16xi32>
        %sub3A_173 = arith.constant 0 : i32
        %sub3A_174 = vector.broadcast %sub3A_173 : i32 to vector<16xi32>
        %sub3A_175 = arith.subi %get3A_172, %sub3A_174 : vector<16xi32>
        %ge3A_176 = arith.constant 0 : i32
        %ge3A_177 = vector.broadcast %ge3A_176 : i32 to vector<16xi32>
        %ge3A_178 = arith.cmpi sge, %sub3A_175, %ge3A_177 : vector<16xi32>
        %lt3A_179 = arith.constant 10240 : i32
        %lt3A_180 = vector.broadcast %lt3A_179 : i32 to vector<16xi32>
        %lt3A_181 = arith.cmpi slt, %sub3A_175, %lt3A_180 : vector<16xi32>
        %and3A_182 = arith.andi %ge3A_178, %lt3A_181 : vector<16xi1>
        %and3A_183 = arith.constant 1023 : i32
        %and3A_184 = vector.broadcast %and3A_183 : i32 to vector<16xi32>
        %and3A_185 = arith.andi %get3A_172, %and3A_184 : vector<16xi32>
        %add3A_186 = arith.constant 10240 : i32
        %add3A_187 = vector.broadcast %add3A_186 : i32 to vector<16xi32>
        %add3A_188 = arith.addi %add3A_187, %and3A_185 : vector<16xi32>
        %select_n3A_189 = arith.select %and3A_182, %sub3A_175, %add3A_188 : vector<16xi1>, vector<16xi32>
        %swap3A_190 = arith.index_cast %add3A_169 : i32 to index
        %swap3A_191 = tpu.vector_load %arg11[%swap3A_190] {strides = array<i32>} : memref<10240xi32, #tpu.memory_space<vmem>>, vector<16xi32>,
        %swap3A_192 = vector.shape_cast %swap3A_191 : vector<16xi32> to vector<16xi32>
        %swap3A_193 = vector.shape_cast %select_n3A_189 : vector<16xi32> to vector<16xi32>
        tpu.vector_store %arg11[%swap3A_190], %swap3A_193 {strides = array<i32>} : memref<10240xi32, #tpu.memory_space<vmem>>, vector<16xi32>,
        %mul3A_194 = arith.constant 128 : i32
        %mul3A_195 = arith.muli %scan3A_86, %mul3A_194 : i32
        %add3A_196 = arith.constant 64 : i32
        %add3A_197 = arith.addi %mul3A_195, %add3A_196 : i32
        %get3A_198 = arith.index_cast %add3A_197 : i32 to index
        %get3A_199 = tpu.vector_load %arg7[%get3A_198] {strides = array<i32>} : memref<10240xi32, #tpu.memory_space<vmem>>, vector<16xi32>,
        %get3A_200 = vector.shape_cast %get3A_199 : vector<16xi32> to vector<16xi32>
        %sub3A_201 = arith.constant 0 : i32
        %sub3A_202 = vector.broadcast %sub3A_201 : i32 to vector<16xi32>
        %sub3A_203 = arith.subi %get3A_200, %sub3A_202 : vector<16xi32>
        %ge3A_204 = arith.constant 0 : i32
        %ge3A_205 = vector.broadcast %ge3A_204 : i32 to vector<16xi32>
        %ge3A_206 = arith.cmpi sge, %sub3A_203, %ge3A_205 : vector<16xi32>
        %lt3A_207 = arith.constant 10240 : i32
        %lt3A_208 = vector.broadcast %lt3A_207 : i32 to vector<16xi32>
        %lt3A_209 = arith.cmpi slt, %sub3A_203, %lt3A_208 : vector<16xi32>
        %and3A_210 = arith.andi %ge3A_206, %lt3A_209 : vector<16xi1>
        %and3A_211 = arith.constant 1023 : i32
        %and3A_212 = vector.broadcast %and3A_211 : i32 to vector<16xi32>
        %and3A_213 = arith.andi %get3A_200, %and3A_212 : vector<16xi32>
        %add3A_214 = arith.constant 10240 : i32
        %add3A_215 = vector.broadcast %add3A_214 : i32 to vector<16xi32>
        %add3A_216 = arith.addi %add3A_215, %and3A_213 : vector<16xi32>
        %select_n3A_217 = arith.select %and3A_210, %sub3A_203, %add3A_216 : vector<16xi1>, vector<16xi32>
        %swap3A_218 = arith.index_cast %add3A_197 : i32 to index
        %swap3A_219 = tpu.vector_load %arg11[%swap3A_218] {strides = array<i32>} : memref<10240xi32, #tpu.memory_space<vmem>>, vector<16xi32>,
        %swap3A_220 = vector.shape_cast %swap3A_219 : vector<16xi32> to vector<16xi32>
        %swap3A_221 = vector.shape_cast %select_n3A_217 : vector<16xi32> to vector<16xi32>
        tpu.vector_store %arg11[%swap3A_218], %swap3A_221 {strides = array<i32>} : memref<10240xi32, #tpu.memory_space<vmem>>, vector<16xi32>,
        %mul3A_222 = arith.constant 128 : i32
        %mul3A_223 = arith.muli %scan3A_86, %mul3A_222 : i32
        %add3A_224 = arith.constant 80 : i32
        %add3A_225 = arith.addi %mul3A_223, %add3A_224 : i32
        %get3A_226 = arith.index_cast %add3A_225 : i32 to index
        %get3A_227 = tpu.vector_load %arg7[%get3A_226] {strides = array<i32>} : memref<10240xi32, #tpu.memory_space<vmem>>, vector<16xi32>,
        %get3A_228 = vector.shape_cast %get3A_227 : vector<16xi32> to vector<16xi32>
        %sub3A_229 = arith.constant 0 : i32
        %sub3A_230 = vector.broadcast %sub3A_229 : i32 to vector<16xi32>
        %sub3A_231 = arith.subi %get3A_228, %sub3A_230 : vector<16xi32>
        %ge3A_232 = arith.constant 0 : i32
        %ge3A_233 = vector.broadcast %ge3A_232 : i32 to vector<16xi32>
        %ge3A_234 = arith.cmpi sge, %sub3A_231, %ge3A_233 : vector<16xi32>
        %lt3A_235 = arith.constant 10240 : i32
        %lt3A_236 = vector.broadcast %lt3A_235 : i32 to vector<16xi32>
        %lt3A_237 = arith.cmpi slt, %sub3A_231, %lt3A_236 : vector<16xi32>
        %and3A_238 = arith.andi %ge3A_234, %lt3A_237 : vector<16xi1>
        %and3A_239 = arith.constant 1023 : i32
        %and3A_240 = vector.broadcast %and3A_239 : i32 to vector<16xi32>
        %and3A_241 = arith.andi %get3A_228, %and3A_240 : vector<16xi32>
        %add3A_242 = arith.constant 10240 : i32
        %add3A_243 = vector.broadcast %add3A_242 : i32 to vector<16xi32>
        %add3A_244 = arith.addi %add3A_243, %and3A_241 : vector<16xi32>
        %select_n3A_245 = arith.select %and3A_238, %sub3A_231, %add3A_244 : vector<16xi1>, vector<16xi32>
        %swap3A_246 = arith.index_cast %add3A_225 : i32 to index
        %swap3A_247 = tpu.vector_load %arg11[%swap3A_246] {strides = array<i32>} : memref<10240xi32, #tpu.memory_space<vmem>>, vector<16xi32>,
        %swap3A_248 = vector.shape_cast %swap3A_247 : vector<16xi32> to vector<16xi32>
        %swap3A_249 = vector.shape_cast %select_n3A_245 : vector<16xi32> to vector<16xi32>
        tpu.vector_store %arg11[%swap3A_246], %swap3A_249 {strides = array<i32>} : memref<10240xi32, #tpu.memory_space<vmem>>, vector<16xi32>,
        %mul3A_250 = arith.constant 128 : i32
        %mul3A_251 = arith.muli %scan3A_86, %mul3A_250 : i32
        %add3A_252 = arith.constant 96 : i32
        %add3A_253 = arith.addi %mul3A_251, %add3A_252 : i32
        %get3A_254 = arith.index_cast %add3A_253 : i32 to index
        %get3A_255 = tpu.vector_load %arg7[%get3A_254] {strides = array<i32>} : memref<10240xi32, #tpu.memory_space<vmem>>, vector<16xi32>,
        %get3A_256 = vector.shape_cast %get3A_255 : vector<16xi32> to vector<16xi32>
        %sub3A_257 = arith.constant 0 : i32
        %sub3A_258 = vector.broadcast %sub3A_257 : i32 to vector<16xi32>
        %sub3A_259 = arith.subi %get3A_256, %sub3A_258 : vector<16xi32>
        %ge3A_260 = arith.constant 0 : i32
        %ge3A_261 = vector.broadcast %ge3A_260 : i32 to vector<16xi32>
        %ge3A_262 = arith.cmpi sge, %sub3A_259, %ge3A_261 : vector<16xi32>
        %lt3A_263 = arith.constant 10240 : i32
        %lt3A_264 = vector.broadcast %lt3A_263 : i32 to vector<16xi32>
        %lt3A_265 = arith.cmpi slt, %sub3A_259, %lt3A_264 : vector<16xi32>
        %and3A_266 = arith.andi %ge3A_262, %lt3A_265 : vector<16xi1>
        %and3A_267 = arith.constant 1023 : i32
        %and3A_268 = vector.broadcast %and3A_267 : i32 to vector<16xi32>
        %and3A_269 = arith.andi %get3A_256, %and3A_268 : vector<16xi32>
        %add3A_270 = arith.constant 10240 : i32
        %add3A_271 = vector.broadcast %add3A_270 : i32 to vector<16xi32>
        %add3A_272 = arith.addi %add3A_271, %and3A_269 : vector<16xi32>
        %select_n3A_273 = arith.select %and3A_266, %sub3A_259, %add3A_272 : vector<16xi1>, vector<16xi32>
        %swap3A_274 = arith.index_cast %add3A_253 : i32 to index
        %swap3A_275 = tpu.vector_load %arg11[%swap3A_274] {strides = array<i32>} : memref<10240xi32, #tpu.memory_space<vmem>>, vector<16xi32>,
        %swap3A_276 = vector.shape_cast %swap3A_275 : vector<16xi32> to vector<16xi32>
        %swap3A_277 = vector.shape_cast %select_n3A_273 : vector<16xi32> to vector<16xi32>
        tpu.vector_store %arg11[%swap3A_274], %swap3A_277 {strides = array<i32>} : memref<10240xi32, #tpu.memory_space<vmem>>, vector<16xi32>,
        %mul3A_278 = arith.constant 128 : i32
        %mul3A_279 = arith.muli %scan3A_86, %mul3A_278 : i32
        %add3A_280 = arith.constant 112 : i32
        %add3A_281 = arith.addi %mul3A_279, %add3A_280 : i32
        %get3A_282 = arith.index_cast %add3A_281 : i32 to index
        %get3A_283 = tpu.vector_load %arg7[%get3A_282] {strides = array<i32>} : memref<10240xi32, #tpu.memory_space<vmem>>, vector<16xi32>,
        %get3A_284 = vector.shape_cast %get3A_283 : vector<16xi32> to vector<16xi32>
        %sub3A_285 = arith.constant 0 : i32
        %sub3A_286 = vector.broadcast %sub3A_285 : i32 to vector<16xi32>
        %sub3A_287 = arith.subi %get3A_284, %sub3A_286 : vector<16xi32>
        %ge3A_288 = arith.constant 0 : i32
        %ge3A_289 = vector.broadcast %ge3A_288 : i32 to vector<16xi32>
        %ge3A_290 = arith.cmpi sge, %sub3A_287, %ge3A_289 : vector<16xi32>
        %lt3A_291 = arith.constant 10240 : i32
        %lt3A_292 = vector.broadcast %lt3A_291 : i32 to vector<16xi32>
        %lt3A_293 = arith.cmpi slt, %sub3A_287, %lt3A_292 : vector<16xi32>
        %and3A_294 = arith.andi %ge3A_290, %lt3A_293 : vector<16xi1>
        %and3A_295 = arith.constant 1023 : i32
        %and3A_296 = vector.broadcast %and3A_295 : i32 to vector<16xi32>
        %and3A_297 = arith.andi %get3A_284, %and3A_296 : vector<16xi32>
        %add3A_298 = arith.constant 10240 : i32
        %add3A_299 = vector.broadcast %add3A_298 : i32 to vector<16xi32>
        %add3A_300 = arith.addi %add3A_299, %and3A_297 : vector<16xi32>
        %select_n3A_301 = arith.select %and3A_294, %sub3A_287, %add3A_300 : vector<16xi1>, vector<16xi32>
        %swap3A_302 = arith.index_cast %add3A_281 : i32 to index
        %swap3A_303 = tpu.vector_load %arg11[%swap3A_302] {strides = array<i32>} : memref<10240xi32, #tpu.memory_space<vmem>>, vector<16xi32>,
        %swap3A_304 = vector.shape_cast %swap3A_303 : vector<16xi32> to vector<16xi32>
        %swap3A_305 = vector.shape_cast %select_n3A_301 : vector<16xi32> to vector<16xi32>
        tpu.vector_store %arg11[%swap3A_302], %swap3A_305 {strides = array<i32>} : memref<10240xi32, #tpu.memory_space<vmem>>, vector<16xi32>,
        %scan3A_306 = arith.constant 0 : i32
        scf.yield %scan3A_306 : i32
      }
      %scan3A_85 = arith.constant 80 : i32
    } else {
    }
    %eq3A_34 = arith.constant 1 : i32
    %eq3A_35 = arith.cmpi eq, %arg0, %eq3A_34 : i32
    %convert_element_type3A_36 = arith.extui %eq3A_35 : i1 to i32
    %cond3A_37 = arith.constant 0 : i32
    %cond3A_38 = arith.cmpi ne, %convert_element_type3A_36, %cond3A_37 : i32
    scf.if %cond3A_38 {
      %scan3A_79 = arith.constant 0 : i32
      %scan3A_80 = arith.constant 0 : i32
      %scan3A_81 = arith.constant 80 : i32
      %scan3A_82 = arith.addi %scan3A_80, %scan3A_81 : i32
      %scan3A_83 = arith.constant 1 : i32
      %scan3A_84 = scf.for %scan3A_86 = %scan3A_80 to %scan3A_82 step %scan3A_83 iter_args(%scan3A_87 = %scan3A_79) -> (i32)  : i32 {
        %mul3A_88 = arith.constant 128 : i32
        %mul3A_89 = arith.muli %scan3A_86, %mul3A_88 : i32
        %add3A_90 = arith.constant 0 : i32
        %add3A_91 = arith.addi %mul3A_89, %add3A_90 : i32
        %get3A = arith.index_cast %add3A_91 : i32 to index
        %get3A_92 = tpu.vector_load %arg8[%get3A] {strides = array<i32>} : memref<10240xi32, #tpu.memory_space<vmem>>, vector<16xi32>,
        %get3A_93 = vector.shape_cast %get3A_92 : vector<16xi32> to vector<16xi32>
        %sub3A = arith.constant 0 : i32
        %sub3A_94 = vector.broadcast %sub3A : i32 to vector<16xi32>
        %sub3A_95 = arith.subi %get3A_93, %sub3A_94 : vector<16xi32>
        %ge3A = arith.constant 0 : i32
        %ge3A_96 = vector.broadcast %ge3A : i32 to vector<16xi32>
        %ge3A_97 = arith.cmpi sge, %sub3A_95, %ge3A_96 : vector<16xi32>
        %lt3A = arith.constant 10240 : i32
        %lt3A_98 = vector.broadcast %lt3A : i32 to vector<16xi32>
        %lt3A_99 = arith.cmpi slt, %sub3A_95, %lt3A_98 : vector<16xi32>
        %and3A_100 = arith.andi %ge3A_97, %lt3A_99 : vector<16xi1>
        %and3A_101 = arith.constant 1023 : i32
        %and3A_102 = vector.broadcast %and3A_101 : i32 to vector<16xi32>
        %and3A_103 = arith.andi %get3A_93, %and3A_102 : vector<16xi32>
        %add3A_104 = arith.constant 10240 : i32
        %add3A_105 = vector.broadcast %add3A_104 : i32 to vector<16xi32>
        %add3A_106 = arith.addi %add3A_105, %and3A_103 : vector<16xi32>
        %select_n3A = arith.select %and3A_100, %sub3A_95, %add3A_106 : vector<16xi1>, vector<16xi32>
        %swap3A = arith.index_cast %add3A_91 : i32 to index
        %swap3A_107 = tpu.vector_load %arg11[%swap3A] {strides = array<i32>} : memref<10240xi32, #tpu.memory_space<vmem>>, vector<16xi32>,
        %swap3A_108 = vector.shape_cast %swap3A_107 : vector<16xi32> to vector<16xi32>
        %swap3A_109 = vector.shape_cast %select_n3A : vector<16xi32> to vector<16xi32>
        tpu.vector_store %arg11[%swap3A], %swap3A_109 {strides = array<i32>} : memref<10240xi32, #tpu.memory_space<vmem>>, vector<16xi32>,
        %mul3A_110 = arith.constant 128 : i32
        %mul3A_111 = arith.muli %scan3A_86, %mul3A_110 : i32
        %add3A_112 = arith.constant 16 : i32
        %add3A_113 = arith.addi %mul3A_111, %add3A_112 : i32
        %get3A_114 = arith.index_cast %add3A_113 : i32 to index
        %get3A_115 = tpu.vector_load %arg8[%get3A_114] {strides = array<i32>} : memref<10240xi32, #tpu.memory_space<vmem>>, vector<16xi32>,
        %get3A_116 = vector.shape_cast %get3A_115 : vector<16xi32> to vector<16xi32>
        %sub3A_117 = arith.constant 0 : i32
        %sub3A_118 = vector.broadcast %sub3A_117 : i32 to vector<16xi32>
        %sub3A_119 = arith.subi %get3A_116, %sub3A_118 : vector<16xi32>
        %ge3A_120 = arith.constant 0 : i32
        %ge3A_121 = vector.broadcast %ge3A_120 : i32 to vector<16xi32>
        %ge3A_122 = arith.cmpi sge, %sub3A_119, %ge3A_121 : vector<16xi32>
        %lt3A_123 = arith.constant 10240 : i32
        %lt3A_124 = vector.broadcast %lt3A_123 : i32 to vector<16xi32>
        %lt3A_125 = arith.cmpi slt, %sub3A_119, %lt3A_124 : vector<16xi32>
        %and3A_126 = arith.andi %ge3A_122, %lt3A_125 : vector<16xi1>
        %and3A_127 = arith.constant 1023 : i32
        %and3A_128 = vector.broadcast %and3A_127 : i32 to vector<16xi32>
        %and3A_129 = arith.andi %get3A_116, %and3A_128 : vector<16xi32>
        %add3A_130 = arith.constant 10240 : i32
        %add3A_131 = vector.broadcast %add3A_130 : i32 to vector<16xi32>
        %add3A_132 = arith.addi %add3A_131, %and3A_129 : vector<16xi32>
        %select_n3A_133 = arith.select %and3A_126, %sub3A_119, %add3A_132 : vector<16xi1>, vector<16xi32>
        %swap3A_134 = arith.index_cast %add3A_113 : i32 to index
        %swap3A_135 = tpu.vector_load %arg11[%swap3A_134] {strides = array<i32>} : memref<10240xi32, #tpu.memory_space<vmem>>, vector<16xi32>,
        %swap3A_136 = vector.shape_cast %swap3A_135 : vector<16xi32> to vector<16xi32>
        %swap3A_137 = vector.shape_cast %select_n3A_133 : vector<16xi32> to vector<16xi32>
        tpu.vector_store %arg11[%swap3A_134], %swap3A_137 {strides = array<i32>} : memref<10240xi32, #tpu.memory_space<vmem>>, vector<16xi32>,
        %mul3A_138 = arith.constant 128 : i32
        %mul3A_139 = arith.muli %scan3A_86, %mul3A_138 : i32
        %add3A_140 = arith.constant 32 : i32
        %add3A_141 = arith.addi %mul3A_139, %add3A_140 : i32
        %get3A_142 = arith.index_cast %add3A_141 : i32 to index
        %get3A_143 = tpu.vector_load %arg8[%get3A_142] {strides = array<i32>} : memref<10240xi32, #tpu.memory_space<vmem>>, vector<16xi32>,
        %get3A_144 = vector.shape_cast %get3A_143 : vector<16xi32> to vector<16xi32>
        %sub3A_145 = arith.constant 0 : i32
        %sub3A_146 = vector.broadcast %sub3A_145 : i32 to vector<16xi32>
        %sub3A_147 = arith.subi %get3A_144, %sub3A_146 : vector<16xi32>
        %ge3A_148 = arith.constant 0 : i32
        %ge3A_149 = vector.broadcast %ge3A_148 : i32 to vector<16xi32>
        %ge3A_150 = arith.cmpi sge, %sub3A_147, %ge3A_149 : vector<16xi32>
        %lt3A_151 = arith.constant 10240 : i32
        %lt3A_152 = vector.broadcast %lt3A_151 : i32 to vector<16xi32>
        %lt3A_153 = arith.cmpi slt, %sub3A_147, %lt3A_152 : vector<16xi32>
        %and3A_154 = arith.andi %ge3A_150, %lt3A_153 : vector<16xi1>
        %and3A_155 = arith.constant 1023 : i32
        %and3A_156 = vector.broadcast %and3A_155 : i32 to vector<16xi32>
        %and3A_157 = arith.andi %get3A_144, %and3A_156 : vector<16xi32>
        %add3A_158 = arith.constant 10240 : i32
        %add3A_159 = vector.broadcast %add3A_158 : i32 to vector<16xi32>
        %add3A_160 = arith.addi %add3A_159, %and3A_157 : vector<16xi32>
        %select_n3A_161 = arith.select %and3A_154, %sub3A_147, %add3A_160 : vector<16xi1>, vector<16xi32>
        %swap3A_162 = arith.index_cast %add3A_141 : i32 to index
        %swap3A_163 = tpu.vector_load %arg11[%swap3A_162] {strides = array<i32>} : memref<10240xi32, #tpu.memory_space<vmem>>, vector<16xi32>,
        %swap3A_164 = vector.shape_cast %swap3A_163 : vector<16xi32> to vector<16xi32>
        %swap3A_165 = vector.shape_cast %select_n3A_161 : vector<16xi32> to vector<16xi32>
        tpu.vector_store %arg11[%swap3A_162], %swap3A_165 {strides = array<i32>} : memref<10240xi32, #tpu.memory_space<vmem>>, vector<16xi32>,
        %mul3A_166 = arith.constant 128 : i32
        %mul3A_167 = arith.muli %scan3A_86, %mul3A_166 : i32
        %add3A_168 = arith.constant 48 : i32
        %add3A_169 = arith.addi %mul3A_167, %add3A_168 : i32
        %get3A_170 = arith.index_cast %add3A_169 : i32 to index
        %get3A_171 = tpu.vector_load %arg8[%get3A_170] {strides = array<i32>} : memref<10240xi32, #tpu.memory_space<vmem>>, vector<16xi32>,
        %get3A_172 = vector.shape_cast %get3A_171 : vector<16xi32> to vector<16xi32>
        %sub3A_173 = arith.constant 0 : i32
        %sub3A_174 = vector.broadcast %sub3A_173 : i32 to vector<16xi32>
        %sub3A_175 = arith.subi %get3A_172, %sub3A_174 : vector<16xi32>
        %ge3A_176 = arith.constant 0 : i32
        %ge3A_177 = vector.broadcast %ge3A_176 : i32 to vector<16xi32>
        %ge3A_178 = arith.cmpi sge, %sub3A_175, %ge3A_177 : vector<16xi32>
        %lt3A_179 = arith.constant 10240 : i32
        %lt3A_180 = vector.broadcast %lt3A_179 : i32 to vector<16xi32>
        %lt3A_181 = arith.cmpi slt, %sub3A_175, %lt3A_180 : vector<16xi32>
        %and3A_182 = arith.andi %ge3A_178, %lt3A_181 : vector<16xi1>
        %and3A_183 = arith.constant 1023 : i32
        %and3A_184 = vector.broadcast %and3A_183 : i32 to vector<16xi32>
        %and3A_185 = arith.andi %get3A_172, %and3A_184 : vector<16xi32>
        %add3A_186 = arith.constant 10240 : i32
        %add3A_187 = vector.broadcast %add3A_186 : i32 to vector<16xi32>
        %add3A_188 = arith.addi %add3A_187, %and3A_185 : vector<16xi32>
        %select_n3A_189 = arith.select %and3A_182, %sub3A_175, %add3A_188 : vector<16xi1>, vector<16xi32>
        %swap3A_190 = arith.index_cast %add3A_169 : i32 to index
        %swap3A_191 = tpu.vector_load %arg11[%swap3A_190] {strides = array<i32>} : memref<10240xi32, #tpu.memory_space<vmem>>, vector<16xi32>,
        %swap3A_192 = vector.shape_cast %swap3A_191 : vector<16xi32> to vector<16xi32>
        %swap3A_193 = vector.shape_cast %select_n3A_189 : vector<16xi32> to vector<16xi32>
        tpu.vector_store %arg11[%swap3A_190], %swap3A_193 {strides = array<i32>} : memref<10240xi32, #tpu.memory_space<vmem>>, vector<16xi32>,
        %mul3A_194 = arith.constant 128 : i32
        %mul3A_195 = arith.muli %scan3A_86, %mul3A_194 : i32
        %add3A_196 = arith.constant 64 : i32
        %add3A_197 = arith.addi %mul3A_195, %add3A_196 : i32
        %get3A_198 = arith.index_cast %add3A_197 : i32 to index
        %get3A_199 = tpu.vector_load %arg8[%get3A_198] {strides = array<i32>} : memref<10240xi32, #tpu.memory_space<vmem>>, vector<16xi32>,
        %get3A_200 = vector.shape_cast %get3A_199 : vector<16xi32> to vector<16xi32>
        %sub3A_201 = arith.constant 0 : i32
        %sub3A_202 = vector.broadcast %sub3A_201 : i32 to vector<16xi32>
        %sub3A_203 = arith.subi %get3A_200, %sub3A_202 : vector<16xi32>
        %ge3A_204 = arith.constant 0 : i32
        %ge3A_205 = vector.broadcast %ge3A_204 : i32 to vector<16xi32>
        %ge3A_206 = arith.cmpi sge, %sub3A_203, %ge3A_205 : vector<16xi32>
        %lt3A_207 = arith.constant 10240 : i32
        %lt3A_208 = vector.broadcast %lt3A_207 : i32 to vector<16xi32>
        %lt3A_209 = arith.cmpi slt, %sub3A_203, %lt3A_208 : vector<16xi32>
        %and3A_210 = arith.andi %ge3A_206, %lt3A_209 : vector<16xi1>
        %and3A_211 = arith.constant 1023 : i32
        %and3A_212 = vector.broadcast %and3A_211 : i32 to vector<16xi32>
        %and3A_213 = arith.andi %get3A_200, %and3A_212 : vector<16xi32>
        %add3A_214 = arith.constant 10240 : i32
        %add3A_215 = vector.broadcast %add3A_214 : i32 to vector<16xi32>
        %add3A_216 = arith.addi %add3A_215, %and3A_213 : vector<16xi32>
        %select_n3A_217 = arith.select %and3A_210, %sub3A_203, %add3A_216 : vector<16xi1>, vector<16xi32>
        %swap3A_218 = arith.index_cast %add3A_197 : i32 to index
        %swap3A_219 = tpu.vector_load %arg11[%swap3A_218] {strides = array<i32>} : memref<10240xi32, #tpu.memory_space<vmem>>, vector<16xi32>,
        %swap3A_220 = vector.shape_cast %swap3A_219 : vector<16xi32> to vector<16xi32>
        %swap3A_221 = vector.shape_cast %select_n3A_217 : vector<16xi32> to vector<16xi32>
        tpu.vector_store %arg11[%swap3A_218], %swap3A_221 {strides = array<i32>} : memref<10240xi32, #tpu.memory_space<vmem>>, vector<16xi32>,
        %mul3A_222 = arith.constant 128 : i32
        %mul3A_223 = arith.muli %scan3A_86, %mul3A_222 : i32
        %add3A_224 = arith.constant 80 : i32
        %add3A_225 = arith.addi %mul3A_223, %add3A_224 : i32
        %get3A_226 = arith.index_cast %add3A_225 : i32 to index
        %get3A_227 = tpu.vector_load %arg8[%get3A_226] {strides = array<i32>} : memref<10240xi32, #tpu.memory_space<vmem>>, vector<16xi32>,
        %get3A_228 = vector.shape_cast %get3A_227 : vector<16xi32> to vector<16xi32>
        %sub3A_229 = arith.constant 0 : i32
        %sub3A_230 = vector.broadcast %sub3A_229 : i32 to vector<16xi32>
        %sub3A_231 = arith.subi %get3A_228, %sub3A_230 : vector<16xi32>
        %ge3A_232 = arith.constant 0 : i32
        %ge3A_233 = vector.broadcast %ge3A_232 : i32 to vector<16xi32>
        %ge3A_234 = arith.cmpi sge, %sub3A_231, %ge3A_233 : vector<16xi32>
        %lt3A_235 = arith.constant 10240 : i32
        %lt3A_236 = vector.broadcast %lt3A_235 : i32 to vector<16xi32>
        %lt3A_237 = arith.cmpi slt, %sub3A_231, %lt3A_236 : vector<16xi32>
        %and3A_238 = arith.andi %ge3A_234, %lt3A_237 : vector<16xi1>
        %and3A_239 = arith.constant 1023 : i32
        %and3A_240 = vector.broadcast %and3A_239 : i32 to vector<16xi32>
        %and3A_241 = arith.andi %get3A_228, %and3A_240 : vector<16xi32>
        %add3A_242 = arith.constant 10240 : i32
        %add3A_243 = vector.broadcast %add3A_242 : i32 to vector<16xi32>
        %add3A_244 = arith.addi %add3A_243, %and3A_241 : vector<16xi32>
        %select_n3A_245 = arith.select %and3A_238, %sub3A_231, %add3A_244 : vector<16xi1>, vector<16xi32>
        %swap3A_246 = arith.index_cast %add3A_225 : i32 to index
        %swap3A_247 = tpu.vector_load %arg11[%swap3A_246] {strides = array<i32>} : memref<10240xi32, #tpu.memory_space<vmem>>, vector<16xi32>,
        %swap3A_248 = vector.shape_cast %swap3A_247 : vector<16xi32> to vector<16xi32>
        %swap3A_249 = vector.shape_cast %select_n3A_245 : vector<16xi32> to vector<16xi32>
        tpu.vector_store %arg11[%swap3A_246], %swap3A_249 {strides = array<i32>} : memref<10240xi32, #tpu.memory_space<vmem>>, vector<16xi32>,
        %mul3A_250 = arith.constant 128 : i32
        %mul3A_251 = arith.muli %scan3A_86, %mul3A_250 : i32
        %add3A_252 = arith.constant 96 : i32
        %add3A_253 = arith.addi %mul3A_251, %add3A_252 : i32
        %get3A_254 = arith.index_cast %add3A_253 : i32 to index
        %get3A_255 = tpu.vector_load %arg8[%get3A_254] {strides = array<i32>} : memref<10240xi32, #tpu.memory_space<vmem>>, vector<16xi32>,
        %get3A_256 = vector.shape_cast %get3A_255 : vector<16xi32> to vector<16xi32>
        %sub3A_257 = arith.constant 0 : i32
        %sub3A_258 = vector.broadcast %sub3A_257 : i32 to vector<16xi32>
        %sub3A_259 = arith.subi %get3A_256, %sub3A_258 : vector<16xi32>
        %ge3A_260 = arith.constant 0 : i32
        %ge3A_261 = vector.broadcast %ge3A_260 : i32 to vector<16xi32>
        %ge3A_262 = arith.cmpi sge, %sub3A_259, %ge3A_261 : vector<16xi32>
        %lt3A_263 = arith.constant 10240 : i32
        %lt3A_264 = vector.broadcast %lt3A_263 : i32 to vector<16xi32>
        %lt3A_265 = arith.cmpi slt, %sub3A_259, %lt3A_264 : vector<16xi32>
        %and3A_266 = arith.andi %ge3A_262, %lt3A_265 : vector<16xi1>
        %and3A_267 = arith.constant 1023 : i32
        %and3A_268 = vector.broadcast %and3A_267 : i32 to vector<16xi32>
        %and3A_269 = arith.andi %get3A_256, %and3A_268 : vector<16xi32>
        %add3A_270 = arith.constant 10240 : i32
        %add3A_271 = vector.broadcast %add3A_270 : i32 to vector<16xi32>
        %add3A_272 = arith.addi %add3A_271, %and3A_269 : vector<16xi32>
        %select_n3A_273 = arith.select %and3A_266, %sub3A_259, %add3A_272 : vector<16xi1>, vector<16xi32>
        %swap3A_274 = arith.index_cast %add3A_253 : i32 to index
        %swap3A_275 = tpu.vector_load %arg11[%swap3A_274] {strides = array<i32>} : memref<10240xi32, #tpu.memory_space<vmem>>, vector<16xi32>,
        %swap3A_276 = vector.shape_cast %swap3A_275 : vector<16xi32> to vector<16xi32>
        %swap3A_277 = vector.shape_cast %select_n3A_273 : vector<16xi32> to vector<16xi32>
        tpu.vector_store %arg11[%swap3A_274], %swap3A_277 {strides = array<i32>} : memref<10240xi32, #tpu.memory_space<vmem>>, vector<16xi32>,
        %mul3A_278 = arith.constant 128 : i32
        %mul3A_279 = arith.muli %scan3A_86, %mul3A_278 : i32
        %add3A_280 = arith.constant 112 : i32
        %add3A_281 = arith.addi %mul3A_279, %add3A_280 : i32
        %get3A_282 = arith.index_cast %add3A_281 : i32 to index
        %get3A_283 = tpu.vector_load %arg8[%get3A_282] {strides = array<i32>} : memref<10240xi32, #tpu.memory_space<vmem>>, vector<16xi32>,
        %get3A_284 = vector.shape_cast %get3A_283 : vector<16xi32> to vector<16xi32>
        %sub3A_285 = arith.constant 0 : i32
        %sub3A_286 = vector.broadcast %sub3A_285 : i32 to vector<16xi32>
        %sub3A_287 = arith.subi %get3A_284, %sub3A_286 : vector<16xi32>
        %ge3A_288 = arith.constant 0 : i32
        %ge3A_289 = vector.broadcast %ge3A_288 : i32 to vector<16xi32>
        %ge3A_290 = arith.cmpi sge, %sub3A_287, %ge3A_289 : vector<16xi32>
        %lt3A_291 = arith.constant 10240 : i32
        %lt3A_292 = vector.broadcast %lt3A_291 : i32 to vector<16xi32>
        %lt3A_293 = arith.cmpi slt, %sub3A_287, %lt3A_292 : vector<16xi32>
        %and3A_294 = arith.andi %ge3A_290, %lt3A_293 : vector<16xi1>
        %and3A_295 = arith.constant 1023 : i32
        %and3A_296 = vector.broadcast %and3A_295 : i32 to vector<16xi32>
        %and3A_297 = arith.andi %get3A_284, %and3A_296 : vector<16xi32>
        %add3A_298 = arith.constant 10240 : i32
        %add3A_299 = vector.broadcast %add3A_298 : i32 to vector<16xi32>
        %add3A_300 = arith.addi %add3A_299, %and3A_297 : vector<16xi32>
        %select_n3A_301 = arith.select %and3A_294, %sub3A_287, %add3A_300 : vector<16xi1>, vector<16xi32>
        %swap3A_302 = arith.index_cast %add3A_281 : i32 to index
        %swap3A_303 = tpu.vector_load %arg11[%swap3A_302] {strides = array<i32>} : memref<10240xi32, #tpu.memory_space<vmem>>, vector<16xi32>,
        %swap3A_304 = vector.shape_cast %swap3A_303 : vector<16xi32> to vector<16xi32>
        %swap3A_305 = vector.shape_cast %select_n3A_301 : vector<16xi32> to vector<16xi32>
        tpu.vector_store %arg11[%swap3A_302], %swap3A_305 {strides = array<i32>} : memref<10240xi32, #tpu.memory_space<vmem>>, vector<16xi32>,
        %scan3A_306 = arith.constant 0 : i32
        scf.yield %scan3A_306 : i32
      }
      %scan3A_85 = arith.constant 80 : i32
    } else {
    }
    "tpu.region"() ({
      %run_scoped3A = tpu.sem_alloc : memref<!tpu.dma_semaphore, #tpu.memory_space<semaphore_mem>>
      %dma_start3A = arith.constant 0 : i32
      %dma_start3A_79 = tpu.memref_slice %arg14[%dma_start3A] : memref<11264xf32, #tpu.memory_space<vmem_shared>> -> memref<11264xf32, #tpu.memory_space<vmem_shared>>
      tpu.enqueue_indirect_dma source(%arg12 : memref<10240xf32, #tpu.memory_space<vmem>>) target(%dma_start3A_79 : memref<11264xf32, #tpu.memory_space<vmem_shared>>) offsets(%arg11 : memref<10240xi32, #tpu.memory_space<vmem>>) semaphore(%run_scoped3A : memref<!tpu.dma_semaphore, #tpu.memory_space<semaphore_mem>>) {add = true}
      %dma_wait3A = arith.constant 0 : i32
      %dma_wait3A_80 = tpu.memref_slice %arg14[%dma_wait3A] : memref<11264xf32, #tpu.memory_space<vmem_shared>> -> memref<11264xf32, #tpu.memory_space<vmem_shared>>
      tpu.wait_indirect_dma semaphore(%run_scoped3A : memref<!tpu.dma_semaphore, #tpu.memory_space<semaphore_mem>>) src(%arg12 : memref<10240xf32, #tpu.memory_space<vmem>>) dst(%dma_wait3A_80 : memref<11264xf32, #tpu.memory_space<vmem_shared>>)
      tpu.yield
    }) : () -> ()
    %eq3A_39 = arith.constant 0 : i32
    %eq3A_40 = arith.cmpi eq, %arg0, %eq3A_39 : i32
    %convert_element_type3A_41 = arith.extui %eq3A_40 : i1 to i32
    %cond3A_42 = arith.constant 0 : i32
    %cond3A_43 = arith.cmpi ne, %convert_element_type3A_41, %cond3A_42 : i32
    scf.if %cond3A_43 {
      %scan3A_79 = arith.constant 0 : i32
      %scan3A_80 = arith.constant 0 : i32
      %scan3A_81 = arith.constant 80 : i32
      %scan3A_82 = arith.addi %scan3A_80, %scan3A_81 : i32
      %scan3A_83 = arith.constant 1 : i32
      %scan3A_84 = scf.for %scan3A_86 = %scan3A_80 to %scan3A_82 step %scan3A_83 iter_args(%scan3A_87 = %scan3A_79) -> (i32)  : i32 {
        %mul3A_88 = arith.constant 128 : i32
        %mul3A_89 = arith.muli %scan3A_86, %mul3A_88 : i32
        %add3A_90 = arith.constant 0 : i32
        %add3A_91 = arith.addi %mul3A_89, %add3A_90 : i32
        %get3A = arith.index_cast %add3A_91 : i32 to index
        %get3A_92 = tpu.vector_load %arg9[%get3A] {strides = array<i32>} : memref<10240xi32, #tpu.memory_space<vmem>>, vector<16xi32>,
        %get3A_93 = vector.shape_cast %get3A_92 : vector<16xi32> to vector<16xi32>
        %sub3A = arith.constant 0 : i32
        %sub3A_94 = vector.broadcast %sub3A : i32 to vector<16xi32>
        %sub3A_95 = arith.subi %get3A_93, %sub3A_94 : vector<16xi32>
        %ge3A = arith.constant 0 : i32
        %ge3A_96 = vector.broadcast %ge3A : i32 to vector<16xi32>
        %ge3A_97 = arith.cmpi sge, %sub3A_95, %ge3A_96 : vector<16xi32>
        %lt3A = arith.constant 10240 : i32
        %lt3A_98 = vector.broadcast %lt3A : i32 to vector<16xi32>
        %lt3A_99 = arith.cmpi slt, %sub3A_95, %lt3A_98 : vector<16xi32>
        %and3A_100 = arith.andi %ge3A_97, %lt3A_99 : vector<16xi1>
        %and3A_101 = arith.constant 1023 : i32
        %and3A_102 = vector.broadcast %and3A_101 : i32 to vector<16xi32>
        %and3A_103 = arith.andi %get3A_93, %and3A_102 : vector<16xi32>
        %add3A_104 = arith.constant 10240 : i32
        %add3A_105 = vector.broadcast %add3A_104 : i32 to vector<16xi32>
        %add3A_106 = arith.addi %add3A_105, %and3A_103 : vector<16xi32>
        %select_n3A = arith.select %and3A_100, %sub3A_95, %add3A_106 : vector<16xi1>, vector<16xi32>
        %swap3A = arith.index_cast %add3A_91 : i32 to index
        %swap3A_107 = tpu.vector_load %arg11[%swap3A] {strides = array<i32>} : memref<10240xi32, #tpu.memory_space<vmem>>, vector<16xi32>,
        %swap3A_108 = vector.shape_cast %swap3A_107 : vector<16xi32> to vector<16xi32>
        %swap3A_109 = vector.shape_cast %select_n3A : vector<16xi32> to vector<16xi32>
        tpu.vector_store %arg11[%swap3A], %swap3A_109 {strides = array<i32>} : memref<10240xi32, #tpu.memory_space<vmem>>, vector<16xi32>,
        %mul3A_110 = arith.constant 128 : i32
        %mul3A_111 = arith.muli %scan3A_86, %mul3A_110 : i32
        %add3A_112 = arith.constant 16 : i32
        %add3A_113 = arith.addi %mul3A_111, %add3A_112 : i32
        %get3A_114 = arith.index_cast %add3A_113 : i32 to index
        %get3A_115 = tpu.vector_load %arg9[%get3A_114] {strides = array<i32>} : memref<10240xi32, #tpu.memory_space<vmem>>, vector<16xi32>,
        %get3A_116 = vector.shape_cast %get3A_115 : vector<16xi32> to vector<16xi32>
        %sub3A_117 = arith.constant 0 : i32
        %sub3A_118 = vector.broadcast %sub3A_117 : i32 to vector<16xi32>
        %sub3A_119 = arith.subi %get3A_116, %sub3A_118 : vector<16xi32>
        %ge3A_120 = arith.constant 0 : i32
        %ge3A_121 = vector.broadcast %ge3A_120 : i32 to vector<16xi32>
        %ge3A_122 = arith.cmpi sge, %sub3A_119, %ge3A_121 : vector<16xi32>
        %lt3A_123 = arith.constant 10240 : i32
        %lt3A_124 = vector.broadcast %lt3A_123 : i32 to vector<16xi32>
        %lt3A_125 = arith.cmpi slt, %sub3A_119, %lt3A_124 : vector<16xi32>
        %and3A_126 = arith.andi %ge3A_122, %lt3A_125 : vector<16xi1>
        %and3A_127 = arith.constant 1023 : i32
        %and3A_128 = vector.broadcast %and3A_127 : i32 to vector<16xi32>
        %and3A_129 = arith.andi %get3A_116, %and3A_128 : vector<16xi32>
        %add3A_130 = arith.constant 10240 : i32
        %add3A_131 = vector.broadcast %add3A_130 : i32 to vector<16xi32>
        %add3A_132 = arith.addi %add3A_131, %and3A_129 : vector<16xi32>
        %select_n3A_133 = arith.select %and3A_126, %sub3A_119, %add3A_132 : vector<16xi1>, vector<16xi32>
        %swap3A_134 = arith.index_cast %add3A_113 : i32 to index
        %swap3A_135 = tpu.vector_load %arg11[%swap3A_134] {strides = array<i32>} : memref<10240xi32, #tpu.memory_space<vmem>>, vector<16xi32>,
        %swap3A_136 = vector.shape_cast %swap3A_135 : vector<16xi32> to vector<16xi32>
        %swap3A_137 = vector.shape_cast %select_n3A_133 : vector<16xi32> to vector<16xi32>
        tpu.vector_store %arg11[%swap3A_134], %swap3A_137 {strides = array<i32>} : memref<10240xi32, #tpu.memory_space<vmem>>, vector<16xi32>,
        %mul3A_138 = arith.constant 128 : i32
        %mul3A_139 = arith.muli %scan3A_86, %mul3A_138 : i32
        %add3A_140 = arith.constant 32 : i32
        %add3A_141 = arith.addi %mul3A_139, %add3A_140 : i32
        %get3A_142 = arith.index_cast %add3A_141 : i32 to index
        %get3A_143 = tpu.vector_load %arg9[%get3A_142] {strides = array<i32>} : memref<10240xi32, #tpu.memory_space<vmem>>, vector<16xi32>,
        %get3A_144 = vector.shape_cast %get3A_143 : vector<16xi32> to vector<16xi32>
        %sub3A_145 = arith.constant 0 : i32
        %sub3A_146 = vector.broadcast %sub3A_145 : i32 to vector<16xi32>
        %sub3A_147 = arith.subi %get3A_144, %sub3A_146 : vector<16xi32>
        %ge3A_148 = arith.constant 0 : i32
        %ge3A_149 = vector.broadcast %ge3A_148 : i32 to vector<16xi32>
        %ge3A_150 = arith.cmpi sge, %sub3A_147, %ge3A_149 : vector<16xi32>
        %lt3A_151 = arith.constant 10240 : i32
        %lt3A_152 = vector.broadcast %lt3A_151 : i32 to vector<16xi32>
        %lt3A_153 = arith.cmpi slt, %sub3A_147, %lt3A_152 : vector<16xi32>
        %and3A_154 = arith.andi %ge3A_150, %lt3A_153 : vector<16xi1>
        %and3A_155 = arith.constant 1023 : i32
        %and3A_156 = vector.broadcast %and3A_155 : i32 to vector<16xi32>
        %and3A_157 = arith.andi %get3A_144, %and3A_156 : vector<16xi32>
        %add3A_158 = arith.constant 10240 : i32
        %add3A_159 = vector.broadcast %add3A_158 : i32 to vector<16xi32>
        %add3A_160 = arith.addi %add3A_159, %and3A_157 : vector<16xi32>
        %select_n3A_161 = arith.select %and3A_154, %sub3A_147, %add3A_160 : vector<16xi1>, vector<16xi32>
        %swap3A_162 = arith.index_cast %add3A_141 : i32 to index
        %swap3A_163 = tpu.vector_load %arg11[%swap3A_162] {strides = array<i32>} : memref<10240xi32, #tpu.memory_space<vmem>>, vector<16xi32>,
        %swap3A_164 = vector.shape_cast %swap3A_163 : vector<16xi32> to vector<16xi32>
        %swap3A_165 = vector.shape_cast %select_n3A_161 : vector<16xi32> to vector<16xi32>
        tpu.vector_store %arg11[%swap3A_162], %swap3A_165 {strides = array<i32>} : memref<10240xi32, #tpu.memory_space<vmem>>, vector<16xi32>,
        %mul3A_166 = arith.constant 128 : i32
        %mul3A_167 = arith.muli %scan3A_86, %mul3A_166 : i32
        %add3A_168 = arith.constant 48 : i32
        %add3A_169 = arith.addi %mul3A_167, %add3A_168 : i32
        %get3A_170 = arith.index_cast %add3A_169 : i32 to index
        %get3A_171 = tpu.vector_load %arg9[%get3A_170] {strides = array<i32>} : memref<10240xi32, #tpu.memory_space<vmem>>, vector<16xi32>,
        %get3A_172 = vector.shape_cast %get3A_171 : vector<16xi32> to vector<16xi32>
        %sub3A_173 = arith.constant 0 : i32
        %sub3A_174 = vector.broadcast %sub3A_173 : i32 to vector<16xi32>
        %sub3A_175 = arith.subi %get3A_172, %sub3A_174 : vector<16xi32>
        %ge3A_176 = arith.constant 0 : i32
        %ge3A_177 = vector.broadcast %ge3A_176 : i32 to vector<16xi32>
        %ge3A_178 = arith.cmpi sge, %sub3A_175, %ge3A_177 : vector<16xi32>
        %lt3A_179 = arith.constant 10240 : i32
        %lt3A_180 = vector.broadcast %lt3A_179 : i32 to vector<16xi32>
        %lt3A_181 = arith.cmpi slt, %sub3A_175, %lt3A_180 : vector<16xi32>
        %and3A_182 = arith.andi %ge3A_178, %lt3A_181 : vector<16xi1>
        %and3A_183 = arith.constant 1023 : i32
        %and3A_184 = vector.broadcast %and3A_183 : i32 to vector<16xi32>
        %and3A_185 = arith.andi %get3A_172, %and3A_184 : vector<16xi32>
        %add3A_186 = arith.constant 10240 : i32
        %add3A_187 = vector.broadcast %add3A_186 : i32 to vector<16xi32>
        %add3A_188 = arith.addi %add3A_187, %and3A_185 : vector<16xi32>
        %select_n3A_189 = arith.select %and3A_182, %sub3A_175, %add3A_188 : vector<16xi1>, vector<16xi32>
        %swap3A_190 = arith.index_cast %add3A_169 : i32 to index
        %swap3A_191 = tpu.vector_load %arg11[%swap3A_190] {strides = array<i32>} : memref<10240xi32, #tpu.memory_space<vmem>>, vector<16xi32>,
        %swap3A_192 = vector.shape_cast %swap3A_191 : vector<16xi32> to vector<16xi32>
        %swap3A_193 = vector.shape_cast %select_n3A_189 : vector<16xi32> to vector<16xi32>
        tpu.vector_store %arg11[%swap3A_190], %swap3A_193 {strides = array<i32>} : memref<10240xi32, #tpu.memory_space<vmem>>, vector<16xi32>,
        %mul3A_194 = arith.constant 128 : i32
        %mul3A_195 = arith.muli %scan3A_86, %mul3A_194 : i32
        %add3A_196 = arith.constant 64 : i32
        %add3A_197 = arith.addi %mul3A_195, %add3A_196 : i32
        %get3A_198 = arith.index_cast %add3A_197 : i32 to index
        %get3A_199 = tpu.vector_load %arg9[%get3A_198] {strides = array<i32>} : memref<10240xi32, #tpu.memory_space<vmem>>, vector<16xi32>,
        %get3A_200 = vector.shape_cast %get3A_199 : vector<16xi32> to vector<16xi32>
        %sub3A_201 = arith.constant 0 : i32
        %sub3A_202 = vector.broadcast %sub3A_201 : i32 to vector<16xi32>
        %sub3A_203 = arith.subi %get3A_200, %sub3A_202 : vector<16xi32>
        %ge3A_204 = arith.constant 0 : i32
        %ge3A_205 = vector.broadcast %ge3A_204 : i32 to vector<16xi32>
        %ge3A_206 = arith.cmpi sge, %sub3A_203, %ge3A_205 : vector<16xi32>
        %lt3A_207 = arith.constant 10240 : i32
        %lt3A_208 = vector.broadcast %lt3A_207 : i32 to vector<16xi32>
        %lt3A_209 = arith.cmpi slt, %sub3A_203, %lt3A_208 : vector<16xi32>
        %and3A_210 = arith.andi %ge3A_206, %lt3A_209 : vector<16xi1>
        %and3A_211 = arith.constant 1023 : i32
        %and3A_212 = vector.broadcast %and3A_211 : i32 to vector<16xi32>
        %and3A_213 = arith.andi %get3A_200, %and3A_212 : vector<16xi32>
        %add3A_214 = arith.constant 10240 : i32
        %add3A_215 = vector.broadcast %add3A_214 : i32 to vector<16xi32>
        %add3A_216 = arith.addi %add3A_215, %and3A_213 : vector<16xi32>
        %select_n3A_217 = arith.select %and3A_210, %sub3A_203, %add3A_216 : vector<16xi1>, vector<16xi32>
        %swap3A_218 = arith.index_cast %add3A_197 : i32 to index
        %swap3A_219 = tpu.vector_load %arg11[%swap3A_218] {strides = array<i32>} : memref<10240xi32, #tpu.memory_space<vmem>>, vector<16xi32>,
        %swap3A_220 = vector.shape_cast %swap3A_219 : vector<16xi32> to vector<16xi32>
        %swap3A_221 = vector.shape_cast %select_n3A_217 : vector<16xi32> to vector<16xi32>
        tpu.vector_store %arg11[%swap3A_218], %swap3A_221 {strides = array<i32>} : memref<10240xi32, #tpu.memory_space<vmem>>, vector<16xi32>,
        %mul3A_222 = arith.constant 128 : i32
        %mul3A_223 = arith.muli %scan3A_86, %mul3A_222 : i32
        %add3A_224 = arith.constant 80 : i32
        %add3A_225 = arith.addi %mul3A_223, %add3A_224 : i32
        %get3A_226 = arith.index_cast %add3A_225 : i32 to index
        %get3A_227 = tpu.vector_load %arg9[%get3A_226] {strides = array<i32>} : memref<10240xi32, #tpu.memory_space<vmem>>, vector<16xi32>,
        %get3A_228 = vector.shape_cast %get3A_227 : vector<16xi32> to vector<16xi32>
        %sub3A_229 = arith.constant 0 : i32
        %sub3A_230 = vector.broadcast %sub3A_229 : i32 to vector<16xi32>
        %sub3A_231 = arith.subi %get3A_228, %sub3A_230 : vector<16xi32>
        %ge3A_232 = arith.constant 0 : i32
        %ge3A_233 = vector.broadcast %ge3A_232 : i32 to vector<16xi32>
        %ge3A_234 = arith.cmpi sge, %sub3A_231, %ge3A_233 : vector<16xi32>
        %lt3A_235 = arith.constant 10240 : i32
        %lt3A_236 = vector.broadcast %lt3A_235 : i32 to vector<16xi32>
        %lt3A_237 = arith.cmpi slt, %sub3A_231, %lt3A_236 : vector<16xi32>
        %and3A_238 = arith.andi %ge3A_234, %lt3A_237 : vector<16xi1>
        %and3A_239 = arith.constant 1023 : i32
        %and3A_240 = vector.broadcast %and3A_239 : i32 to vector<16xi32>
        %and3A_241 = arith.andi %get3A_228, %and3A_240 : vector<16xi32>
        %add3A_242 = arith.constant 10240 : i32
        %add3A_243 = vector.broadcast %add3A_242 : i32 to vector<16xi32>
        %add3A_244 = arith.addi %add3A_243, %and3A_241 : vector<16xi32>
        %select_n3A_245 = arith.select %and3A_238, %sub3A_231, %add3A_244 : vector<16xi1>, vector<16xi32>
        %swap3A_246 = arith.index_cast %add3A_225 : i32 to index
        %swap3A_247 = tpu.vector_load %arg11[%swap3A_246] {strides = array<i32>} : memref<10240xi32, #tpu.memory_space<vmem>>, vector<16xi32>,
        %swap3A_248 = vector.shape_cast %swap3A_247 : vector<16xi32> to vector<16xi32>
        %swap3A_249 = vector.shape_cast %select_n3A_245 : vector<16xi32> to vector<16xi32>
        tpu.vector_store %arg11[%swap3A_246], %swap3A_249 {strides = array<i32>} : memref<10240xi32, #tpu.memory_space<vmem>>, vector<16xi32>,
        %mul3A_250 = arith.constant 128 : i32
        %mul3A_251 = arith.muli %scan3A_86, %mul3A_250 : i32
        %add3A_252 = arith.constant 96 : i32
        %add3A_253 = arith.addi %mul3A_251, %add3A_252 : i32
        %get3A_254 = arith.index_cast %add3A_253 : i32 to index
        %get3A_255 = tpu.vector_load %arg9[%get3A_254] {strides = array<i32>} : memref<10240xi32, #tpu.memory_space<vmem>>, vector<16xi32>,
        %get3A_256 = vector.shape_cast %get3A_255 : vector<16xi32> to vector<16xi32>
        %sub3A_257 = arith.constant 0 : i32
        %sub3A_258 = vector.broadcast %sub3A_257 : i32 to vector<16xi32>
        %sub3A_259 = arith.subi %get3A_256, %sub3A_258 : vector<16xi32>
        %ge3A_260 = arith.constant 0 : i32
        %ge3A_261 = vector.broadcast %ge3A_260 : i32 to vector<16xi32>
        %ge3A_262 = arith.cmpi sge, %sub3A_259, %ge3A_261 : vector<16xi32>
        %lt3A_263 = arith.constant 10240 : i32
        %lt3A_264 = vector.broadcast %lt3A_263 : i32 to vector<16xi32>
        %lt3A_265 = arith.cmpi slt, %sub3A_259, %lt3A_264 : vector<16xi32>
        %and3A_266 = arith.andi %ge3A_262, %lt3A_265 : vector<16xi1>
        %and3A_267 = arith.constant 1023 : i32
        %and3A_268 = vector.broadcast %and3A_267 : i32 to vector<16xi32>
        %and3A_269 = arith.andi %get3A_256, %and3A_268 : vector<16xi32>
        %add3A_270 = arith.constant 10240 : i32
        %add3A_271 = vector.broadcast %add3A_270 : i32 to vector<16xi32>
        %add3A_272 = arith.addi %add3A_271, %and3A_269 : vector<16xi32>
        %select_n3A_273 = arith.select %and3A_266, %sub3A_259, %add3A_272 : vector<16xi1>, vector<16xi32>
        %swap3A_274 = arith.index_cast %add3A_253 : i32 to index
        %swap3A_275 = tpu.vector_load %arg11[%swap3A_274] {strides = array<i32>} : memref<10240xi32, #tpu.memory_space<vmem>>, vector<16xi32>,
        %swap3A_276 = vector.shape_cast %swap3A_275 : vector<16xi32> to vector<16xi32>
        %swap3A_277 = vector.shape_cast %select_n3A_273 : vector<16xi32> to vector<16xi32>
        tpu.vector_store %arg11[%swap3A_274], %swap3A_277 {strides = array<i32>} : memref<10240xi32, #tpu.memory_space<vmem>>, vector<16xi32>,
        %mul3A_278 = arith.constant 128 : i32
        %mul3A_279 = arith.muli %scan3A_86, %mul3A_278 : i32
        %add3A_280 = arith.constant 112 : i32
        %add3A_281 = arith.addi %mul3A_279, %add3A_280 : i32
        %get3A_282 = arith.index_cast %add3A_281 : i32 to index
        %get3A_283 = tpu.vector_load %arg9[%get3A_282] {strides = array<i32>} : memref<10240xi32, #tpu.memory_space<vmem>>, vector<16xi32>,
        %get3A_284 = vector.shape_cast %get3A_283 : vector<16xi32> to vector<16xi32>
        %sub3A_285 = arith.constant 0 : i32
        %sub3A_286 = vector.broadcast %sub3A_285 : i32 to vector<16xi32>
        %sub3A_287 = arith.subi %get3A_284, %sub3A_286 : vector<16xi32>
        %ge3A_288 = arith.constant 0 : i32
        %ge3A_289 = vector.broadcast %ge3A_288 : i32 to vector<16xi32>
        %ge3A_290 = arith.cmpi sge, %sub3A_287, %ge3A_289 : vector<16xi32>
        %lt3A_291 = arith.constant 10240 : i32
        %lt3A_292 = vector.broadcast %lt3A_291 : i32 to vector<16xi32>
        %lt3A_293 = arith.cmpi slt, %sub3A_287, %lt3A_292 : vector<16xi32>
        %and3A_294 = arith.andi %ge3A_290, %lt3A_293 : vector<16xi1>
        %and3A_295 = arith.constant 1023 : i32
        %and3A_296 = vector.broadcast %and3A_295 : i32 to vector<16xi32>
        %and3A_297 = arith.andi %get3A_284, %and3A_296 : vector<16xi32>
        %add3A_298 = arith.constant 10240 : i32
        %add3A_299 = vector.broadcast %add3A_298 : i32 to vector<16xi32>
        %add3A_300 = arith.addi %add3A_299, %and3A_297 : vector<16xi32>
        %select_n3A_301 = arith.select %and3A_294, %sub3A_287, %add3A_300 : vector<16xi1>, vector<16xi32>
        %swap3A_302 = arith.index_cast %add3A_281 : i32 to index
        %swap3A_303 = tpu.vector_load %arg11[%swap3A_302] {strides = array<i32>} : memref<10240xi32, #tpu.memory_space<vmem>>, vector<16xi32>,
        %swap3A_304 = vector.shape_cast %swap3A_303 : vector<16xi32> to vector<16xi32>
        %swap3A_305 = vector.shape_cast %select_n3A_301 : vector<16xi32> to vector<16xi32>
        tpu.vector_store %arg11[%swap3A_302], %swap3A_305 {strides = array<i32>} : memref<10240xi32, #tpu.memory_space<vmem>>, vector<16xi32>,
        %scan3A_306 = arith.constant 0 : i32
        scf.yield %scan3A_306 : i32
      }
      %scan3A_85 = arith.constant 80 : i32
    } else {
    }
    %eq3A_44 = arith.constant 1 : i32
    %eq3A_45 = arith.cmpi eq, %arg0, %eq3A_44 : i32
    %convert_element_type3A_46 = arith.extui %eq3A_45 : i1 to i32
    %cond3A_47 = arith.constant 0 : i32
    %cond3A_48 = arith.cmpi ne, %convert_element_type3A_46, %cond3A_47 : i32
    scf.if %cond3A_48 {
      %scan3A_79 = arith.constant 0 : i32
      %scan3A_80 = arith.constant 0 : i32
      %scan3A_81 = arith.constant 80 : i32
      %scan3A_82 = arith.addi %scan3A_80, %scan3A_81 : i32
      %scan3A_83 = arith.constant 1 : i32
      %scan3A_84 = scf.for %scan3A_86 = %scan3A_80 to %scan3A_82 step %scan3A_83 iter_args(%scan3A_87 = %scan3A_79) -> (i32)  : i32 {
        %mul3A_88 = arith.constant 128 : i32
        %mul3A_89 = arith.muli %scan3A_86, %mul3A_88 : i32
        %add3A_90 = arith.constant 0 : i32
        %add3A_91 = arith.addi %mul3A_89, %add3A_90 : i32
        %get3A = arith.index_cast %add3A_91 : i32 to index
        %get3A_92 = tpu.vector_load %arg10[%get3A] {strides = array<i32>} : memref<10240xi32, #tpu.memory_space<vmem>>, vector<16xi32>,
        %get3A_93 = vector.shape_cast %get3A_92 : vector<16xi32> to vector<16xi32>
        %sub3A = arith.constant 0 : i32
        %sub3A_94 = vector.broadcast %sub3A : i32 to vector<16xi32>
        %sub3A_95 = arith.subi %get3A_93, %sub3A_94 : vector<16xi32>
        %ge3A = arith.constant 0 : i32
        %ge3A_96 = vector.broadcast %ge3A : i32 to vector<16xi32>
        %ge3A_97 = arith.cmpi sge, %sub3A_95, %ge3A_96 : vector<16xi32>
        %lt3A = arith.constant 10240 : i32
        %lt3A_98 = vector.broadcast %lt3A : i32 to vector<16xi32>
        %lt3A_99 = arith.cmpi slt, %sub3A_95, %lt3A_98 : vector<16xi32>
        %and3A_100 = arith.andi %ge3A_97, %lt3A_99 : vector<16xi1>
        %and3A_101 = arith.constant 1023 : i32
        %and3A_102 = vector.broadcast %and3A_101 : i32 to vector<16xi32>
        %and3A_103 = arith.andi %get3A_93, %and3A_102 : vector<16xi32>
        %add3A_104 = arith.constant 10240 : i32
        %add3A_105 = vector.broadcast %add3A_104 : i32 to vector<16xi32>
        %add3A_106 = arith.addi %add3A_105, %and3A_103 : vector<16xi32>
        %select_n3A = arith.select %and3A_100, %sub3A_95, %add3A_106 : vector<16xi1>, vector<16xi32>
        %swap3A = arith.index_cast %add3A_91 : i32 to index
        %swap3A_107 = tpu.vector_load %arg11[%swap3A] {strides = array<i32>} : memref<10240xi32, #tpu.memory_space<vmem>>, vector<16xi32>,
        %swap3A_108 = vector.shape_cast %swap3A_107 : vector<16xi32> to vector<16xi32>
        %swap3A_109 = vector.shape_cast %select_n3A : vector<16xi32> to vector<16xi32>
        tpu.vector_store %arg11[%swap3A], %swap3A_109 {strides = array<i32>} : memref<10240xi32, #tpu.memory_space<vmem>>, vector<16xi32>,
        %mul3A_110 = arith.constant 128 : i32
        %mul3A_111 = arith.muli %scan3A_86, %mul3A_110 : i32
        %add3A_112 = arith.constant 16 : i32
        %add3A_113 = arith.addi %mul3A_111, %add3A_112 : i32
        %get3A_114 = arith.index_cast %add3A_113 : i32 to index
        %get3A_115 = tpu.vector_load %arg10[%get3A_114] {strides = array<i32>} : memref<10240xi32, #tpu.memory_space<vmem>>, vector<16xi32>,
        %get3A_116 = vector.shape_cast %get3A_115 : vector<16xi32> to vector<16xi32>
        %sub3A_117 = arith.constant 0 : i32
        %sub3A_118 = vector.broadcast %sub3A_117 : i32 to vector<16xi32>
        %sub3A_119 = arith.subi %get3A_116, %sub3A_118 : vector<16xi32>
        %ge3A_120 = arith.constant 0 : i32
        %ge3A_121 = vector.broadcast %ge3A_120 : i32 to vector<16xi32>
        %ge3A_122 = arith.cmpi sge, %sub3A_119, %ge3A_121 : vector<16xi32>
        %lt3A_123 = arith.constant 10240 : i32
        %lt3A_124 = vector.broadcast %lt3A_123 : i32 to vector<16xi32>
        %lt3A_125 = arith.cmpi slt, %sub3A_119, %lt3A_124 : vector<16xi32>
        %and3A_126 = arith.andi %ge3A_122, %lt3A_125 : vector<16xi1>
        %and3A_127 = arith.constant 1023 : i32
        %and3A_128 = vector.broadcast %and3A_127 : i32 to vector<16xi32>
        %and3A_129 = arith.andi %get3A_116, %and3A_128 : vector<16xi32>
        %add3A_130 = arith.constant 10240 : i32
        %add3A_131 = vector.broadcast %add3A_130 : i32 to vector<16xi32>
        %add3A_132 = arith.addi %add3A_131, %and3A_129 : vector<16xi32>
        %select_n3A_133 = arith.select %and3A_126, %sub3A_119, %add3A_132 : vector<16xi1>, vector<16xi32>
        %swap3A_134 = arith.index_cast %add3A_113 : i32 to index
        %swap3A_135 = tpu.vector_load %arg11[%swap3A_134] {strides = array<i32>} : memref<10240xi32, #tpu.memory_space<vmem>>, vector<16xi32>,
        %swap3A_136 = vector.shape_cast %swap3A_135 : vector<16xi32> to vector<16xi32>
        %swap3A_137 = vector.shape_cast %select_n3A_133 : vector<16xi32> to vector<16xi32>
        tpu.vector_store %arg11[%swap3A_134], %swap3A_137 {strides = array<i32>} : memref<10240xi32, #tpu.memory_space<vmem>>, vector<16xi32>,
        %mul3A_138 = arith.constant 128 : i32
        %mul3A_139 = arith.muli %scan3A_86, %mul3A_138 : i32
        %add3A_140 = arith.constant 32 : i32
        %add3A_141 = arith.addi %mul3A_139, %add3A_140 : i32
        %get3A_142 = arith.index_cast %add3A_141 : i32 to index
        %get3A_143 = tpu.vector_load %arg10[%get3A_142] {strides = array<i32>} : memref<10240xi32, #tpu.memory_space<vmem>>, vector<16xi32>,
        %get3A_144 = vector.shape_cast %get3A_143 : vector<16xi32> to vector<16xi32>
        %sub3A_145 = arith.constant 0 : i32
        %sub3A_146 = vector.broadcast %sub3A_145 : i32 to vector<16xi32>
        %sub3A_147 = arith.subi %get3A_144, %sub3A_146 : vector<16xi32>
        %ge3A_148 = arith.constant 0 : i32
        %ge3A_149 = vector.broadcast %ge3A_148 : i32 to vector<16xi32>
        %ge3A_150 = arith.cmpi sge, %sub3A_147, %ge3A_149 : vector<16xi32>
        %lt3A_151 = arith.constant 10240 : i32
        %lt3A_152 = vector.broadcast %lt3A_151 : i32 to vector<16xi32>
        %lt3A_153 = arith.cmpi slt, %sub3A_147, %lt3A_152 : vector<16xi32>
        %and3A_154 = arith.andi %ge3A_150, %lt3A_153 : vector<16xi1>
        %and3A_155 = arith.constant 1023 : i32
        %and3A_156 = vector.broadcast %and3A_155 : i32 to vector<16xi32>
        %and3A_157 = arith.andi %get3A_144, %and3A_156 : vector<16xi32>
        %add3A_158 = arith.constant 10240 : i32
        %add3A_159 = vector.broadcast %add3A_158 : i32 to vector<16xi32>
        %add3A_160 = arith.addi %add3A_159, %and3A_157 : vector<16xi32>
        %select_n3A_161 = arith.select %and3A_154, %sub3A_147, %add3A_160 : vector<16xi1>, vector<16xi32>
        %swap3A_162 = arith.index_cast %add3A_141 : i32 to index
        %swap3A_163 = tpu.vector_load %arg11[%swap3A_162] {strides = array<i32>} : memref<10240xi32, #tpu.memory_space<vmem>>, vector<16xi32>,
        %swap3A_164 = vector.shape_cast %swap3A_163 : vector<16xi32> to vector<16xi32>
        %swap3A_165 = vector.shape_cast %select_n3A_161 : vector<16xi32> to vector<16xi32>
        tpu.vector_store %arg11[%swap3A_162], %swap3A_165 {strides = array<i32>} : memref<10240xi32, #tpu.memory_space<vmem>>, vector<16xi32>,
        %mul3A_166 = arith.constant 128 : i32
        %mul3A_167 = arith.muli %scan3A_86, %mul3A_166 : i32
        %add3A_168 = arith.constant 48 : i32
        %add3A_169 = arith.addi %mul3A_167, %add3A_168 : i32
        %get3A_170 = arith.index_cast %add3A_169 : i32 to index
        %get3A_171 = tpu.vector_load %arg10[%get3A_170] {strides = array<i32>} : memref<10240xi32, #tpu.memory_space<vmem>>, vector<16xi32>,
        %get3A_172 = vector.shape_cast %get3A_171 : vector<16xi32> to vector<16xi32>
        %sub3A_173 = arith.constant 0 : i32
        %sub3A_174 = vector.broadcast %sub3A_173 : i32 to vector<16xi32>
        %sub3A_175 = arith.subi %get3A_172, %sub3A_174 : vector<16xi32>
        %ge3A_176 = arith.constant 0 : i32
        %ge3A_177 = vector.broadcast %ge3A_176 : i32 to vector<16xi32>
        %ge3A_178 = arith.cmpi sge, %sub3A_175, %ge3A_177 : vector<16xi32>
        %lt3A_179 = arith.constant 10240 : i32
        %lt3A_180 = vector.broadcast %lt3A_179 : i32 to vector<16xi32>
        %lt3A_181 = arith.cmpi slt, %sub3A_175, %lt3A_180 : vector<16xi32>
        %and3A_182 = arith.andi %ge3A_178, %lt3A_181 : vector<16xi1>
        %and3A_183 = arith.constant 1023 : i32
        %and3A_184 = vector.broadcast %and3A_183 : i32 to vector<16xi32>
        %and3A_185 = arith.andi %get3A_172, %and3A_184 : vector<16xi32>
        %add3A_186 = arith.constant 10240 : i32
        %add3A_187 = vector.broadcast %add3A_186 : i32 to vector<16xi32>
        %add3A_188 = arith.addi %add3A_187, %and3A_185 : vector<16xi32>
        %select_n3A_189 = arith.select %and3A_182, %sub3A_175, %add3A_188 : vector<16xi1>, vector<16xi32>
        %swap3A_190 = arith.index_cast %add3A_169 : i32 to index
        %swap3A_191 = tpu.vector_load %arg11[%swap3A_190] {strides = array<i32>} : memref<10240xi32, #tpu.memory_space<vmem>>, vector<16xi32>,
        %swap3A_192 = vector.shape_cast %swap3A_191 : vector<16xi32> to vector<16xi32>
        %swap3A_193 = vector.shape_cast %select_n3A_189 : vector<16xi32> to vector<16xi32>
        tpu.vector_store %arg11[%swap3A_190], %swap3A_193 {strides = array<i32>} : memref<10240xi32, #tpu.memory_space<vmem>>, vector<16xi32>,
        %mul3A_194 = arith.constant 128 : i32
        %mul3A_195 = arith.muli %scan3A_86, %mul3A_194 : i32
        %add3A_196 = arith.constant 64 : i32
        %add3A_197 = arith.addi %mul3A_195, %add3A_196 : i32
        %get3A_198 = arith.index_cast %add3A_197 : i32 to index
        %get3A_199 = tpu.vector_load %arg10[%get3A_198] {strides = array<i32>} : memref<10240xi32, #tpu.memory_space<vmem>>, vector<16xi32>,
        %get3A_200 = vector.shape_cast %get3A_199 : vector<16xi32> to vector<16xi32>
        %sub3A_201 = arith.constant 0 : i32
        %sub3A_202 = vector.broadcast %sub3A_201 : i32 to vector<16xi32>
        %sub3A_203 = arith.subi %get3A_200, %sub3A_202 : vector<16xi32>
        %ge3A_204 = arith.constant 0 : i32
        %ge3A_205 = vector.broadcast %ge3A_204 : i32 to vector<16xi32>
        %ge3A_206 = arith.cmpi sge, %sub3A_203, %ge3A_205 : vector<16xi32>
        %lt3A_207 = arith.constant 10240 : i32
        %lt3A_208 = vector.broadcast %lt3A_207 : i32 to vector<16xi32>
        %lt3A_209 = arith.cmpi slt, %sub3A_203, %lt3A_208 : vector<16xi32>
        %and3A_210 = arith.andi %ge3A_206, %lt3A_209 : vector<16xi1>
        %and3A_211 = arith.constant 1023 : i32
        %and3A_212 = vector.broadcast %and3A_211 : i32 to vector<16xi32>
        %and3A_213 = arith.andi %get3A_200, %and3A_212 : vector<16xi32>
        %add3A_214 = arith.constant 10240 : i32
        %add3A_215 = vector.broadcast %add3A_214 : i32 to vector<16xi32>
        %add3A_216 = arith.addi %add3A_215, %and3A_213 : vector<16xi32>
        %select_n3A_217 = arith.select %and3A_210, %sub3A_203, %add3A_216 : vector<16xi1>, vector<16xi32>
        %swap3A_218 = arith.index_cast %add3A_197 : i32 to index
        %swap3A_219 = tpu.vector_load %arg11[%swap3A_218] {strides = array<i32>} : memref<10240xi32, #tpu.memory_space<vmem>>, vector<16xi32>,
        %swap3A_220 = vector.shape_cast %swap3A_219 : vector<16xi32> to vector<16xi32>
        %swap3A_221 = vector.shape_cast %select_n3A_217 : vector<16xi32> to vector<16xi32>
        tpu.vector_store %arg11[%swap3A_218], %swap3A_221 {strides = array<i32>} : memref<10240xi32, #tpu.memory_space<vmem>>, vector<16xi32>,
        %mul3A_222 = arith.constant 128 : i32
        %mul3A_223 = arith.muli %scan3A_86, %mul3A_222 : i32
        %add3A_224 = arith.constant 80 : i32
        %add3A_225 = arith.addi %mul3A_223, %add3A_224 : i32
        %get3A_226 = arith.index_cast %add3A_225 : i32 to index
        %get3A_227 = tpu.vector_load %arg10[%get3A_226] {strides = array<i32>} : memref<10240xi32, #tpu.memory_space<vmem>>, vector<16xi32>,
        %get3A_228 = vector.shape_cast %get3A_227 : vector<16xi32> to vector<16xi32>
        %sub3A_229 = arith.constant 0 : i32
        %sub3A_230 = vector.broadcast %sub3A_229 : i32 to vector<16xi32>
        %sub3A_231 = arith.subi %get3A_228, %sub3A_230 : vector<16xi32>
        %ge3A_232 = arith.constant 0 : i32
        %ge3A_233 = vector.broadcast %ge3A_232 : i32 to vector<16xi32>
        %ge3A_234 = arith.cmpi sge, %sub3A_231, %ge3A_233 : vector<16xi32>
        %lt3A_235 = arith.constant 10240 : i32
        %lt3A_236 = vector.broadcast %lt3A_235 : i32 to vector<16xi32>
        %lt3A_237 = arith.cmpi slt, %sub3A_231, %lt3A_236 : vector<16xi32>
        %and3A_238 = arith.andi %ge3A_234, %lt3A_237 : vector<16xi1>
        %and3A_239 = arith.constant 1023 : i32
        %and3A_240 = vector.broadcast %and3A_239 : i32 to vector<16xi32>
        %and3A_241 = arith.andi %get3A_228, %and3A_240 : vector<16xi32>
        %add3A_242 = arith.constant 10240 : i32
        %add3A_243 = vector.broadcast %add3A_242 : i32 to vector<16xi32>
        %add3A_244 = arith.addi %add3A_243, %and3A_241 : vector<16xi32>
        %select_n3A_245 = arith.select %and3A_238, %sub3A_231, %add3A_244 : vector<16xi1>, vector<16xi32>
        %swap3A_246 = arith.index_cast %add3A_225 : i32 to index
        %swap3A_247 = tpu.vector_load %arg11[%swap3A_246] {strides = array<i32>} : memref<10240xi32, #tpu.memory_space<vmem>>, vector<16xi32>,
        %swap3A_248 = vector.shape_cast %swap3A_247 : vector<16xi32> to vector<16xi32>
        %swap3A_249 = vector.shape_cast %select_n3A_245 : vector<16xi32> to vector<16xi32>
        tpu.vector_store %arg11[%swap3A_246], %swap3A_249 {strides = array<i32>} : memref<10240xi32, #tpu.memory_space<vmem>>, vector<16xi32>,
        %mul3A_250 = arith.constant 128 : i32
        %mul3A_251 = arith.muli %scan3A_86, %mul3A_250 : i32
        %add3A_252 = arith.constant 96 : i32
        %add3A_253 = arith.addi %mul3A_251, %add3A_252 : i32
        %get3A_254 = arith.index_cast %add3A_253 : i32 to index
        %get3A_255 = tpu.vector_load %arg10[%get3A_254] {strides = array<i32>} : memref<10240xi32, #tpu.memory_space<vmem>>, vector<16xi32>,
        %get3A_256 = vector.shape_cast %get3A_255 : vector<16xi32> to vector<16xi32>
        %sub3A_257 = arith.constant 0 : i32
        %sub3A_258 = vector.broadcast %sub3A_257 : i32 to vector<16xi32>
        %sub3A_259 = arith.subi %get3A_256, %sub3A_258 : vector<16xi32>
        %ge3A_260 = arith.constant 0 : i32
        %ge3A_261 = vector.broadcast %ge3A_260 : i32 to vector<16xi32>
        %ge3A_262 = arith.cmpi sge, %sub3A_259, %ge3A_261 : vector<16xi32>
        %lt3A_263 = arith.constant 10240 : i32
        %lt3A_264 = vector.broadcast %lt3A_263 : i32 to vector<16xi32>
        %lt3A_265 = arith.cmpi slt, %sub3A_259, %lt3A_264 : vector<16xi32>
        %and3A_266 = arith.andi %ge3A_262, %lt3A_265 : vector<16xi1>
        %and3A_267 = arith.constant 1023 : i32
        %and3A_268 = vector.broadcast %and3A_267 : i32 to vector<16xi32>
        %and3A_269 = arith.andi %get3A_256, %and3A_268 : vector<16xi32>
        %add3A_270 = arith.constant 10240 : i32
        %add3A_271 = vector.broadcast %add3A_270 : i32 to vector<16xi32>
        %add3A_272 = arith.addi %add3A_271, %and3A_269 : vector<16xi32>
        %select_n3A_273 = arith.select %and3A_266, %sub3A_259, %add3A_272 : vector<16xi1>, vector<16xi32>
        %swap3A_274 = arith.index_cast %add3A_253 : i32 to index
        %swap3A_275 = tpu.vector_load %arg11[%swap3A_274] {strides = array<i32>} : memref<10240xi32, #tpu.memory_space<vmem>>, vector<16xi32>,
        %swap3A_276 = vector.shape_cast %swap3A_275 : vector<16xi32> to vector<16xi32>
        %swap3A_277 = vector.shape_cast %select_n3A_273 : vector<16xi32> to vector<16xi32>
        tpu.vector_store %arg11[%swap3A_274], %swap3A_277 {strides = array<i32>} : memref<10240xi32, #tpu.memory_space<vmem>>, vector<16xi32>,
        %mul3A_278 = arith.constant 128 : i32
        %mul3A_279 = arith.muli %scan3A_86, %mul3A_278 : i32
        %add3A_280 = arith.constant 112 : i32
        %add3A_281 = arith.addi %mul3A_279, %add3A_280 : i32
        %get3A_282 = arith.index_cast %add3A_281 : i32 to index
        %get3A_283 = tpu.vector_load %arg10[%get3A_282] {strides = array<i32>} : memref<10240xi32, #tpu.memory_space<vmem>>, vector<16xi32>,
        %get3A_284 = vector.shape_cast %get3A_283 : vector<16xi32> to vector<16xi32>
        %sub3A_285 = arith.constant 0 : i32
        %sub3A_286 = vector.broadcast %sub3A_285 : i32 to vector<16xi32>
        %sub3A_287 = arith.subi %get3A_284, %sub3A_286 : vector<16xi32>
        %ge3A_288 = arith.constant 0 : i32
        %ge3A_289 = vector.broadcast %ge3A_288 : i32 to vector<16xi32>
        %ge3A_290 = arith.cmpi sge, %sub3A_287, %ge3A_289 : vector<16xi32>
        %lt3A_291 = arith.constant 10240 : i32
        %lt3A_292 = vector.broadcast %lt3A_291 : i32 to vector<16xi32>
        %lt3A_293 = arith.cmpi slt, %sub3A_287, %lt3A_292 : vector<16xi32>
        %and3A_294 = arith.andi %ge3A_290, %lt3A_293 : vector<16xi1>
        %and3A_295 = arith.constant 1023 : i32
        %and3A_296 = vector.broadcast %and3A_295 : i32 to vector<16xi32>
        %and3A_297 = arith.andi %get3A_284, %and3A_296 : vector<16xi32>
        %add3A_298 = arith.constant 10240 : i32
        %add3A_299 = vector.broadcast %add3A_298 : i32 to vector<16xi32>
        %add3A_300 = arith.addi %add3A_299, %and3A_297 : vector<16xi32>
        %select_n3A_301 = arith.select %and3A_294, %sub3A_287, %add3A_300 : vector<16xi1>, vector<16xi32>
        %swap3A_302 = arith.index_cast %add3A_281 : i32 to index
        %swap3A_303 = tpu.vector_load %arg11[%swap3A_302] {strides = array<i32>} : memref<10240xi32, #tpu.memory_space<vmem>>, vector<16xi32>,
        %swap3A_304 = vector.shape_cast %swap3A_303 : vector<16xi32> to vector<16xi32>
        %swap3A_305 = vector.shape_cast %select_n3A_301 : vector<16xi32> to vector<16xi32>
        tpu.vector_store %arg11[%swap3A_302], %swap3A_305 {strides = array<i32>} : memref<10240xi32, #tpu.memory_space<vmem>>, vector<16xi32>,
        %scan3A_306 = arith.constant 0 : i32
        scf.yield %scan3A_306 : i32
      }
      %scan3A_85 = arith.constant 80 : i32
    } else {
    }
    "tpu.region"() ({
      %run_scoped3A = tpu.sem_alloc : memref<!tpu.dma_semaphore, #tpu.memory_space<semaphore_mem>>
      %dma_start3A = arith.constant 0 : i32
      %dma_start3A_79 = tpu.memref_slice %arg14[%dma_start3A] : memref<11264xf32, #tpu.memory_space<vmem_shared>> -> memref<11264xf32, #tpu.memory_space<vmem_shared>>
      tpu.enqueue_indirect_dma source(%arg12 : memref<10240xf32, #tpu.memory_space<vmem>>) target(%dma_start3A_79 : memref<11264xf32, #tpu.memory_space<vmem_shared>>) offsets(%arg11 : memref<10240xi32, #tpu.memory_space<vmem>>) semaphore(%run_scoped3A : memref<!tpu.dma_semaphore, #tpu.memory_space<semaphore_mem>>) {add = true}
      %dma_wait3A = arith.constant 0 : i32
      %dma_wait3A_80 = tpu.memref_slice %arg14[%dma_wait3A] : memref<11264xf32, #tpu.memory_space<vmem_shared>> -> memref<11264xf32, #tpu.memory_space<vmem_shared>>
      tpu.wait_indirect_dma semaphore(%run_scoped3A : memref<!tpu.dma_semaphore, #tpu.memory_space<semaphore_mem>>) src(%arg12 : memref<10240xf32, #tpu.memory_space<vmem>>) dst(%dma_wait3A_80 : memref<11264xf32, #tpu.memory_space<vmem_shared>>)
      tpu.yield
    }) : () -> ()
    %barrier3A_49 = arith.constant 0 : index
    tpu.barrier barrier_id(%barrier3A_49)
    %eq3A_50 = arith.constant 0 : i32
    %eq3A_51 = arith.cmpi eq, %arg1, %eq3A_50 : i32
    %eq3A_52 = arith.constant 0 : i32
    %eq3A_53 = arith.cmpi eq, %arg0, %eq3A_52 : i32
    %and3A = arith.andi %eq3A_51, %eq3A_53 : i1
    %convert_element_type3A_54 = arith.extui %and3A : i1 to i32
    %cond3A_55 = arith.constant 0 : i32
    %cond3A_56 = arith.cmpi ne, %convert_element_type3A_54, %cond3A_55 : i32
    scf.if %cond3A_56 {
      "tpu.region"() ({
        %run_scoped3A = tpu.sem_alloc : memref<!tpu.dma_semaphore, #tpu.memory_space<semaphore_mem>>
        %dma_start3A = arith.constant 0 : i32
        %dma_start3A_79 = tpu.memref_slice %arg14[%dma_start3A] : memref<11264xf32, #tpu.memory_space<vmem_shared>> -> memref<10240xf32, #tpu.memory_space<vmem_shared>>
        tpu.enqueue_dma source(%dma_start3A_79 : memref<10240xf32, #tpu.memory_space<vmem_shared>>) target(%arg5 : memref<10240xf32, #tpu.memory_space<hbm>>) target_semaphore(%run_scoped3A : memref<!tpu.dma_semaphore, #tpu.memory_space<semaphore_mem>>)
        %dma_wait3A = arith.constant 0 : i32
        %dma_wait3A_80 = tpu.memref_slice %arg14[%dma_wait3A] : memref<11264xf32, #tpu.memory_space<vmem_shared>> -> memref<10240xf32, #tpu.memory_space<vmem_shared>>
        tpu.wait_dma2 semaphore(%run_scoped3A : memref<!tpu.dma_semaphore, #tpu.memory_space<semaphore_mem>>) src(%dma_wait3A_80 : memref<10240xf32, #tpu.memory_space<vmem_shared>>) dst(%arg5 : memref<10240xf32, #tpu.memory_space<hbm>>)
        tpu.yield
      }) : () -> ()
    } else {
    }
    %eq3A_57 = arith.constant 0 : i32
    %eq3A_58 = arith.cmpi eq, %arg1, %eq3A_57 : i32
    %eq3A_59 = arith.constant 1 : i32
    %eq3A_60 = arith.cmpi eq, %arg0, %eq3A_59 : i32
    %and3A_61 = arith.andi %eq3A_58, %eq3A_60 : i1
    %convert_element_type3A_62 = arith.extui %and3A_61 : i1 to i32
    %cond3A_63 = arith.constant 0 : i32
    %cond3A_64 = arith.cmpi ne, %convert_element_type3A_62, %cond3A_63 : i32
    scf.if %cond3A_64 {
      "tpu.region"() ({
        %run_scoped3A = tpu.sem_alloc : memref<!tpu.dma_semaphore, #tpu.memory_space<semaphore_mem>>
        %dma_start3A = arith.constant 0 : i32
        %dma_start3A_79 = tpu.memref_slice %arg14[%dma_start3A] : memref<11264xf32, #tpu.memory_space<vmem_shared>> -> memref<10240xf32, #tpu.memory_space<vmem_shared>>
        tpu.enqueue_dma source(%dma_start3A_79 : memref<10240xf32, #tpu.memory_space<vmem_shared>>) target(%arg6 : memref<10240xf32, #tpu.memory_space<hbm>>) target_semaphore(%run_scoped3A : memref<!tpu.dma_semaphore, #tpu.memory_space<semaphore_mem>>)
        %dma_wait3A = arith.constant 0 : i32
        %dma_wait3A_80 = tpu.memref_slice %arg14[%dma_wait3A] : memref<11264xf32, #tpu.memory_space<vmem_shared>> -> memref<10240xf32, #tpu.memory_space<vmem_shared>>
        tpu.wait_dma2 semaphore(%run_scoped3A : memref<!tpu.dma_semaphore, #tpu.memory_space<semaphore_mem>>) src(%dma_wait3A_80 : memref<10240xf32, #tpu.memory_space<vmem_shared>>) dst(%arg6 : memref<10240xf32, #tpu.memory_space<hbm>>)
        tpu.yield
      }) : () -> ()
    } else {
    }
    %scan3A_65 = arith.constant 0 : i32
    %scan3A_66 = arith.constant 0 : i32
    %scan3A_67 = arith.constant 80 : i32
    %scan3A_68 = arith.addi %scan3A_66, %scan3A_67 : i32
    %scan3A_69 = arith.constant 1 : i32
    %scan3A_70 = scf.for %scan3A_79 = %scan3A_66 to %scan3A_68 step %scan3A_69 iter_args(%scan3A_80 = %scan3A_65) -> (i32)  : i32 {
      %mul3A_81 = arith.constant 128 : i32
      %mul3A_82 = arith.muli %scan3A_79, %mul3A_81 : i32
      %add3A_83 = arith.constant 0 : i32
      %add3A_84 = arith.addi %mul3A_82, %add3A_83 : i32
      %get3A = arith.index_cast %add3A_84 : i32 to index
      %get3A_85 = tpu.vector_load %arg7[%get3A] {strides = array<i32>} : memref<10240xi32, #tpu.memory_space<vmem>>, vector<16xi32>,
      %get3A_86 = vector.shape_cast %get3A_85 : vector<16xi32> to vector<16xi32>
      %mul3A_87 = arith.constant 10240 : i32
      %mul3A_88 = vector.broadcast %mul3A_87 : i32 to vector<16xi32>
      %mul3A_89 = arith.muli %get3A_86, %mul3A_88 : vector<16xi32>
      %get3A_90 = arith.index_cast %add3A_84 : i32 to index
      %get3A_91 = tpu.vector_load %arg8[%get3A_90] {strides = array<i32>} : memref<10240xi32, #tpu.memory_space<vmem>>, vector<16xi32>,
      %get3A_92 = vector.shape_cast %get3A_91 : vector<16xi32> to vector<16xi32>
      %add3A_93 = arith.addi %mul3A_89, %get3A_92 : vector<16xi32>
      %swap3A = arith.index_cast %add3A_84 : i32 to index
      %swap3A_94 = tpu.vector_load %arg7[%swap3A] {strides = array<i32>} : memref<10240xi32, #tpu.memory_space<vmem>>, vector<16xi32>,
      %swap3A_95 = vector.shape_cast %swap3A_94 : vector<16xi32> to vector<16xi32>
      %swap3A_96 = vector.shape_cast %add3A_93 : vector<16xi32> to vector<16xi32>
      tpu.vector_store %arg7[%swap3A], %swap3A_96 {strides = array<i32>} : memref<10240xi32, #tpu.memory_space<vmem>>, vector<16xi32>,
      %get3A_97 = arith.index_cast %add3A_84 : i32 to index
      %get3A_98 = tpu.vector_load %arg9[%get3A_97] {strides = array<i32>} : memref<10240xi32, #tpu.memory_space<vmem>>, vector<16xi32>,
      %get3A_99 = vector.shape_cast %get3A_98 : vector<16xi32> to vector<16xi32>
      %mul3A_100 = arith.constant 10240 : i32
      %mul3A_101 = vector.broadcast %mul3A_100 : i32 to vector<16xi32>
      %mul3A_102 = arith.muli %get3A_99, %mul3A_101 : vector<16xi32>
      %get3A_103 = arith.index_cast %add3A_84 : i32 to index
      %get3A_104 = tpu.vector_load %arg10[%get3A_103] {strides = array<i32>} : memref<10240xi32, #tpu.memory_space<vmem>>, vector<16xi32>,
      %get3A_105 = vector.shape_cast %get3A_104 : vector<16xi32> to vector<16xi32>
      %add3A_106 = arith.addi %mul3A_102, %get3A_105 : vector<16xi32>
      %swap3A_107 = arith.index_cast %add3A_84 : i32 to index
      %swap3A_108 = tpu.vector_load %arg9[%swap3A_107] {strides = array<i32>} : memref<10240xi32, #tpu.memory_space<vmem>>, vector<16xi32>,
      %swap3A_109 = vector.shape_cast %swap3A_108 : vector<16xi32> to vector<16xi32>
      %swap3A_110 = vector.shape_cast %add3A_106 : vector<16xi32> to vector<16xi32>
      tpu.vector_store %arg9[%swap3A_107], %swap3A_110 {strides = array<i32>} : memref<10240xi32, #tpu.memory_space<vmem>>, vector<16xi32>,
      %mul3A_111 = arith.constant 128 : i32
      %mul3A_112 = arith.muli %scan3A_79, %mul3A_111 : i32
      %add3A_113 = arith.constant 16 : i32
      %add3A_114 = arith.addi %mul3A_112, %add3A_113 : i32
      %get3A_115 = arith.index_cast %add3A_114 : i32 to index
      %get3A_116 = tpu.vector_load %arg7[%get3A_115] {strides = array<i32>} : memref<10240xi32, #tpu.memory_space<vmem>>, vector<16xi32>,
      %get3A_117 = vector.shape_cast %get3A_116 : vector<16xi32> to vector<16xi32>
      %mul3A_118 = arith.constant 10240 : i32
      %mul3A_119 = vector.broadcast %mul3A_118 : i32 to vector<16xi32>
      %mul3A_120 = arith.muli %get3A_117, %mul3A_119 : vector<16xi32>
      %get3A_121 = arith.index_cast %add3A_114 : i32 to index
      %get3A_122 = tpu.vector_load %arg8[%get3A_121] {strides = array<i32>} : memref<10240xi32, #tpu.memory_space<vmem>>, vector<16xi32>,
      %get3A_123 = vector.shape_cast %get3A_122 : vector<16xi32> to vector<16xi32>
      %add3A_124 = arith.addi %mul3A_120, %get3A_123 : vector<16xi32>
      %swap3A_125 = arith.index_cast %add3A_114 : i32 to index
      %swap3A_126 = tpu.vector_load %arg7[%swap3A_125] {strides = array<i32>} : memref<10240xi32, #tpu.memory_space<vmem>>, vector<16xi32>,
      %swap3A_127 = vector.shape_cast %swap3A_126 : vector<16xi32> to vector<16xi32>
      %swap3A_128 = vector.shape_cast %add3A_124 : vector<16xi32> to vector<16xi32>
      tpu.vector_store %arg7[%swap3A_125], %swap3A_128 {strides = array<i32>} : memref<10240xi32, #tpu.memory_space<vmem>>, vector<16xi32>,
      %get3A_129 = arith.index_cast %add3A_114 : i32 to index
      %get3A_130 = tpu.vector_load %arg9[%get3A_129] {strides = array<i32>} : memref<10240xi32, #tpu.memory_space<vmem>>, vector<16xi32>,
      %get3A_131 = vector.shape_cast %get3A_130 : vector<16xi32> to vector<16xi32>
      %mul3A_132 = arith.constant 10240 : i32
      %mul3A_133 = vector.broadcast %mul3A_132 : i32 to vector<16xi32>
      %mul3A_134 = arith.muli %get3A_131, %mul3A_133 : vector<16xi32>
      %get3A_135 = arith.index_cast %add3A_114 : i32 to index
      %get3A_136 = tpu.vector_load %arg10[%get3A_135] {strides = array<i32>} : memref<10240xi32, #tpu.memory_space<vmem>>, vector<16xi32>,
      %get3A_137 = vector.shape_cast %get3A_136 : vector<16xi32> to vector<16xi32>
      %add3A_138 = arith.addi %mul3A_134, %get3A_137 : vector<16xi32>
      %swap3A_139 = arith.index_cast %add3A_114 : i32 to index
      %swap3A_140 = tpu.vector_load %arg9[%swap3A_139] {strides = array<i32>} : memref<10240xi32, #tpu.memory_space<vmem>>, vector<16xi32>,
      %swap3A_141 = vector.shape_cast %swap3A_140 : vector<16xi32> to vector<16xi32>
      %swap3A_142 = vector.shape_cast %add3A_138 : vector<16xi32> to vector<16xi32>
      tpu.vector_store %arg9[%swap3A_139], %swap3A_142 {strides = array<i32>} : memref<10240xi32, #tpu.memory_space<vmem>>, vector<16xi32>,
      %mul3A_143 = arith.constant 128 : i32
      %mul3A_144 = arith.muli %scan3A_79, %mul3A_143 : i32
      %add3A_145 = arith.constant 32 : i32
      %add3A_146 = arith.addi %mul3A_144, %add3A_145 : i32
      %get3A_147 = arith.index_cast %add3A_146 : i32 to index
      %get3A_148 = tpu.vector_load %arg7[%get3A_147] {strides = array<i32>} : memref<10240xi32, #tpu.memory_space<vmem>>, vector<16xi32>,
      %get3A_149 = vector.shape_cast %get3A_148 : vector<16xi32> to vector<16xi32>
      %mul3A_150 = arith.constant 10240 : i32
      %mul3A_151 = vector.broadcast %mul3A_150 : i32 to vector<16xi32>
      %mul3A_152 = arith.muli %get3A_149, %mul3A_151 : vector<16xi32>
      %get3A_153 = arith.index_cast %add3A_146 : i32 to index
      %get3A_154 = tpu.vector_load %arg8[%get3A_153] {strides = array<i32>} : memref<10240xi32, #tpu.memory_space<vmem>>, vector<16xi32>,
      %get3A_155 = vector.shape_cast %get3A_154 : vector<16xi32> to vector<16xi32>
      %add3A_156 = arith.addi %mul3A_152, %get3A_155 : vector<16xi32>
      %swap3A_157 = arith.index_cast %add3A_146 : i32 to index
      %swap3A_158 = tpu.vector_load %arg7[%swap3A_157] {strides = array<i32>} : memref<10240xi32, #tpu.memory_space<vmem>>, vector<16xi32>,
      %swap3A_159 = vector.shape_cast %swap3A_158 : vector<16xi32> to vector<16xi32>
      %swap3A_160 = vector.shape_cast %add3A_156 : vector<16xi32> to vector<16xi32>
      tpu.vector_store %arg7[%swap3A_157], %swap3A_160 {strides = array<i32>} : memref<10240xi32, #tpu.memory_space<vmem>>, vector<16xi32>,
      %get3A_161 = arith.index_cast %add3A_146 : i32 to index
      %get3A_162 = tpu.vector_load %arg9[%get3A_161] {strides = array<i32>} : memref<10240xi32, #tpu.memory_space<vmem>>, vector<16xi32>,
      %get3A_163 = vector.shape_cast %get3A_162 : vector<16xi32> to vector<16xi32>
      %mul3A_164 = arith.constant 10240 : i32
      %mul3A_165 = vector.broadcast %mul3A_164 : i32 to vector<16xi32>
      %mul3A_166 = arith.muli %get3A_163, %mul3A_165 : vector<16xi32>
      %get3A_167 = arith.index_cast %add3A_146 : i32 to index
      %get3A_168 = tpu.vector_load %arg10[%get3A_167] {strides = array<i32>} : memref<10240xi32, #tpu.memory_space<vmem>>, vector<16xi32>,
      %get3A_169 = vector.shape_cast %get3A_168 : vector<16xi32> to vector<16xi32>
      %add3A_170 = arith.addi %mul3A_166, %get3A_169 : vector<16xi32>
      %swap3A_171 = arith.index_cast %add3A_146 : i32 to index
      %swap3A_172 = tpu.vector_load %arg9[%swap3A_171] {strides = array<i32>} : memref<10240xi32, #tpu.memory_space<vmem>>, vector<16xi32>,
      %swap3A_173 = vector.shape_cast %swap3A_172 : vector<16xi32> to vector<16xi32>
      %swap3A_174 = vector.shape_cast %add3A_170 : vector<16xi32> to vector<16xi32>
      tpu.vector_store %arg9[%swap3A_171], %swap3A_174 {strides = array<i32>} : memref<10240xi32, #tpu.memory_space<vmem>>, vector<16xi32>,
      %mul3A_175 = arith.constant 128 : i32
      %mul3A_176 = arith.muli %scan3A_79, %mul3A_175 : i32
      %add3A_177 = arith.constant 48 : i32
      %add3A_178 = arith.addi %mul3A_176, %add3A_177 : i32
      %get3A_179 = arith.index_cast %add3A_178 : i32 to index
      %get3A_180 = tpu.vector_load %arg7[%get3A_179] {strides = array<i32>} : memref<10240xi32, #tpu.memory_space<vmem>>, vector<16xi32>,
      %get3A_181 = vector.shape_cast %get3A_180 : vector<16xi32> to vector<16xi32>
      %mul3A_182 = arith.constant 10240 : i32
      %mul3A_183 = vector.broadcast %mul3A_182 : i32 to vector<16xi32>
      %mul3A_184 = arith.muli %get3A_181, %mul3A_183 : vector<16xi32>
      %get3A_185 = arith.index_cast %add3A_178 : i32 to index
      %get3A_186 = tpu.vector_load %arg8[%get3A_185] {strides = array<i32>} : memref<10240xi32, #tpu.memory_space<vmem>>, vector<16xi32>,
      %get3A_187 = vector.shape_cast %get3A_186 : vector<16xi32> to vector<16xi32>
      %add3A_188 = arith.addi %mul3A_184, %get3A_187 : vector<16xi32>
      %swap3A_189 = arith.index_cast %add3A_178 : i32 to index
      %swap3A_190 = tpu.vector_load %arg7[%swap3A_189] {strides = array<i32>} : memref<10240xi32, #tpu.memory_space<vmem>>, vector<16xi32>,
      %swap3A_191 = vector.shape_cast %swap3A_190 : vector<16xi32> to vector<16xi32>
      %swap3A_192 = vector.shape_cast %add3A_188 : vector<16xi32> to vector<16xi32>
      tpu.vector_store %arg7[%swap3A_189], %swap3A_192 {strides = array<i32>} : memref<10240xi32, #tpu.memory_space<vmem>>, vector<16xi32>,
      %get3A_193 = arith.index_cast %add3A_178 : i32 to index
      %get3A_194 = tpu.vector_load %arg9[%get3A_193] {strides = array<i32>} : memref<10240xi32, #tpu.memory_space<vmem>>, vector<16xi32>,
      %get3A_195 = vector.shape_cast %get3A_194 : vector<16xi32> to vector<16xi32>
      %mul3A_196 = arith.constant 10240 : i32
      %mul3A_197 = vector.broadcast %mul3A_196 : i32 to vector<16xi32>
      %mul3A_198 = arith.muli %get3A_195, %mul3A_197 : vector<16xi32>
      %get3A_199 = arith.index_cast %add3A_178 : i32 to index
      %get3A_200 = tpu.vector_load %arg10[%get3A_199] {strides = array<i32>} : memref<10240xi32, #tpu.memory_space<vmem>>, vector<16xi32>,
      %get3A_201 = vector.shape_cast %get3A_200 : vector<16xi32> to vector<16xi32>
      %add3A_202 = arith.addi %mul3A_198, %get3A_201 : vector<16xi32>
      %swap3A_203 = arith.index_cast %add3A_178 : i32 to index
      %swap3A_204 = tpu.vector_load %arg9[%swap3A_203] {strides = array<i32>} : memref<10240xi32, #tpu.memory_space<vmem>>, vector<16xi32>,
      %swap3A_205 = vector.shape_cast %swap3A_204 : vector<16xi32> to vector<16xi32>
      %swap3A_206 = vector.shape_cast %add3A_202 : vector<16xi32> to vector<16xi32>
      tpu.vector_store %arg9[%swap3A_203], %swap3A_206 {strides = array<i32>} : memref<10240xi32, #tpu.memory_space<vmem>>, vector<16xi32>,
      %mul3A_207 = arith.constant 128 : i32
      %mul3A_208 = arith.muli %scan3A_79, %mul3A_207 : i32
      %add3A_209 = arith.constant 64 : i32
      %add3A_210 = arith.addi %mul3A_208, %add3A_209 : i32
      %get3A_211 = arith.index_cast %add3A_210 : i32 to index
      %get3A_212 = tpu.vector_load %arg7[%get3A_211] {strides = array<i32>} : memref<10240xi32, #tpu.memory_space<vmem>>, vector<16xi32>,
      %get3A_213 = vector.shape_cast %get3A_212 : vector<16xi32> to vector<16xi32>
      %mul3A_214 = arith.constant 10240 : i32
      %mul3A_215 = vector.broadcast %mul3A_214 : i32 to vector<16xi32>
      %mul3A_216 = arith.muli %get3A_213, %mul3A_215 : vector<16xi32>
      %get3A_217 = arith.index_cast %add3A_210 : i32 to index
      %get3A_218 = tpu.vector_load %arg8[%get3A_217] {strides = array<i32>} : memref<10240xi32, #tpu.memory_space<vmem>>, vector<16xi32>,
      %get3A_219 = vector.shape_cast %get3A_218 : vector<16xi32> to vector<16xi32>
      %add3A_220 = arith.addi %mul3A_216, %get3A_219 : vector<16xi32>
      %swap3A_221 = arith.index_cast %add3A_210 : i32 to index
      %swap3A_222 = tpu.vector_load %arg7[%swap3A_221] {strides = array<i32>} : memref<10240xi32, #tpu.memory_space<vmem>>, vector<16xi32>,
      %swap3A_223 = vector.shape_cast %swap3A_222 : vector<16xi32> to vector<16xi32>
      %swap3A_224 = vector.shape_cast %add3A_220 : vector<16xi32> to vector<16xi32>
      tpu.vector_store %arg7[%swap3A_221], %swap3A_224 {strides = array<i32>} : memref<10240xi32, #tpu.memory_space<vmem>>, vector<16xi32>,
      %get3A_225 = arith.index_cast %add3A_210 : i32 to index
      %get3A_226 = tpu.vector_load %arg9[%get3A_225] {strides = array<i32>} : memref<10240xi32, #tpu.memory_space<vmem>>, vector<16xi32>,
      %get3A_227 = vector.shape_cast %get3A_226 : vector<16xi32> to vector<16xi32>
      %mul3A_228 = arith.constant 10240 : i32
      %mul3A_229 = vector.broadcast %mul3A_228 : i32 to vector<16xi32>
      %mul3A_230 = arith.muli %get3A_227, %mul3A_229 : vector<16xi32>
      %get3A_231 = arith.index_cast %add3A_210 : i32 to index
      %get3A_232 = tpu.vector_load %arg10[%get3A_231] {strides = array<i32>} : memref<10240xi32, #tpu.memory_space<vmem>>, vector<16xi32>,
      %get3A_233 = vector.shape_cast %get3A_232 : vector<16xi32> to vector<16xi32>
      %add3A_234 = arith.addi %mul3A_230, %get3A_233 : vector<16xi32>
      %swap3A_235 = arith.index_cast %add3A_210 : i32 to index
      %swap3A_236 = tpu.vector_load %arg9[%swap3A_235] {strides = array<i32>} : memref<10240xi32, #tpu.memory_space<vmem>>, vector<16xi32>,
      %swap3A_237 = vector.shape_cast %swap3A_236 : vector<16xi32> to vector<16xi32>
      %swap3A_238 = vector.shape_cast %add3A_234 : vector<16xi32> to vector<16xi32>
      tpu.vector_store %arg9[%swap3A_235], %swap3A_238 {strides = array<i32>} : memref<10240xi32, #tpu.memory_space<vmem>>, vector<16xi32>,
      %mul3A_239 = arith.constant 128 : i32
      %mul3A_240 = arith.muli %scan3A_79, %mul3A_239 : i32
      %add3A_241 = arith.constant 80 : i32
      %add3A_242 = arith.addi %mul3A_240, %add3A_241 : i32
      %get3A_243 = arith.index_cast %add3A_242 : i32 to index
      %get3A_244 = tpu.vector_load %arg7[%get3A_243] {strides = array<i32>} : memref<10240xi32, #tpu.memory_space<vmem>>, vector<16xi32>,
      %get3A_245 = vector.shape_cast %get3A_244 : vector<16xi32> to vector<16xi32>
      %mul3A_246 = arith.constant 10240 : i32
      %mul3A_247 = vector.broadcast %mul3A_246 : i32 to vector<16xi32>
      %mul3A_248 = arith.muli %get3A_245, %mul3A_247 : vector<16xi32>
      %get3A_249 = arith.index_cast %add3A_242 : i32 to index
      %get3A_250 = tpu.vector_load %arg8[%get3A_249] {strides = array<i32>} : memref<10240xi32, #tpu.memory_space<vmem>>, vector<16xi32>,
      %get3A_251 = vector.shape_cast %get3A_250 : vector<16xi32> to vector<16xi32>
      %add3A_252 = arith.addi %mul3A_248, %get3A_251 : vector<16xi32>
      %swap3A_253 = arith.index_cast %add3A_242 : i32 to index
      %swap3A_254 = tpu.vector_load %arg7[%swap3A_253] {strides = array<i32>} : memref<10240xi32, #tpu.memory_space<vmem>>, vector<16xi32>,
      %swap3A_255 = vector.shape_cast %swap3A_254 : vector<16xi32> to vector<16xi32>
      %swap3A_256 = vector.shape_cast %add3A_252 : vector<16xi32> to vector<16xi32>
      tpu.vector_store %arg7[%swap3A_253], %swap3A_256 {strides = array<i32>} : memref<10240xi32, #tpu.memory_space<vmem>>, vector<16xi32>,
      %get3A_257 = arith.index_cast %add3A_242 : i32 to index
      %get3A_258 = tpu.vector_load %arg9[%get3A_257] {strides = array<i32>} : memref<10240xi32, #tpu.memory_space<vmem>>, vector<16xi32>,
      %get3A_259 = vector.shape_cast %get3A_258 : vector<16xi32> to vector<16xi32>
      %mul3A_260 = arith.constant 10240 : i32
      %mul3A_261 = vector.broadcast %mul3A_260 : i32 to vector<16xi32>
      %mul3A_262 = arith.muli %get3A_259, %mul3A_261 : vector<16xi32>
      %get3A_263 = arith.index_cast %add3A_242 : i32 to index
      %get3A_264 = tpu.vector_load %arg10[%get3A_263] {strides = array<i32>} : memref<10240xi32, #tpu.memory_space<vmem>>, vector<16xi32>,
      %get3A_265 = vector.shape_cast %get3A_264 : vector<16xi32> to vector<16xi32>
      %add3A_266 = arith.addi %mul3A_262, %get3A_265 : vector<16xi32>
      %swap3A_267 = arith.index_cast %add3A_242 : i32 to index
      %swap3A_268 = tpu.vector_load %arg9[%swap3A_267] {strides = array<i32>} : memref<10240xi32, #tpu.memory_space<vmem>>, vector<16xi32>,
      %swap3A_269 = vector.shape_cast %swap3A_268 : vector<16xi32> to vector<16xi32>
      %swap3A_270 = vector.shape_cast %add3A_266 : vector<16xi32> to vector<16xi32>
      tpu.vector_store %arg9[%swap3A_267], %swap3A_270 {strides = array<i32>} : memref<10240xi32, #tpu.memory_space<vmem>>, vector<16xi32>,
      %mul3A_271 = arith.constant 128 : i32
      %mul3A_272 = arith.muli %scan3A_79, %mul3A_271 : i32
      %add3A_273 = arith.constant 96 : i32
      %add3A_274 = arith.addi %mul3A_272, %add3A_273 : i32
      %get3A_275 = arith.index_cast %add3A_274 : i32 to index
      %get3A_276 = tpu.vector_load %arg7[%get3A_275] {strides = array<i32>} : memref<10240xi32, #tpu.memory_space<vmem>>, vector<16xi32>,
      %get3A_277 = vector.shape_cast %get3A_276 : vector<16xi32> to vector<16xi32>
      %mul3A_278 = arith.constant 10240 : i32
      %mul3A_279 = vector.broadcast %mul3A_278 : i32 to vector<16xi32>
      %mul3A_280 = arith.muli %get3A_277, %mul3A_279 : vector<16xi32>
      %get3A_281 = arith.index_cast %add3A_274 : i32 to index
      %get3A_282 = tpu.vector_load %arg8[%get3A_281] {strides = array<i32>} : memref<10240xi32, #tpu.memory_space<vmem>>, vector<16xi32>,
      %get3A_283 = vector.shape_cast %get3A_282 : vector<16xi32> to vector<16xi32>
      %add3A_284 = arith.addi %mul3A_280, %get3A_283 : vector<16xi32>
      %swap3A_285 = arith.index_cast %add3A_274 : i32 to index
      %swap3A_286 = tpu.vector_load %arg7[%swap3A_285] {strides = array<i32>} : memref<10240xi32, #tpu.memory_space<vmem>>, vector<16xi32>,
      %swap3A_287 = vector.shape_cast %swap3A_286 : vector<16xi32> to vector<16xi32>
      %swap3A_288 = vector.shape_cast %add3A_284 : vector<16xi32> to vector<16xi32>
      tpu.vector_store %arg7[%swap3A_285], %swap3A_288 {strides = array<i32>} : memref<10240xi32, #tpu.memory_space<vmem>>, vector<16xi32>,
      %get3A_289 = arith.index_cast %add3A_274 : i32 to index
      %get3A_290 = tpu.vector_load %arg9[%get3A_289] {strides = array<i32>} : memref<10240xi32, #tpu.memory_space<vmem>>, vector<16xi32>,
      %get3A_291 = vector.shape_cast %get3A_290 : vector<16xi32> to vector<16xi32>
      %mul3A_292 = arith.constant 10240 : i32
      %mul3A_293 = vector.broadcast %mul3A_292 : i32 to vector<16xi32>
      %mul3A_294 = arith.muli %get3A_291, %mul3A_293 : vector<16xi32>
      %get3A_295 = arith.index_cast %add3A_274 : i32 to index
      %get3A_296 = tpu.vector_load %arg10[%get3A_295] {strides = array<i32>} : memref<10240xi32, #tpu.memory_space<vmem>>, vector<16xi32>,
      %get3A_297 = vector.shape_cast %get3A_296 : vector<16xi32> to vector<16xi32>
      %add3A_298 = arith.addi %mul3A_294, %get3A_297 : vector<16xi32>
      %swap3A_299 = arith.index_cast %add3A_274 : i32 to index
      %swap3A_300 = tpu.vector_load %arg9[%swap3A_299] {strides = array<i32>} : memref<10240xi32, #tpu.memory_space<vmem>>, vector<16xi32>,
      %swap3A_301 = vector.shape_cast %swap3A_300 : vector<16xi32> to vector<16xi32>
      %swap3A_302 = vector.shape_cast %add3A_298 : vector<16xi32> to vector<16xi32>
      tpu.vector_store %arg9[%swap3A_299], %swap3A_302 {strides = array<i32>} : memref<10240xi32, #tpu.memory_space<vmem>>, vector<16xi32>,
      %mul3A_303 = arith.constant 128 : i32
      %mul3A_304 = arith.muli %scan3A_79, %mul3A_303 : i32
      %add3A_305 = arith.constant 112 : i32
      %add3A_306 = arith.addi %mul3A_304, %add3A_305 : i32
      %get3A_307 = arith.index_cast %add3A_306 : i32 to index
      %get3A_308 = tpu.vector_load %arg7[%get3A_307] {strides = array<i32>} : memref<10240xi32, #tpu.memory_space<vmem>>, vector<16xi32>,
      %get3A_309 = vector.shape_cast %get3A_308 : vector<16xi32> to vector<16xi32>
      %mul3A_310 = arith.constant 10240 : i32
      %mul3A_311 = vector.broadcast %mul3A_310 : i32 to vector<16xi32>
      %mul3A_312 = arith.muli %get3A_309, %mul3A_311 : vector<16xi32>
      %get3A_313 = arith.index_cast %add3A_306 : i32 to index
      %get3A_314 = tpu.vector_load %arg8[%get3A_313] {strides = array<i32>} : memref<10240xi32, #tpu.memory_space<vmem>>, vector<16xi32>,
      %get3A_315 = vector.shape_cast %get3A_314 : vector<16xi32> to vector<16xi32>
      %add3A_316 = arith.addi %mul3A_312, %get3A_315 : vector<16xi32>
      %swap3A_317 = arith.index_cast %add3A_306 : i32 to index
      %swap3A_318 = tpu.vector_load %arg7[%swap3A_317] {strides = array<i32>} : memref<10240xi32, #tpu.memory_space<vmem>>, vector<16xi32>,
      %swap3A_319 = vector.shape_cast %swap3A_318 : vector<16xi32> to vector<16xi32>
      %swap3A_320 = vector.shape_cast %add3A_316 : vector<16xi32> to vector<16xi32>
      tpu.vector_store %arg7[%swap3A_317], %swap3A_320 {strides = array<i32>} : memref<10240xi32, #tpu.memory_space<vmem>>, vector<16xi32>,
      %get3A_321 = arith.index_cast %add3A_306 : i32 to index
      %get3A_322 = tpu.vector_load %arg9[%get3A_321] {strides = array<i32>} : memref<10240xi32, #tpu.memory_space<vmem>>, vector<16xi32>,
      %get3A_323 = vector.shape_cast %get3A_322 : vector<16xi32> to vector<16xi32>
      %mul3A_324 = arith.constant 10240 : i32
      %mul3A_325 = vector.broadcast %mul3A_324 : i32 to vector<16xi32>
      %mul3A_326 = arith.muli %get3A_323, %mul3A_325 : vector<16xi32>
      %get3A_327 = arith.index_cast %add3A_306 : i32 to index
      %get3A_328 = tpu.vector_load %arg10[%get3A_327] {strides = array<i32>} : memref<10240xi32, #tpu.memory_space<vmem>>, vector<16xi32>,
      %get3A_329 = vector.shape_cast %get3A_328 : vector<16xi32> to vector<16xi32>
      %add3A_330 = arith.addi %mul3A_326, %get3A_329 : vector<16xi32>
      %swap3A_331 = arith.index_cast %add3A_306 : i32 to index
      %swap3A_332 = tpu.vector_load %arg9[%swap3A_331] {strides = array<i32>} : memref<10240xi32, #tpu.memory_space<vmem>>, vector<16xi32>,
      %swap3A_333 = vector.shape_cast %swap3A_332 : vector<16xi32> to vector<16xi32>
      %swap3A_334 = vector.shape_cast %add3A_330 : vector<16xi32> to vector<16xi32>
      tpu.vector_store %arg9[%swap3A_331], %swap3A_334 {strides = array<i32>} : memref<10240xi32, #tpu.memory_space<vmem>>, vector<16xi32>,
      %scan3A_335 = arith.constant 0 : i32
      scf.yield %scan3A_335 : i32
    }
    %scan3A_71 = arith.constant 80 : i32
    %scan3A_72 = arith.constant 0 : i32
    %scan3A_73 = arith.constant 0 : i32
    %scan3A_74 = arith.constant 50 : i32
    %scan3A_75 = arith.addi %scan3A_73, %scan3A_74 : i32
    %scan3A_76 = arith.constant 1 : i32
    %scan3A_77 = scf.for %scan3A_79 = %scan3A_73 to %scan3A_75 step %scan3A_76 iter_args(%scan3A_80 = %scan3A_72) -> (i32)  : i32 {
      %mul3A_81 = arith.constant 2 : i32
      %mul3A_82 = arith.muli %mul3A_81, %scan3A_79 : i32
      %add3A_83 = arith.addi %mul3A_82, %arg0 : i32
      %mul3A_84 = arith.constant 1024000 : i32
      %mul3A_85 = arith.muli %add3A_83, %mul3A_84 : i32
      %scan3A_86 = arith.constant 0 : i32
      %scan3A_87 = arith.constant 0 : i32
      %scan3A_88 = arith.constant 80 : i32
      %scan3A_89 = arith.addi %scan3A_87, %scan3A_88 : i32
      %scan3A_90 = arith.constant 1 : i32
      %scan3A_91 = scf.for %scan3A_109 = %scan3A_87 to %scan3A_89 step %scan3A_90 iter_args(%scan3A_110 = %scan3A_86) -> (i32)  : i32 {
        %mul3A_111 = arith.constant 128 : i32
        %mul3A_112 = arith.muli %scan3A_109, %mul3A_111 : i32
        %add3A_113 = arith.constant 0 : i32
        %add3A_114 = arith.addi %mul3A_112, %add3A_113 : i32
        %get3A = arith.index_cast %add3A_114 : i32 to index
        %get3A_115 = tpu.vector_load %arg7[%get3A] {strides = array<i32>} : memref<10240xi32, #tpu.memory_space<vmem>>, vector<16xi32>,
        %get3A_116 = vector.shape_cast %get3A_115 : vector<16xi32> to vector<16xi32>
        %sub3A = vector.broadcast %mul3A_85 : i32 to vector<16xi32>
        %sub3A_117 = arith.subi %get3A_116, %sub3A : vector<16xi32>
        %ge3A = arith.constant 0 : i32
        %ge3A_118 = vector.broadcast %ge3A : i32 to vector<16xi32>
        %ge3A_119 = arith.cmpi sge, %sub3A_117, %ge3A_118 : vector<16xi32>
        %lt3A = arith.constant 1024000 : i32
        %lt3A_120 = vector.broadcast %lt3A : i32 to vector<16xi32>
        %lt3A_121 = arith.cmpi slt, %sub3A_117, %lt3A_120 : vector<16xi32>
        %and3A_122 = arith.andi %ge3A_119, %lt3A_121 : vector<16xi1>
        %and3A_123 = arith.constant 1023 : i32
        %and3A_124 = vector.broadcast %and3A_123 : i32 to vector<16xi32>
        %and3A_125 = arith.andi %get3A_116, %and3A_124 : vector<16xi32>
        %add3A_126 = arith.constant 1024000 : i32
        %add3A_127 = vector.broadcast %add3A_126 : i32 to vector<16xi32>
        %add3A_128 = arith.addi %add3A_127, %and3A_125 : vector<16xi32>
        %select_n3A = arith.select %and3A_122, %sub3A_117, %add3A_128 : vector<16xi1>, vector<16xi32>
        %swap3A = arith.index_cast %add3A_114 : i32 to index
        %swap3A_129 = tpu.vector_load %arg11[%swap3A] {strides = array<i32>} : memref<10240xi32, #tpu.memory_space<vmem>>, vector<16xi32>,
        %swap3A_130 = vector.shape_cast %swap3A_129 : vector<16xi32> to vector<16xi32>
        %swap3A_131 = vector.shape_cast %select_n3A : vector<16xi32> to vector<16xi32>
        tpu.vector_store %arg11[%swap3A], %swap3A_131 {strides = array<i32>} : memref<10240xi32, #tpu.memory_space<vmem>>, vector<16xi32>,
        %mul3A_132 = arith.constant 128 : i32
        %mul3A_133 = arith.muli %scan3A_109, %mul3A_132 : i32
        %add3A_134 = arith.constant 16 : i32
        %add3A_135 = arith.addi %mul3A_133, %add3A_134 : i32
        %get3A_136 = arith.index_cast %add3A_135 : i32 to index
        %get3A_137 = tpu.vector_load %arg7[%get3A_136] {strides = array<i32>} : memref<10240xi32, #tpu.memory_space<vmem>>, vector<16xi32>,
        %get3A_138 = vector.shape_cast %get3A_137 : vector<16xi32> to vector<16xi32>
        %sub3A_139 = vector.broadcast %mul3A_85 : i32 to vector<16xi32>
        %sub3A_140 = arith.subi %get3A_138, %sub3A_139 : vector<16xi32>
        %ge3A_141 = arith.constant 0 : i32
        %ge3A_142 = vector.broadcast %ge3A_141 : i32 to vector<16xi32>
        %ge3A_143 = arith.cmpi sge, %sub3A_140, %ge3A_142 : vector<16xi32>
        %lt3A_144 = arith.constant 1024000 : i32
        %lt3A_145 = vector.broadcast %lt3A_144 : i32 to vector<16xi32>
        %lt3A_146 = arith.cmpi slt, %sub3A_140, %lt3A_145 : vector<16xi32>
        %and3A_147 = arith.andi %ge3A_143, %lt3A_146 : vector<16xi1>
        %and3A_148 = arith.constant 1023 : i32
        %and3A_149 = vector.broadcast %and3A_148 : i32 to vector<16xi32>
        %and3A_150 = arith.andi %get3A_138, %and3A_149 : vector<16xi32>
        %add3A_151 = arith.constant 1024000 : i32
        %add3A_152 = vector.broadcast %add3A_151 : i32 to vector<16xi32>
        %add3A_153 = arith.addi %add3A_152, %and3A_150 : vector<16xi32>
        %select_n3A_154 = arith.select %and3A_147, %sub3A_140, %add3A_153 : vector<16xi1>, vector<16xi32>
        %swap3A_155 = arith.index_cast %add3A_135 : i32 to index
        %swap3A_156 = tpu.vector_load %arg11[%swap3A_155] {strides = array<i32>} : memref<10240xi32, #tpu.memory_space<vmem>>, vector<16xi32>,
        %swap3A_157 = vector.shape_cast %swap3A_156 : vector<16xi32> to vector<16xi32>
        %swap3A_158 = vector.shape_cast %select_n3A_154 : vector<16xi32> to vector<16xi32>
        tpu.vector_store %arg11[%swap3A_155], %swap3A_158 {strides = array<i32>} : memref<10240xi32, #tpu.memory_space<vmem>>, vector<16xi32>,
        %mul3A_159 = arith.constant 128 : i32
        %mul3A_160 = arith.muli %scan3A_109, %mul3A_159 : i32
        %add3A_161 = arith.constant 32 : i32
        %add3A_162 = arith.addi %mul3A_160, %add3A_161 : i32
        %get3A_163 = arith.index_cast %add3A_162 : i32 to index
        %get3A_164 = tpu.vector_load %arg7[%get3A_163] {strides = array<i32>} : memref<10240xi32, #tpu.memory_space<vmem>>, vector<16xi32>,
        %get3A_165 = vector.shape_cast %get3A_164 : vector<16xi32> to vector<16xi32>
        %sub3A_166 = vector.broadcast %mul3A_85 : i32 to vector<16xi32>
        %sub3A_167 = arith.subi %get3A_165, %sub3A_166 : vector<16xi32>
        %ge3A_168 = arith.constant 0 : i32
        %ge3A_169 = vector.broadcast %ge3A_168 : i32 to vector<16xi32>
        %ge3A_170 = arith.cmpi sge, %sub3A_167, %ge3A_169 : vector<16xi32>
        %lt3A_171 = arith.constant 1024000 : i32
        %lt3A_172 = vector.broadcast %lt3A_171 : i32 to vector<16xi32>
        %lt3A_173 = arith.cmpi slt, %sub3A_167, %lt3A_172 : vector<16xi32>
        %and3A_174 = arith.andi %ge3A_170, %lt3A_173 : vector<16xi1>
        %and3A_175 = arith.constant 1023 : i32
        %and3A_176 = vector.broadcast %and3A_175 : i32 to vector<16xi32>
        %and3A_177 = arith.andi %get3A_165, %and3A_176 : vector<16xi32>
        %add3A_178 = arith.constant 1024000 : i32
        %add3A_179 = vector.broadcast %add3A_178 : i32 to vector<16xi32>
        %add3A_180 = arith.addi %add3A_179, %and3A_177 : vector<16xi32>
        %select_n3A_181 = arith.select %and3A_174, %sub3A_167, %add3A_180 : vector<16xi1>, vector<16xi32>
        %swap3A_182 = arith.index_cast %add3A_162 : i32 to index
        %swap3A_183 = tpu.vector_load %arg11[%swap3A_182] {strides = array<i32>} : memref<10240xi32, #tpu.memory_space<vmem>>, vector<16xi32>,
        %swap3A_184 = vector.shape_cast %swap3A_183 : vector<16xi32> to vector<16xi32>
        %swap3A_185 = vector.shape_cast %select_n3A_181 : vector<16xi32> to vector<16xi32>
        tpu.vector_store %arg11[%swap3A_182], %swap3A_185 {strides = array<i32>} : memref<10240xi32, #tpu.memory_space<vmem>>, vector<16xi32>,
        %mul3A_186 = arith.constant 128 : i32
        %mul3A_187 = arith.muli %scan3A_109, %mul3A_186 : i32
        %add3A_188 = arith.constant 48 : i32
        %add3A_189 = arith.addi %mul3A_187, %add3A_188 : i32
        %get3A_190 = arith.index_cast %add3A_189 : i32 to index
        %get3A_191 = tpu.vector_load %arg7[%get3A_190] {strides = array<i32>} : memref<10240xi32, #tpu.memory_space<vmem>>, vector<16xi32>,
        %get3A_192 = vector.shape_cast %get3A_191 : vector<16xi32> to vector<16xi32>
        %sub3A_193 = vector.broadcast %mul3A_85 : i32 to vector<16xi32>
        %sub3A_194 = arith.subi %get3A_192, %sub3A_193 : vector<16xi32>
        %ge3A_195 = arith.constant 0 : i32
        %ge3A_196 = vector.broadcast %ge3A_195 : i32 to vector<16xi32>
        %ge3A_197 = arith.cmpi sge, %sub3A_194, %ge3A_196 : vector<16xi32>
        %lt3A_198 = arith.constant 1024000 : i32
        %lt3A_199 = vector.broadcast %lt3A_198 : i32 to vector<16xi32>
        %lt3A_200 = arith.cmpi slt, %sub3A_194, %lt3A_199 : vector<16xi32>
        %and3A_201 = arith.andi %ge3A_197, %lt3A_200 : vector<16xi1>
        %and3A_202 = arith.constant 1023 : i32
        %and3A_203 = vector.broadcast %and3A_202 : i32 to vector<16xi32>
        %and3A_204 = arith.andi %get3A_192, %and3A_203 : vector<16xi32>
        %add3A_205 = arith.constant 1024000 : i32
        %add3A_206 = vector.broadcast %add3A_205 : i32 to vector<16xi32>
        %add3A_207 = arith.addi %add3A_206, %and3A_204 : vector<16xi32>
        %select_n3A_208 = arith.select %and3A_201, %sub3A_194, %add3A_207 : vector<16xi1>, vector<16xi32>
        %swap3A_209 = arith.index_cast %add3A_189 : i32 to index
        %swap3A_210 = tpu.vector_load %arg11[%swap3A_209] {strides = array<i32>} : memref<10240xi32, #tpu.memory_space<vmem>>, vector<16xi32>,
        %swap3A_211 = vector.shape_cast %swap3A_210 : vector<16xi32> to vector<16xi32>
        %swap3A_212 = vector.shape_cast %select_n3A_208 : vector<16xi32> to vector<16xi32>
        tpu.vector_store %arg11[%swap3A_209], %swap3A_212 {strides = array<i32>} : memref<10240xi32, #tpu.memory_space<vmem>>, vector<16xi32>,
        %mul3A_213 = arith.constant 128 : i32
        %mul3A_214 = arith.muli %scan3A_109, %mul3A_213 : i32
        %add3A_215 = arith.constant 64 : i32
        %add3A_216 = arith.addi %mul3A_214, %add3A_215 : i32
        %get3A_217 = arith.index_cast %add3A_216 : i32 to index
        %get3A_218 = tpu.vector_load %arg7[%get3A_217] {strides = array<i32>} : memref<10240xi32, #tpu.memory_space<vmem>>, vector<16xi32>,
        %get3A_219 = vector.shape_cast %get3A_218 : vector<16xi32> to vector<16xi32>
        %sub3A_220 = vector.broadcast %mul3A_85 : i32 to vector<16xi32>
        %sub3A_221 = arith.subi %get3A_219, %sub3A_220 : vector<16xi32>
        %ge3A_222 = arith.constant 0 : i32
        %ge3A_223 = vector.broadcast %ge3A_222 : i32 to vector<16xi32>
        %ge3A_224 = arith.cmpi sge, %sub3A_221, %ge3A_223 : vector<16xi32>
        %lt3A_225 = arith.constant 1024000 : i32
        %lt3A_226 = vector.broadcast %lt3A_225 : i32 to vector<16xi32>
        %lt3A_227 = arith.cmpi slt, %sub3A_221, %lt3A_226 : vector<16xi32>
        %and3A_228 = arith.andi %ge3A_224, %lt3A_227 : vector<16xi1>
        %and3A_229 = arith.constant 1023 : i32
        %and3A_230 = vector.broadcast %and3A_229 : i32 to vector<16xi32>
        %and3A_231 = arith.andi %get3A_219, %and3A_230 : vector<16xi32>
        %add3A_232 = arith.constant 1024000 : i32
        %add3A_233 = vector.broadcast %add3A_232 : i32 to vector<16xi32>
        %add3A_234 = arith.addi %add3A_233, %and3A_231 : vector<16xi32>
        %select_n3A_235 = arith.select %and3A_228, %sub3A_221, %add3A_234 : vector<16xi1>, vector<16xi32>
        %swap3A_236 = arith.index_cast %add3A_216 : i32 to index
        %swap3A_237 = tpu.vector_load %arg11[%swap3A_236] {strides = array<i32>} : memref<10240xi32, #tpu.memory_space<vmem>>, vector<16xi32>,
        %swap3A_238 = vector.shape_cast %swap3A_237 : vector<16xi32> to vector<16xi32>
        %swap3A_239 = vector.shape_cast %select_n3A_235 : vector<16xi32> to vector<16xi32>
        tpu.vector_store %arg11[%swap3A_236], %swap3A_239 {strides = array<i32>} : memref<10240xi32, #tpu.memory_space<vmem>>, vector<16xi32>,
        %mul3A_240 = arith.constant 128 : i32
        %mul3A_241 = arith.muli %scan3A_109, %mul3A_240 : i32
        %add3A_242 = arith.constant 80 : i32
        %add3A_243 = arith.addi %mul3A_241, %add3A_242 : i32
        %get3A_244 = arith.index_cast %add3A_243 : i32 to index
        %get3A_245 = tpu.vector_load %arg7[%get3A_244] {strides = array<i32>} : memref<10240xi32, #tpu.memory_space<vmem>>, vector<16xi32>,
        %get3A_246 = vector.shape_cast %get3A_245 : vector<16xi32> to vector<16xi32>
        %sub3A_247 = vector.broadcast %mul3A_85 : i32 to vector<16xi32>
        %sub3A_248 = arith.subi %get3A_246, %sub3A_247 : vector<16xi32>
        %ge3A_249 = arith.constant 0 : i32
        %ge3A_250 = vector.broadcast %ge3A_249 : i32 to vector<16xi32>
        %ge3A_251 = arith.cmpi sge, %sub3A_248, %ge3A_250 : vector<16xi32>
        %lt3A_252 = arith.constant 1024000 : i32
        %lt3A_253 = vector.broadcast %lt3A_252 : i32 to vector<16xi32>
        %lt3A_254 = arith.cmpi slt, %sub3A_248, %lt3A_253 : vector<16xi32>
        %and3A_255 = arith.andi %ge3A_251, %lt3A_254 : vector<16xi1>
        %and3A_256 = arith.constant 1023 : i32
        %and3A_257 = vector.broadcast %and3A_256 : i32 to vector<16xi32>
        %and3A_258 = arith.andi %get3A_246, %and3A_257 : vector<16xi32>
        %add3A_259 = arith.constant 1024000 : i32
        %add3A_260 = vector.broadcast %add3A_259 : i32 to vector<16xi32>
        %add3A_261 = arith.addi %add3A_260, %and3A_258 : vector<16xi32>
        %select_n3A_262 = arith.select %and3A_255, %sub3A_248, %add3A_261 : vector<16xi1>, vector<16xi32>
        %swap3A_263 = arith.index_cast %add3A_243 : i32 to index
        %swap3A_264 = tpu.vector_load %arg11[%swap3A_263] {strides = array<i32>} : memref<10240xi32, #tpu.memory_space<vmem>>, vector<16xi32>,
        %swap3A_265 = vector.shape_cast %swap3A_264 : vector<16xi32> to vector<16xi32>
        %swap3A_266 = vector.shape_cast %select_n3A_262 : vector<16xi32> to vector<16xi32>
        tpu.vector_store %arg11[%swap3A_263], %swap3A_266 {strides = array<i32>} : memref<10240xi32, #tpu.memory_space<vmem>>, vector<16xi32>,
        %mul3A_267 = arith.constant 128 : i32
        %mul3A_268 = arith.muli %scan3A_109, %mul3A_267 : i32
        %add3A_269 = arith.constant 96 : i32
        %add3A_270 = arith.addi %mul3A_268, %add3A_269 : i32
        %get3A_271 = arith.index_cast %add3A_270 : i32 to index
        %get3A_272 = tpu.vector_load %arg7[%get3A_271] {strides = array<i32>} : memref<10240xi32, #tpu.memory_space<vmem>>, vector<16xi32>,
        %get3A_273 = vector.shape_cast %get3A_272 : vector<16xi32> to vector<16xi32>
        %sub3A_274 = vector.broadcast %mul3A_85 : i32 to vector<16xi32>
        %sub3A_275 = arith.subi %get3A_273, %sub3A_274 : vector<16xi32>
        %ge3A_276 = arith.constant 0 : i32
        %ge3A_277 = vector.broadcast %ge3A_276 : i32 to vector<16xi32>
        %ge3A_278 = arith.cmpi sge, %sub3A_275, %ge3A_277 : vector<16xi32>
        %lt3A_279 = arith.constant 1024000 : i32
        %lt3A_280 = vector.broadcast %lt3A_279 : i32 to vector<16xi32>
        %lt3A_281 = arith.cmpi slt, %sub3A_275, %lt3A_280 : vector<16xi32>
        %and3A_282 = arith.andi %ge3A_278, %lt3A_281 : vector<16xi1>
        %and3A_283 = arith.constant 1023 : i32
        %and3A_284 = vector.broadcast %and3A_283 : i32 to vector<16xi32>
        %and3A_285 = arith.andi %get3A_273, %and3A_284 : vector<16xi32>
        %add3A_286 = arith.constant 1024000 : i32
        %add3A_287 = vector.broadcast %add3A_286 : i32 to vector<16xi32>
        %add3A_288 = arith.addi %add3A_287, %and3A_285 : vector<16xi32>
        %select_n3A_289 = arith.select %and3A_282, %sub3A_275, %add3A_288 : vector<16xi1>, vector<16xi32>
        %swap3A_290 = arith.index_cast %add3A_270 : i32 to index
        %swap3A_291 = tpu.vector_load %arg11[%swap3A_290] {strides = array<i32>} : memref<10240xi32, #tpu.memory_space<vmem>>, vector<16xi32>,
        %swap3A_292 = vector.shape_cast %swap3A_291 : vector<16xi32> to vector<16xi32>
        %swap3A_293 = vector.shape_cast %select_n3A_289 : vector<16xi32> to vector<16xi32>
        tpu.vector_store %arg11[%swap3A_290], %swap3A_293 {strides = array<i32>} : memref<10240xi32, #tpu.memory_space<vmem>>, vector<16xi32>,
        %mul3A_294 = arith.constant 128 : i32
        %mul3A_295 = arith.muli %scan3A_109, %mul3A_294 : i32
        %add3A_296 = arith.constant 112 : i32
        %add3A_297 = arith.addi %mul3A_295, %add3A_296 : i32
        %get3A_298 = arith.index_cast %add3A_297 : i32 to index
        %get3A_299 = tpu.vector_load %arg7[%get3A_298] {strides = array<i32>} : memref<10240xi32, #tpu.memory_space<vmem>>, vector<16xi32>,
        %get3A_300 = vector.shape_cast %get3A_299 : vector<16xi32> to vector<16xi32>
        %sub3A_301 = vector.broadcast %mul3A_85 : i32 to vector<16xi32>
        %sub3A_302 = arith.subi %get3A_300, %sub3A_301 : vector<16xi32>
        %ge3A_303 = arith.constant 0 : i32
        %ge3A_304 = vector.broadcast %ge3A_303 : i32 to vector<16xi32>
        %ge3A_305 = arith.cmpi sge, %sub3A_302, %ge3A_304 : vector<16xi32>
        %lt3A_306 = arith.constant 1024000 : i32
        %lt3A_307 = vector.broadcast %lt3A_306 : i32 to vector<16xi32>
        %lt3A_308 = arith.cmpi slt, %sub3A_302, %lt3A_307 : vector<16xi32>
        %and3A_309 = arith.andi %ge3A_305, %lt3A_308 : vector<16xi1>
        %and3A_310 = arith.constant 1023 : i32
        %and3A_311 = vector.broadcast %and3A_310 : i32 to vector<16xi32>
        %and3A_312 = arith.andi %get3A_300, %and3A_311 : vector<16xi32>
        %add3A_313 = arith.constant 1024000 : i32
        %add3A_314 = vector.broadcast %add3A_313 : i32 to vector<16xi32>
        %add3A_315 = arith.addi %add3A_314, %and3A_312 : vector<16xi32>
        %select_n3A_316 = arith.select %and3A_309, %sub3A_302, %add3A_315 : vector<16xi1>, vector<16xi32>
        %swap3A_317 = arith.index_cast %add3A_297 : i32 to index
        %swap3A_318 = tpu.vector_load %arg11[%swap3A_317] {strides = array<i32>} : memref<10240xi32, #tpu.memory_space<vmem>>, vector<16xi32>,
        %swap3A_319 = vector.shape_cast %swap3A_318 : vector<16xi32> to vector<16xi32>
        %swap3A_320 = vector.shape_cast %select_n3A_316 : vector<16xi32> to vector<16xi32>
        tpu.vector_store %arg11[%swap3A_317], %swap3A_320 {strides = array<i32>} : memref<10240xi32, #tpu.memory_space<vmem>>, vector<16xi32>,
        %scan3A_321 = arith.constant 0 : i32
        scf.yield %scan3A_321 : i32
      }
      %scan3A_92 = arith.constant 80 : i32
      "tpu.region"() ({
        %run_scoped3A = tpu.sem_alloc : memref<!tpu.dma_semaphore, #tpu.memory_space<semaphore_mem>>
        %dma_start3A = arith.constant 0 : i32
        %dma_start3A_109 = tpu.memref_slice %arg13[%dma_start3A] : memref<1025024xf32, #tpu.memory_space<vmem_shared>> -> memref<1025024xf32, #tpu.memory_space<vmem_shared>>
        tpu.enqueue_indirect_dma source(%arg12 : memref<10240xf32, #tpu.memory_space<vmem>>) target(%dma_start3A_109 : memref<1025024xf32, #tpu.memory_space<vmem_shared>>) offsets(%arg11 : memref<10240xi32, #tpu.memory_space<vmem>>) semaphore(%run_scoped3A : memref<!tpu.dma_semaphore, #tpu.memory_space<semaphore_mem>>) {add = true}
        %dma_wait3A = arith.constant 0 : i32
        %dma_wait3A_110 = tpu.memref_slice %arg13[%dma_wait3A] : memref<1025024xf32, #tpu.memory_space<vmem_shared>> -> memref<1025024xf32, #tpu.memory_space<vmem_shared>>
        tpu.wait_indirect_dma semaphore(%run_scoped3A : memref<!tpu.dma_semaphore, #tpu.memory_space<semaphore_mem>>) src(%arg12 : memref<10240xf32, #tpu.memory_space<vmem>>) dst(%dma_wait3A_110 : memref<1025024xf32, #tpu.memory_space<vmem_shared>>)
        tpu.yield
      }) : () -> ()
      %scan3A_93 = arith.constant 0 : i32
      %scan3A_94 = arith.constant 0 : i32
      %scan3A_95 = arith.constant 80 : i32
      %scan3A_96 = arith.addi %scan3A_94, %scan3A_95 : i32
      %scan3A_97 = arith.constant 1 : i32
      %scan3A_98 = scf.for %scan3A_109 = %scan3A_94 to %scan3A_96 step %scan3A_97 iter_args(%scan3A_110 = %scan3A_93) -> (i32)  : i32 {
        %mul3A_111 = arith.constant 128 : i32
        %mul3A_112 = arith.muli %scan3A_109, %mul3A_111 : i32
        %add3A_113 = arith.constant 0 : i32
        %add3A_114 = arith.addi %mul3A_112, %add3A_113 : i32
        %get3A = arith.index_cast %add3A_114 : i32 to index
        %get3A_115 = tpu.vector_load %arg9[%get3A] {strides = array<i32>} : memref<10240xi32, #tpu.memory_space<vmem>>, vector<16xi32>,
        %get3A_116 = vector.shape_cast %get3A_115 : vector<16xi32> to vector<16xi32>
        %sub3A = vector.broadcast %mul3A_85 : i32 to vector<16xi32>
        %sub3A_117 = arith.subi %get3A_116, %sub3A : vector<16xi32>
        %ge3A = arith.constant 0 : i32
        %ge3A_118 = vector.broadcast %ge3A : i32 to vector<16xi32>
        %ge3A_119 = arith.cmpi sge, %sub3A_117, %ge3A_118 : vector<16xi32>
        %lt3A = arith.constant 1024000 : i32
        %lt3A_120 = vector.broadcast %lt3A : i32 to vector<16xi32>
        %lt3A_121 = arith.cmpi slt, %sub3A_117, %lt3A_120 : vector<16xi32>
        %and3A_122 = arith.andi %ge3A_119, %lt3A_121 : vector<16xi1>
        %and3A_123 = arith.constant 1023 : i32
        %and3A_124 = vector.broadcast %and3A_123 : i32 to vector<16xi32>
        %and3A_125 = arith.andi %get3A_116, %and3A_124 : vector<16xi32>
        %add3A_126 = arith.constant 1024000 : i32
        %add3A_127 = vector.broadcast %add3A_126 : i32 to vector<16xi32>
        %add3A_128 = arith.addi %add3A_127, %and3A_125 : vector<16xi32>
        %select_n3A = arith.select %and3A_122, %sub3A_117, %add3A_128 : vector<16xi1>, vector<16xi32>
        %swap3A = arith.index_cast %add3A_114 : i32 to index
        %swap3A_129 = tpu.vector_load %arg11[%swap3A] {strides = array<i32>} : memref<10240xi32, #tpu.memory_space<vmem>>, vector<16xi32>,
        %swap3A_130 = vector.shape_cast %swap3A_129 : vector<16xi32> to vector<16xi32>
        %swap3A_131 = vector.shape_cast %select_n3A : vector<16xi32> to vector<16xi32>
        tpu.vector_store %arg11[%swap3A], %swap3A_131 {strides = array<i32>} : memref<10240xi32, #tpu.memory_space<vmem>>, vector<16xi32>,
        %mul3A_132 = arith.constant 128 : i32
        %mul3A_133 = arith.muli %scan3A_109, %mul3A_132 : i32
        %add3A_134 = arith.constant 16 : i32
        %add3A_135 = arith.addi %mul3A_133, %add3A_134 : i32
        %get3A_136 = arith.index_cast %add3A_135 : i32 to index
        %get3A_137 = tpu.vector_load %arg9[%get3A_136] {strides = array<i32>} : memref<10240xi32, #tpu.memory_space<vmem>>, vector<16xi32>,
        %get3A_138 = vector.shape_cast %get3A_137 : vector<16xi32> to vector<16xi32>
        %sub3A_139 = vector.broadcast %mul3A_85 : i32 to vector<16xi32>
        %sub3A_140 = arith.subi %get3A_138, %sub3A_139 : vector<16xi32>
        %ge3A_141 = arith.constant 0 : i32
        %ge3A_142 = vector.broadcast %ge3A_141 : i32 to vector<16xi32>
        %ge3A_143 = arith.cmpi sge, %sub3A_140, %ge3A_142 : vector<16xi32>
        %lt3A_144 = arith.constant 1024000 : i32
        %lt3A_145 = vector.broadcast %lt3A_144 : i32 to vector<16xi32>
        %lt3A_146 = arith.cmpi slt, %sub3A_140, %lt3A_145 : vector<16xi32>
        %and3A_147 = arith.andi %ge3A_143, %lt3A_146 : vector<16xi1>
        %and3A_148 = arith.constant 1023 : i32
        %and3A_149 = vector.broadcast %and3A_148 : i32 to vector<16xi32>
        %and3A_150 = arith.andi %get3A_138, %and3A_149 : vector<16xi32>
        %add3A_151 = arith.constant 1024000 : i32
        %add3A_152 = vector.broadcast %add3A_151 : i32 to vector<16xi32>
        %add3A_153 = arith.addi %add3A_152, %and3A_150 : vector<16xi32>
        %select_n3A_154 = arith.select %and3A_147, %sub3A_140, %add3A_153 : vector<16xi1>, vector<16xi32>
        %swap3A_155 = arith.index_cast %add3A_135 : i32 to index
        %swap3A_156 = tpu.vector_load %arg11[%swap3A_155] {strides = array<i32>} : memref<10240xi32, #tpu.memory_space<vmem>>, vector<16xi32>,
        %swap3A_157 = vector.shape_cast %swap3A_156 : vector<16xi32> to vector<16xi32>
        %swap3A_158 = vector.shape_cast %select_n3A_154 : vector<16xi32> to vector<16xi32>
        tpu.vector_store %arg11[%swap3A_155], %swap3A_158 {strides = array<i32>} : memref<10240xi32, #tpu.memory_space<vmem>>, vector<16xi32>,
        %mul3A_159 = arith.constant 128 : i32
        %mul3A_160 = arith.muli %scan3A_109, %mul3A_159 : i32
        %add3A_161 = arith.constant 32 : i32
        %add3A_162 = arith.addi %mul3A_160, %add3A_161 : i32
        %get3A_163 = arith.index_cast %add3A_162 : i32 to index
        %get3A_164 = tpu.vector_load %arg9[%get3A_163] {strides = array<i32>} : memref<10240xi32, #tpu.memory_space<vmem>>, vector<16xi32>,
        %get3A_165 = vector.shape_cast %get3A_164 : vector<16xi32> to vector<16xi32>
        %sub3A_166 = vector.broadcast %mul3A_85 : i32 to vector<16xi32>
        %sub3A_167 = arith.subi %get3A_165, %sub3A_166 : vector<16xi32>
        %ge3A_168 = arith.constant 0 : i32
        %ge3A_169 = vector.broadcast %ge3A_168 : i32 to vector<16xi32>
        %ge3A_170 = arith.cmpi sge, %sub3A_167, %ge3A_169 : vector<16xi32>
        %lt3A_171 = arith.constant 1024000 : i32
        %lt3A_172 = vector.broadcast %lt3A_171 : i32 to vector<16xi32>
        %lt3A_173 = arith.cmpi slt, %sub3A_167, %lt3A_172 : vector<16xi32>
        %and3A_174 = arith.andi %ge3A_170, %lt3A_173 : vector<16xi1>
        %and3A_175 = arith.constant 1023 : i32
        %and3A_176 = vector.broadcast %and3A_175 : i32 to vector<16xi32>
        %and3A_177 = arith.andi %get3A_165, %and3A_176 : vector<16xi32>
        %add3A_178 = arith.constant 1024000 : i32
        %add3A_179 = vector.broadcast %add3A_178 : i32 to vector<16xi32>
        %add3A_180 = arith.addi %add3A_179, %and3A_177 : vector<16xi32>
        %select_n3A_181 = arith.select %and3A_174, %sub3A_167, %add3A_180 : vector<16xi1>, vector<16xi32>
        %swap3A_182 = arith.index_cast %add3A_162 : i32 to index
        %swap3A_183 = tpu.vector_load %arg11[%swap3A_182] {strides = array<i32>} : memref<10240xi32, #tpu.memory_space<vmem>>, vector<16xi32>,
        %swap3A_184 = vector.shape_cast %swap3A_183 : vector<16xi32> to vector<16xi32>
        %swap3A_185 = vector.shape_cast %select_n3A_181 : vector<16xi32> to vector<16xi32>
        tpu.vector_store %arg11[%swap3A_182], %swap3A_185 {strides = array<i32>} : memref<10240xi32, #tpu.memory_space<vmem>>, vector<16xi32>,
        %mul3A_186 = arith.constant 128 : i32
        %mul3A_187 = arith.muli %scan3A_109, %mul3A_186 : i32
        %add3A_188 = arith.constant 48 : i32
        %add3A_189 = arith.addi %mul3A_187, %add3A_188 : i32
        %get3A_190 = arith.index_cast %add3A_189 : i32 to index
        %get3A_191 = tpu.vector_load %arg9[%get3A_190] {strides = array<i32>} : memref<10240xi32, #tpu.memory_space<vmem>>, vector<16xi32>,
        %get3A_192 = vector.shape_cast %get3A_191 : vector<16xi32> to vector<16xi32>
        %sub3A_193 = vector.broadcast %mul3A_85 : i32 to vector<16xi32>
        %sub3A_194 = arith.subi %get3A_192, %sub3A_193 : vector<16xi32>
        %ge3A_195 = arith.constant 0 : i32
        %ge3A_196 = vector.broadcast %ge3A_195 : i32 to vector<16xi32>
        %ge3A_197 = arith.cmpi sge, %sub3A_194, %ge3A_196 : vector<16xi32>
        %lt3A_198 = arith.constant 1024000 : i32
        %lt3A_199 = vector.broadcast %lt3A_198 : i32 to vector<16xi32>
        %lt3A_200 = arith.cmpi slt, %sub3A_194, %lt3A_199 : vector<16xi32>
        %and3A_201 = arith.andi %ge3A_197, %lt3A_200 : vector<16xi1>
        %and3A_202 = arith.constant 1023 : i32
        %and3A_203 = vector.broadcast %and3A_202 : i32 to vector<16xi32>
        %and3A_204 = arith.andi %get3A_192, %and3A_203 : vector<16xi32>
        %add3A_205 = arith.constant 1024000 : i32
        %add3A_206 = vector.broadcast %add3A_205 : i32 to vector<16xi32>
        %add3A_207 = arith.addi %add3A_206, %and3A_204 : vector<16xi32>
        %select_n3A_208 = arith.select %and3A_201, %sub3A_194, %add3A_207 : vector<16xi1>, vector<16xi32>
        %swap3A_209 = arith.index_cast %add3A_189 : i32 to index
        %swap3A_210 = tpu.vector_load %arg11[%swap3A_209] {strides = array<i32>} : memref<10240xi32, #tpu.memory_space<vmem>>, vector<16xi32>,
        %swap3A_211 = vector.shape_cast %swap3A_210 : vector<16xi32> to vector<16xi32>
        %swap3A_212 = vector.shape_cast %select_n3A_208 : vector<16xi32> to vector<16xi32>
        tpu.vector_store %arg11[%swap3A_209], %swap3A_212 {strides = array<i32>} : memref<10240xi32, #tpu.memory_space<vmem>>, vector<16xi32>,
        %mul3A_213 = arith.constant 128 : i32
        %mul3A_214 = arith.muli %scan3A_109, %mul3A_213 : i32
        %add3A_215 = arith.constant 64 : i32
        %add3A_216 = arith.addi %mul3A_214, %add3A_215 : i32
        %get3A_217 = arith.index_cast %add3A_216 : i32 to index
        %get3A_218 = tpu.vector_load %arg9[%get3A_217] {strides = array<i32>} : memref<10240xi32, #tpu.memory_space<vmem>>, vector<16xi32>,
        %get3A_219 = vector.shape_cast %get3A_218 : vector<16xi32> to vector<16xi32>
        %sub3A_220 = vector.broadcast %mul3A_85 : i32 to vector<16xi32>
        %sub3A_221 = arith.subi %get3A_219, %sub3A_220 : vector<16xi32>
        %ge3A_222 = arith.constant 0 : i32
        %ge3A_223 = vector.broadcast %ge3A_222 : i32 to vector<16xi32>
        %ge3A_224 = arith.cmpi sge, %sub3A_221, %ge3A_223 : vector<16xi32>
        %lt3A_225 = arith.constant 1024000 : i32
        %lt3A_226 = vector.broadcast %lt3A_225 : i32 to vector<16xi32>
        %lt3A_227 = arith.cmpi slt, %sub3A_221, %lt3A_226 : vector<16xi32>
        %and3A_228 = arith.andi %ge3A_224, %lt3A_227 : vector<16xi1>
        %and3A_229 = arith.constant 1023 : i32
        %and3A_230 = vector.broadcast %and3A_229 : i32 to vector<16xi32>
        %and3A_231 = arith.andi %get3A_219, %and3A_230 : vector<16xi32>
        %add3A_232 = arith.constant 1024000 : i32
        %add3A_233 = vector.broadcast %add3A_232 : i32 to vector<16xi32>
        %add3A_234 = arith.addi %add3A_233, %and3A_231 : vector<16xi32>
        %select_n3A_235 = arith.select %and3A_228, %sub3A_221, %add3A_234 : vector<16xi1>, vector<16xi32>
        %swap3A_236 = arith.index_cast %add3A_216 : i32 to index
        %swap3A_237 = tpu.vector_load %arg11[%swap3A_236] {strides = array<i32>} : memref<10240xi32, #tpu.memory_space<vmem>>, vector<16xi32>,
        %swap3A_238 = vector.shape_cast %swap3A_237 : vector<16xi32> to vector<16xi32>
        %swap3A_239 = vector.shape_cast %select_n3A_235 : vector<16xi32> to vector<16xi32>
        tpu.vector_store %arg11[%swap3A_236], %swap3A_239 {strides = array<i32>} : memref<10240xi32, #tpu.memory_space<vmem>>, vector<16xi32>,
        %mul3A_240 = arith.constant 128 : i32
        %mul3A_241 = arith.muli %scan3A_109, %mul3A_240 : i32
        %add3A_242 = arith.constant 80 : i32
        %add3A_243 = arith.addi %mul3A_241, %add3A_242 : i32
        %get3A_244 = arith.index_cast %add3A_243 : i32 to index
        %get3A_245 = tpu.vector_load %arg9[%get3A_244] {strides = array<i32>} : memref<10240xi32, #tpu.memory_space<vmem>>, vector<16xi32>,
        %get3A_246 = vector.shape_cast %get3A_245 : vector<16xi32> to vector<16xi32>
        %sub3A_247 = vector.broadcast %mul3A_85 : i32 to vector<16xi32>
        %sub3A_248 = arith.subi %get3A_246, %sub3A_247 : vector<16xi32>
        %ge3A_249 = arith.constant 0 : i32
        %ge3A_250 = vector.broadcast %ge3A_249 : i32 to vector<16xi32>
        %ge3A_251 = arith.cmpi sge, %sub3A_248, %ge3A_250 : vector<16xi32>
        %lt3A_252 = arith.constant 1024000 : i32
        %lt3A_253 = vector.broadcast %lt3A_252 : i32 to vector<16xi32>
        %lt3A_254 = arith.cmpi slt, %sub3A_248, %lt3A_253 : vector<16xi32>
        %and3A_255 = arith.andi %ge3A_251, %lt3A_254 : vector<16xi1>
        %and3A_256 = arith.constant 1023 : i32
        %and3A_257 = vector.broadcast %and3A_256 : i32 to vector<16xi32>
        %and3A_258 = arith.andi %get3A_246, %and3A_257 : vector<16xi32>
        %add3A_259 = arith.constant 1024000 : i32
        %add3A_260 = vector.broadcast %add3A_259 : i32 to vector<16xi32>
        %add3A_261 = arith.addi %add3A_260, %and3A_258 : vector<16xi32>
        %select_n3A_262 = arith.select %and3A_255, %sub3A_248, %add3A_261 : vector<16xi1>, vector<16xi32>
        %swap3A_263 = arith.index_cast %add3A_243 : i32 to index
        %swap3A_264 = tpu.vector_load %arg11[%swap3A_263] {strides = array<i32>} : memref<10240xi32, #tpu.memory_space<vmem>>, vector<16xi32>,
        %swap3A_265 = vector.shape_cast %swap3A_264 : vector<16xi32> to vector<16xi32>
        %swap3A_266 = vector.shape_cast %select_n3A_262 : vector<16xi32> to vector<16xi32>
        tpu.vector_store %arg11[%swap3A_263], %swap3A_266 {strides = array<i32>} : memref<10240xi32, #tpu.memory_space<vmem>>, vector<16xi32>,
        %mul3A_267 = arith.constant 128 : i32
        %mul3A_268 = arith.muli %scan3A_109, %mul3A_267 : i32
        %add3A_269 = arith.constant 96 : i32
        %add3A_270 = arith.addi %mul3A_268, %add3A_269 : i32
        %get3A_271 = arith.index_cast %add3A_270 : i32 to index
        %get3A_272 = tpu.vector_load %arg9[%get3A_271] {strides = array<i32>} : memref<10240xi32, #tpu.memory_space<vmem>>, vector<16xi32>,
        %get3A_273 = vector.shape_cast %get3A_272 : vector<16xi32> to vector<16xi32>
        %sub3A_274 = vector.broadcast %mul3A_85 : i32 to vector<16xi32>
        %sub3A_275 = arith.subi %get3A_273, %sub3A_274 : vector<16xi32>
        %ge3A_276 = arith.constant 0 : i32
        %ge3A_277 = vector.broadcast %ge3A_276 : i32 to vector<16xi32>
        %ge3A_278 = arith.cmpi sge, %sub3A_275, %ge3A_277 : vector<16xi32>
        %lt3A_279 = arith.constant 1024000 : i32
        %lt3A_280 = vector.broadcast %lt3A_279 : i32 to vector<16xi32>
        %lt3A_281 = arith.cmpi slt, %sub3A_275, %lt3A_280 : vector<16xi32>
        %and3A_282 = arith.andi %ge3A_278, %lt3A_281 : vector<16xi1>
        %and3A_283 = arith.constant 1023 : i32
        %and3A_284 = vector.broadcast %and3A_283 : i32 to vector<16xi32>
        %and3A_285 = arith.andi %get3A_273, %and3A_284 : vector<16xi32>
        %add3A_286 = arith.constant 1024000 : i32
        %add3A_287 = vector.broadcast %add3A_286 : i32 to vector<16xi32>
        %add3A_288 = arith.addi %add3A_287, %and3A_285 : vector<16xi32>
        %select_n3A_289 = arith.select %and3A_282, %sub3A_275, %add3A_288 : vector<16xi1>, vector<16xi32>
        %swap3A_290 = arith.index_cast %add3A_270 : i32 to index
        %swap3A_291 = tpu.vector_load %arg11[%swap3A_290] {strides = array<i32>} : memref<10240xi32, #tpu.memory_space<vmem>>, vector<16xi32>,
        %swap3A_292 = vector.shape_cast %swap3A_291 : vector<16xi32> to vector<16xi32>
        %swap3A_293 = vector.shape_cast %select_n3A_289 : vector<16xi32> to vector<16xi32>
        tpu.vector_store %arg11[%swap3A_290], %swap3A_293 {strides = array<i32>} : memref<10240xi32, #tpu.memory_space<vmem>>, vector<16xi32>,
        %mul3A_294 = arith.constant 128 : i32
        %mul3A_295 = arith.muli %scan3A_109, %mul3A_294 : i32
        %add3A_296 = arith.constant 112 : i32
        %add3A_297 = arith.addi %mul3A_295, %add3A_296 : i32
        %get3A_298 = arith.index_cast %add3A_297 : i32 to index
        %get3A_299 = tpu.vector_load %arg9[%get3A_298] {strides = array<i32>} : memref<10240xi32, #tpu.memory_space<vmem>>, vector<16xi32>,
        %get3A_300 = vector.shape_cast %get3A_299 : vector<16xi32> to vector<16xi32>
        %sub3A_301 = vector.broadcast %mul3A_85 : i32 to vector<16xi32>
        %sub3A_302 = arith.subi %get3A_300, %sub3A_301 : vector<16xi32>
        %ge3A_303 = arith.constant 0 : i32
        %ge3A_304 = vector.broadcast %ge3A_303 : i32 to vector<16xi32>
        %ge3A_305 = arith.cmpi sge, %sub3A_302, %ge3A_304 : vector<16xi32>
        %lt3A_306 = arith.constant 1024000 : i32
        %lt3A_307 = vector.broadcast %lt3A_306 : i32 to vector<16xi32>
        %lt3A_308 = arith.cmpi slt, %sub3A_302, %lt3A_307 : vector<16xi32>
        %and3A_309 = arith.andi %ge3A_305, %lt3A_308 : vector<16xi1>
        %and3A_310 = arith.constant 1023 : i32
        %and3A_311 = vector.broadcast %and3A_310 : i32 to vector<16xi32>
        %and3A_312 = arith.andi %get3A_300, %and3A_311 : vector<16xi32>
        %add3A_313 = arith.constant 1024000 : i32
        %add3A_314 = vector.broadcast %add3A_313 : i32 to vector<16xi32>
        %add3A_315 = arith.addi %add3A_314, %and3A_312 : vector<16xi32>
        %select_n3A_316 = arith.select %and3A_309, %sub3A_302, %add3A_315 : vector<16xi1>, vector<16xi32>
        %swap3A_317 = arith.index_cast %add3A_297 : i32 to index
        %swap3A_318 = tpu.vector_load %arg11[%swap3A_317] {strides = array<i32>} : memref<10240xi32, #tpu.memory_space<vmem>>, vector<16xi32>,
        %swap3A_319 = vector.shape_cast %swap3A_318 : vector<16xi32> to vector<16xi32>
        %swap3A_320 = vector.shape_cast %select_n3A_316 : vector<16xi32> to vector<16xi32>
        tpu.vector_store %arg11[%swap3A_317], %swap3A_320 {strides = array<i32>} : memref<10240xi32, #tpu.memory_space<vmem>>, vector<16xi32>,
        %scan3A_321 = arith.constant 0 : i32
        scf.yield %scan3A_321 : i32
      }
      %scan3A_99 = arith.constant 80 : i32
      "tpu.region"() ({
        %run_scoped3A = tpu.sem_alloc : memref<!tpu.dma_semaphore, #tpu.memory_space<semaphore_mem>>
        %dma_start3A = arith.constant 0 : i32
        %dma_start3A_109 = tpu.memref_slice %arg13[%dma_start3A] : memref<1025024xf32, #tpu.memory_space<vmem_shared>> -> memref<1025024xf32, #tpu.memory_space<vmem_shared>>
        tpu.enqueue_indirect_dma source(%arg12 : memref<10240xf32, #tpu.memory_space<vmem>>) target(%dma_start3A_109 : memref<1025024xf32, #tpu.memory_space<vmem_shared>>) offsets(%arg11 : memref<10240xi32, #tpu.memory_space<vmem>>) semaphore(%run_scoped3A : memref<!tpu.dma_semaphore, #tpu.memory_space<semaphore_mem>>) {add = true}
        %dma_wait3A = arith.constant 0 : i32
        %dma_wait3A_110 = tpu.memref_slice %arg13[%dma_wait3A] : memref<1025024xf32, #tpu.memory_space<vmem_shared>> -> memref<1025024xf32, #tpu.memory_space<vmem_shared>>
        tpu.wait_indirect_dma semaphore(%run_scoped3A : memref<!tpu.dma_semaphore, #tpu.memory_space<semaphore_mem>>) src(%arg12 : memref<10240xf32, #tpu.memory_space<vmem>>) dst(%dma_wait3A_110 : memref<1025024xf32, #tpu.memory_space<vmem_shared>>)
        tpu.yield
      }) : () -> ()
      %barrier3A_100 = arith.constant 0 : index
      tpu.barrier barrier_id(%barrier3A_100)
      %mul3A_101 = arith.constant 64000 : i32
      %mul3A_102 = arith.muli %arg1, %mul3A_101 : i32
      %multiple_of3A_103 = tpu.assume_multiple %mul3A_102, 256 : i32
      %add3A_104 = arith.addi %mul3A_85, %mul3A_102 : i32
      %multiple_of3A_105 = tpu.assume_multiple %add3A_104, 256 : i32
      "tpu.region"() ({
        %run_scoped3A = tpu.sem_alloc : memref<!tpu.dma_semaphore, #tpu.memory_space<semaphore_mem>>
        %dma_start3A = tpu.memref_slice %arg4[%multiple_of3A_105] : memref<102400000xf32, #tpu.memory_space<hbm>> -> memref<64000xf32, #tpu.memory_space<hbm>>
        %dma_start3A_109 = tpu.memref_slice %arg13[%multiple_of3A_103] : memref<1025024xf32, #tpu.memory_space<vmem_shared>> -> memref<64000xf32, #tpu.memory_space<vmem_shared>>
        tpu.enqueue_dma source(%dma_start3A_109 : memref<64000xf32, #tpu.memory_space<vmem_shared>>) target(%dma_start3A : memref<64000xf32, #tpu.memory_space<hbm>>) target_semaphore(%run_scoped3A : memref<!tpu.dma_semaphore, #tpu.memory_space<semaphore_mem>>)
        %dma_wait3A = tpu.memref_slice %arg4[%multiple_of3A_105] : memref<102400000xf32, #tpu.memory_space<hbm>> -> memref<64000xf32, #tpu.memory_space<hbm>>
        %dma_wait3A_110 = tpu.memref_slice %arg13[%multiple_of3A_103] : memref<1025024xf32, #tpu.memory_space<vmem_shared>> -> memref<64000xf32, #tpu.memory_space<vmem_shared>>
        tpu.wait_dma2 semaphore(%run_scoped3A : memref<!tpu.dma_semaphore, #tpu.memory_space<semaphore_mem>>) src(%dma_wait3A_110 : memref<64000xf32, #tpu.memory_space<vmem_shared>>) dst(%dma_wait3A : memref<64000xf32, #tpu.memory_space<hbm>>)
        tpu.yield
      }) : () -> ()
      %multiple_of3A_106 = tpu.assume_multiple %mul3A_102, 256 : i32
      "tpu.region"() ({
        %run_scoped3A = tpu.sem_alloc : memref<!tpu.dma_semaphore, #tpu.memory_space<semaphore_mem>>
        %dma_start3A = tpu.memref_slice %arg13[%multiple_of3A_106] : memref<1025024xf32, #tpu.memory_space<vmem_shared>> -> memref<64000xf32, #tpu.memory_space<vmem_shared>>
        tpu.enqueue_dma source(%arg3 : memref<64000xf32, #tpu.memory_space<hbm>>) target(%dma_start3A : memref<64000xf32, #tpu.memory_space<vmem_shared>>) target_semaphore(%run_scoped3A : memref<!tpu.dma_semaphore, #tpu.memory_space<semaphore_mem>>)
        %dma_wait3A = tpu.memref_slice %arg13[%multiple_of3A_106] : memref<1025024xf32, #tpu.memory_space<vmem_shared>> -> memref<64000xf32, #tpu.memory_space<vmem_shared>>
        tpu.wait_dma2 semaphore(%run_scoped3A : memref<!tpu.dma_semaphore, #tpu.memory_space<semaphore_mem>>) src(%arg3 : memref<64000xf32, #tpu.memory_space<hbm>>) dst(%dma_wait3A : memref<64000xf32, #tpu.memory_space<vmem_shared>>)
        tpu.yield
      }) : () -> ()
      %barrier3A_107 = arith.constant 0 : index
      tpu.barrier barrier_id(%barrier3A_107)
      %scan3A_108 = arith.constant 0 : i32
      scf.yield %scan3A_108 : i32
    }
    %scan3A_78 = arith.constant 50 : i32
    return
  }
}

module attributes {stable_mosaic.version = 14 : i64} {
  func.func @body(%arg0: i32, %arg1: memref<1000x128xf32, #tpu.memory_space<vmem>>, %arg2: memref<128x256xf32, #tpu.memory_space<vmem>>, %arg3: memref<1000x512xbf16, #tpu.memory_space<vmem>>) attributes {dimension_semantics = [#tpu.dimension_semantics<arbitrary>], iteration_bounds = array<i64: 10>, scalar_prefetch = 0 : i64, scratch_operands = 0 : i64, tpu.core_type = #tpu.core_type<tc>, window_params = [{transform_indices = @transform_0, window_bounds = array<i64: 1000, 128>}, {pipeline_mode = #tpu.pipeline_mode<synchronous>, transform_indices = @transform_1, window_bounds = array<i64: 128, 256>}, {transform_indices = @transform_2, window_bounds = array<i64: 1000, 512>}]} {
    %get3A = arith.constant 0 : index
    %get3A_0 = arith.constant 0 : index
    %get3A_1 = vector.load %arg1[%get3A, %get3A_0] : memref<1000x128xf32, #tpu.memory_space<vmem>>, vector<1000x128xf32>
    %get3A_2 = arith.constant 0 : index
    %get3A_3 = arith.constant 0 : index
    %get3A_4 = vector.load %arg2[%get3A_2, %get3A_3] : memref<128x256xf32, #tpu.memory_space<vmem>>, vector<128x256xf32>
    %dot_general3A = arith.constant dense<0.000000e+00> : vector<1000x256xf32>
    %dot_general3A_5 = tpu.matmul %get3A_1, %get3A_4, %dot_general3A {dimension_numbers = #tpu.dot_dimension_numbers<[1], [0], [0], [1], [0, 0, 1, 1], [], []>, transpose_lhs_hint = false} : vector<1000x128xf32>, vector<128x256xf32>, vector<1000x256xf32> -> vector<1000x256xf32>
    %convert_element_type3A = arith.truncf %dot_general3A_5 : vector<1000x256xf32> to vector<1000x256xbf16>
    %convert_element_type3A_6 = arith.extf %convert_element_type3A : vector<1000x256xbf16> to vector<1000x256xf32>
    %sub3A = arith.subf %dot_general3A_5, %convert_element_type3A_6 : vector<1000x256xf32>
    %convert_element_type3A_7 = arith.truncf %sub3A : vector<1000x256xf32> to vector<1000x256xbf16>
    %concatenate3A = tpu.concatenate %convert_element_type3A, %convert_element_type3A_7 in 1 : vector<1000x256xbf16>, vector<1000x256xbf16> -> vector<1000x512xbf16>
    %swap3A = arith.constant 0 : index
    %swap3A_8 = arith.constant 0 : index
    %swap3A_9 = vector.load %arg3[%swap3A, %swap3A_8] : memref<1000x512xbf16, #tpu.memory_space<vmem>>, vector<1000x512xbf16>
    tpu.vector_store %arg3[%swap3A, %swap3A_8], %concatenate3A {strides = array<i32>} : memref<1000x512xbf16, #tpu.memory_space<vmem>>, vector<1000x512xbf16>,
    return
  }
  func.func @transform_0(%arg0: i32) -> (i32, i32) {
    %c0_i32 = arith.constant 0 : i32
    %c0_i32_0 = arith.constant 0 : i32
    return %arg0, %c0_i32 : i32, i32
  }
  func.func @transform_1(%arg0: i32) -> (i32, i32) {
    %c0_i32 = arith.constant 0 : i32
    %c0_i32_0 = arith.constant 0 : i32
    %c0_i32_1 = arith.constant 0 : i32
    return %c0_i32, %c0_i32_0 : i32, i32
  }
  func.func @transform_2(%arg0: i32) -> (i32, i32) {
    %c0_i32 = arith.constant 0 : i32
    %c0_i32_0 = arith.constant 0 : i32
    return %arg0, %c0_i32 : i32, i32
  }
}

module attributes {stable_mosaic.version = 14 : i64} {
  func.func @body(%arg0: i32, %arg1: memref<10000x256xf32, #tpu.memory_space<vmem>>, %arg2: memref<10000x512xbf16, #tpu.memory_space<vmem>>, %arg3: memref<256x1xf32, #tpu.memory_space<vmem>>, %arg4: memref<256x512xbf16, #tpu.memory_space<vmem>>, %arg5: memref<10000x256xbf16, #tpu.memory_space<vmem>>) attributes {dimension_semantics = [#tpu.dimension_semantics<arbitrary>], iteration_bounds = array<i64: 40>, scalar_prefetch = 0 : i64, scratch_operands = 0 : i64, tpu.core_type = #tpu.core_type<tc>, window_params = [{transform_indices = @transform_0, window_bounds = array<i64: 10000, 256>}, {pipeline_mode = #tpu.pipeline_mode<synchronous>, transform_indices = @transform_1, window_bounds = array<i64: 10000, 512>}, {transform_indices = @transform_2, window_bounds = array<i64: 256, 1>}, {transform_indices = @transform_3, window_bounds = array<i64: 256, 512>}, {transform_indices = @transform_4, window_bounds = array<i64: 10000, 256>}]} {
    %get3A = arith.constant 0 : index
    %get3A_0 = arith.constant 0 : index
    %get3A_1 = vector.load %arg1[%get3A, %get3A_0] : memref<10000x256xf32, #tpu.memory_space<vmem>>, vector<10000x256xf32>
    %convert_element_type3A = arith.truncf %get3A_1 : vector<10000x256xf32> to vector<10000x256xbf16>
    %swap3A = arith.constant 0 : index
    %swap3A_2 = arith.constant 0 : index
    %swap3A_3 = vector.load %arg5[%swap3A, %swap3A_2] : memref<10000x256xbf16, #tpu.memory_space<vmem>>, vector<10000x256xbf16>
    tpu.vector_store %arg5[%swap3A, %swap3A_2], %convert_element_type3A {strides = array<i32>} : memref<10000x256xbf16, #tpu.memory_space<vmem>>, vector<10000x256xbf16>,
    %get3A_4 = arith.constant 0 : index
    %get3A_5 = arith.constant 0 : index
    %get3A_6 = vector.load %arg2[%get3A_4, %get3A_5] : memref<10000x512xbf16, #tpu.memory_space<vmem>>, vector<10000x512xbf16>
    %dot_general3A = arith.constant dense<0.000000e+00> : vector<256x512xf32>
    %dot_general3A_7 = tpu.matmul %convert_element_type3A, %get3A_6, %dot_general3A {dimension_numbers = #tpu.dot_dimension_numbers<[0], [0], [1], [1], [0, 1, 1, 1], [], []>, transpose_lhs_hint = false} : vector<10000x256xbf16>, vector<10000x512xbf16>, vector<256x512xf32> -> vector<256x512xf32>
    %get3A_8 = arith.constant 0 : index
    %get3A_9 = arith.constant 0 : index
    %get3A_10 = vector.load %arg3[%get3A_8, %get3A_9] : memref<256x1xf32, #tpu.memory_space<vmem>>, vector<256x1xf32>
    %gt3A = arith.constant 0.000000e+00 : f32
    %gt3A_11 = vector.broadcast %gt3A : f32 to vector<256x1xf32>
    %gt3A_12 = arith.cmpf ogt, %get3A_10, %gt3A_11 : vector<256x1xf32>
    %div3A = arith.constant 1.000000e+00 : f32
    %div3A_13 = vector.broadcast %div3A : f32 to vector<256x1xf32>
    %div3A_14 = arith.divf %div3A_13, %get3A_10 : vector<256x1xf32>
    %jit3A = arith.constant 0.000000e+00 : f32
    %broadcast_in_dim3A = vector.broadcast %jit3A : f32 to vector<256x1xf32>
    %select_n3A = arith.select %gt3A_12, %div3A_14, %broadcast_in_dim3A : vector<256x1xi1>, vector<256x1xf32>
    %slice3A = vector.extract_strided_slice %dot_general3A_7 {offsets = [0, 0], sizes = [256, 256], strides = [1, 1]} : vector<256x512xf32> to vector<256x256xf32>
    %slice3A_15 = vector.extract_strided_slice %dot_general3A_7 {offsets = [0, 256], sizes = [256, 256], strides = [1, 1]} : vector<256x512xf32> to vector<256x256xf32>
    %add3A = arith.addf %slice3A, %slice3A_15 : vector<256x256xf32>
    %mul3A = vector.broadcast %select_n3A : vector<256x1xf32> to vector<256x256xf32>
    %mul3A_16 = arith.mulf %add3A, %mul3A : vector<256x256xf32>
    %convert_element_type3A_17 = arith.truncf %mul3A_16 : vector<256x256xf32> to vector<256x256xbf16>
    %convert_element_type3A_18 = arith.extf %convert_element_type3A_17 : vector<256x256xbf16> to vector<256x256xf32>
    %sub3A = arith.subf %mul3A_16, %convert_element_type3A_18 : vector<256x256xf32>
    %convert_element_type3A_19 = arith.truncf %sub3A : vector<256x256xf32> to vector<256x256xbf16>
    %concatenate3A = tpu.concatenate %convert_element_type3A_17, %convert_element_type3A_19 in 1 : vector<256x256xbf16>, vector<256x256xbf16> -> vector<256x512xbf16>
    %swap3A_20 = arith.constant 0 : index
    %swap3A_21 = arith.constant 0 : index
    %swap3A_22 = vector.load %arg4[%swap3A_20, %swap3A_21] : memref<256x512xbf16, #tpu.memory_space<vmem>>, vector<256x512xbf16>
    tpu.vector_store %arg4[%swap3A_20, %swap3A_21], %concatenate3A {strides = array<i32>} : memref<256x512xbf16, #tpu.memory_space<vmem>>, vector<256x512xbf16>,
    return
  }
  func.func @transform_0(%arg0: i32) -> (i32, i32) {
    %c0_i32 = arith.constant 0 : i32
    %c0_i32_0 = arith.constant 0 : i32
    return %c0_i32, %arg0 : i32, i32
  }
  func.func @transform_1(%arg0: i32) -> (i32, i32) {
    %c0_i32 = arith.constant 0 : i32
    %c0_i32_0 = arith.constant 0 : i32
    %c0_i32_1 = arith.constant 0 : i32
    return %c0_i32, %c0_i32_0 : i32, i32
  }
  func.func @transform_2(%arg0: i32) -> (i32, i32) {
    %c0_i32 = arith.constant 0 : i32
    %c0_i32_0 = arith.constant 0 : i32
    return %arg0, %c0_i32 : i32, i32
  }
  func.func @transform_3(%arg0: i32) -> (i32, i32) {
    %c0_i32 = arith.constant 0 : i32
    %c0_i32_0 = arith.constant 0 : i32
    return %arg0, %c0_i32 : i32, i32
  }
  func.func @transform_4(%arg0: i32) -> (i32, i32) {
    %c0_i32 = arith.constant 0 : i32
    %c0_i32_0 = arith.constant 0 : i32
    return %c0_i32, %arg0 : i32, i32
  }
}

module attributes {stable_mosaic.version = 14 : i64} {
  func.func @body(%arg0: i32, %arg1: memref<400x10240xbf16, #tpu.memory_space<vmem>>, %arg2: memref<10240x512xbf16, #tpu.memory_space<vmem>>, %arg3: memref<400x1xf32, #tpu.memory_space<vmem>>, %arg4: memref<1x256xf32, #tpu.memory_space<vmem>>, %arg5: memref<400x256xf32, #tpu.memory_space<vmem>>) attributes {dimension_semantics = [#tpu.dimension_semantics<arbitrary>], iteration_bounds = array<i64: 25>, scalar_prefetch = 0 : i64, scratch_operands = 0 : i64, tpu.core_type = #tpu.core_type<tc>, window_params = [{transform_indices = @transform_0, window_bounds = array<i64: 400, 10240>}, {pipeline_mode = #tpu.pipeline_mode<synchronous>, transform_indices = @transform_1, window_bounds = array<i64: 10240, 512>}, {transform_indices = @transform_2, window_bounds = array<i64: 400, 1>}, {pipeline_mode = #tpu.pipeline_mode<synchronous>, transform_indices = @transform_3, window_bounds = array<i64: 1, 256>}, {transform_indices = @transform_4, window_bounds = array<i64: 400, 256>}]} {
    %get3A = arith.constant 0 : index
    %get3A_0 = arith.constant 0 : index
    %get3A_1 = vector.load %arg1[%get3A, %get3A_0] : memref<400x10240xbf16, #tpu.memory_space<vmem>>, vector<400x10240xbf16>
    %get3A_2 = arith.constant 0 : index
    %get3A_3 = arith.constant 0 : index
    %get3A_4 = vector.load %arg2[%get3A_2, %get3A_3] : memref<10240x512xbf16, #tpu.memory_space<vmem>>, vector<10240x512xbf16>
    %dot_general3A = arith.constant dense<0.000000e+00> : vector<400x512xf32>
    %dot_general3A_5 = tpu.matmul %get3A_1, %get3A_4, %dot_general3A {dimension_numbers = #tpu.dot_dimension_numbers<[1], [0], [0], [1], [0, 0, 1, 1], [], []>, transpose_lhs_hint = false} : vector<400x10240xbf16>, vector<10240x512xbf16>, vector<400x512xf32> -> vector<400x512xf32>
    %slice3A = vector.extract_strided_slice %dot_general3A_5 {offsets = [0, 0], sizes = [400, 256], strides = [1, 1]} : vector<400x512xf32> to vector<400x256xf32>
    %slice3A_6 = vector.extract_strided_slice %dot_general3A_5 {offsets = [0, 256], sizes = [400, 256], strides = [1, 1]} : vector<400x512xf32> to vector<400x256xf32>
    %add3A = arith.addf %slice3A, %slice3A_6 : vector<400x256xf32>
    %get3A_7 = arith.constant 0 : index
    %get3A_8 = arith.constant 0 : index
    %get3A_9 = vector.load %arg3[%get3A_7, %get3A_8] : memref<400x1xf32, #tpu.memory_space<vmem>>, vector<400x1xf32>
    %gt3A = arith.constant 0.000000e+00 : f32
    %gt3A_10 = vector.broadcast %gt3A : f32 to vector<400x1xf32>
    %gt3A_11 = arith.cmpf ogt, %get3A_9, %gt3A_10 : vector<400x1xf32>
    %div3A = arith.constant 1.000000e+00 : f32
    %div3A_12 = vector.broadcast %div3A : f32 to vector<400x1xf32>
    %div3A_13 = arith.divf %div3A_12, %get3A_9 : vector<400x1xf32>
    %jit3A = arith.constant 0.000000e+00 : f32
    %broadcast_in_dim3A = vector.broadcast %jit3A : f32 to vector<400x1xf32>
    %select_n3A = arith.select %gt3A_11, %div3A_13, %broadcast_in_dim3A : vector<400x1xi1>, vector<400x1xf32>
    %mul3A = vector.broadcast %select_n3A : vector<400x1xf32> to vector<400x256xf32>
    %mul3A_14 = arith.mulf %add3A, %mul3A : vector<400x256xf32>
    %get3A_15 = arith.constant 0 : index
    %get3A_16 = arith.constant 0 : index
    %get3A_17 = vector.load %arg4[%get3A_15, %get3A_16] : memref<1x256xf32, #tpu.memory_space<vmem>>, vector<1x256xf32>
    %add3A_18 = vector.broadcast %get3A_17 : vector<1x256xf32> to vector<400x256xf32>
    %add3A_19 = arith.addf %mul3A_14, %add3A_18 : vector<400x256xf32>
    %max3A = arith.constant 0.000000e+00 : f32
    %max3A_20 = vector.broadcast %max3A : f32 to vector<400x256xf32>
    %max3A_21 = arith.maximumf %add3A_19, %max3A_20 : vector<400x256xf32>
    %swap3A = arith.constant 0 : index
    %swap3A_22 = arith.constant 0 : index
    %swap3A_23 = vector.load %arg5[%swap3A, %swap3A_22] : memref<400x256xf32, #tpu.memory_space<vmem>>, vector<400x256xf32>
    tpu.vector_store %arg5[%swap3A, %swap3A_22], %max3A_21 {strides = array<i32>} : memref<400x256xf32, #tpu.memory_space<vmem>>, vector<400x256xf32>,
    return
  }
  func.func @transform_0(%arg0: i32) -> (i32, i32) {
    %c0_i32 = arith.constant 0 : i32
    %c0_i32_0 = arith.constant 0 : i32
    return %arg0, %c0_i32 : i32, i32
  }
  func.func @transform_1(%arg0: i32) -> (i32, i32) {
    %c0_i32 = arith.constant 0 : i32
    %c0_i32_0 = arith.constant 0 : i32
    %c0_i32_1 = arith.constant 0 : i32
    return %c0_i32, %c0_i32_0 : i32, i32
  }
  func.func @transform_2(%arg0: i32) -> (i32, i32) {
    %c0_i32 = arith.constant 0 : i32
    %c0_i32_0 = arith.constant 0 : i32
    return %arg0, %c0_i32 : i32, i32
  }
  func.func @transform_3(%arg0: i32) -> (i32, i32) {
    %c0_i32 = arith.constant 0 : i32
    %c0_i32_0 = arith.constant 0 : i32
    %c0_i32_1 = arith.constant 0 : i32
    return %c0_i32, %c0_i32_0 : i32, i32
  }
  func.func @transform_4(%arg0: i32) -> (i32, i32) {
    %c0_i32 = arith.constant 0 : i32
    %c0_i32_0 = arith.constant 0 : i32
    return %arg0, %c0_i32 : i32, i32
  }
}

module attributes {stable_mosaic.version = 14 : i64} {
  func.func @body(%arg0: i32, %arg1: memref<1000x256xf32, #tpu.memory_space<vmem>>, %arg2: memref<2x256xf32, #tpu.memory_space<vmem>>) attributes {dimension_semantics = [#tpu.dimension_semantics<arbitrary>], iteration_bounds = array<i64: 10>, scalar_prefetch = 0 : i64, scratch_operands = 0 : i64, tpu.core_type = #tpu.core_type<tc>, window_params = [{transform_indices = @transform_0, window_bounds = array<i64: 1000, 256>}, {pipeline_mode = #tpu.pipeline_mode<synchronous>, transform_indices = @transform_1, window_bounds = array<i64: 2, 256>}]} {
    %eq3A = arith.constant 0 : i32
    %eq3A_0 = arith.cmpi eq, %arg0, %eq3A : i32
    %convert_element_type3A = arith.extui %eq3A_0 : i1 to i32
    %cond3A = arith.constant 0 : i32
    %cond3A_1 = arith.cmpi ne, %convert_element_type3A, %cond3A : i32
    scf.if %cond3A_1 {
      %broadcast_in_dim3A_13 = arith.constant 0.000000e+00 : f32
      %broadcast_in_dim3A_14 = vector.broadcast %broadcast_in_dim3A_13 : f32 to vector<2x256xf32>
      %swap3A_15 = arith.constant 0 : index
      %swap3A_16 = arith.constant 0 : index
      %swap3A_17 = vector.load %arg2[%swap3A_15, %swap3A_16] : memref<2x256xf32, #tpu.memory_space<vmem>>, vector<2x256xf32>
      tpu.vector_store %arg2[%swap3A_15, %swap3A_16], %broadcast_in_dim3A_14 {strides = array<i32>} : memref<2x256xf32, #tpu.memory_space<vmem>>, vector<2x256xf32>,
    } else {
    }
    %get3A = arith.constant 0 : index
    %get3A_2 = arith.constant 0 : index
    %get3A_3 = vector.load %arg1[%get3A, %get3A_2] : memref<1000x256xf32, #tpu.memory_space<vmem>>, vector<1000x256xf32>
    %reduce_sum3A = arith.constant dense<0.000000e+00> : vector<256xf32>
    %reduce_sum3A_4 = vector.multi_reduction <add>, %get3A_3, %reduce_sum3A [0] : vector<1000x256xf32> to vector<256xf32>
    %broadcast_in_dim3A = vector.shape_cast %reduce_sum3A_4 : vector<256xf32> to vector<1x256xf32>
    %mul3A = arith.mulf %get3A_3, %get3A_3 : vector<1000x256xf32>
    %reduce_sum3A_5 = arith.constant dense<0.000000e+00> : vector<256xf32>
    %reduce_sum3A_6 = vector.multi_reduction <add>, %mul3A, %reduce_sum3A_5 [0] : vector<1000x256xf32> to vector<256xf32>
    %broadcast_in_dim3A_7 = vector.shape_cast %reduce_sum3A_6 : vector<256xf32> to vector<1x256xf32>
    %get3A_8 = arith.constant 0 : index
    %get3A_9 = arith.constant 0 : index
    %get3A_10 = vector.load %arg2[%get3A_8, %get3A_9] : memref<2x256xf32, #tpu.memory_space<vmem>>, vector<2x256xf32>
    %concatenate3A = tpu.concatenate %broadcast_in_dim3A, %broadcast_in_dim3A_7 in 0 : vector<1x256xf32>, vector<1x256xf32> -> vector<2x256xf32>
    %add3A = arith.addf %get3A_10, %concatenate3A : vector<2x256xf32>
    %swap3A = arith.constant 0 : index
    %swap3A_11 = arith.constant 0 : index
    %swap3A_12 = vector.load %arg2[%swap3A, %swap3A_11] : memref<2x256xf32, #tpu.memory_space<vmem>>, vector<2x256xf32>
    tpu.vector_store %arg2[%swap3A, %swap3A_11], %add3A {strides = array<i32>} : memref<2x256xf32, #tpu.memory_space<vmem>>, vector<2x256xf32>,
    return
  }
  func.func @transform_0(%arg0: i32) -> (i32, i32) {
    %c0_i32 = arith.constant 0 : i32
    %c0_i32_0 = arith.constant 0 : i32
    return %arg0, %c0_i32 : i32, i32
  }
  func.func @transform_1(%arg0: i32) -> (i32, i32) {
    %c0_i32 = arith.constant 0 : i32
    %c0_i32_0 = arith.constant 0 : i32
    %c0_i32_1 = arith.constant 0 : i32
    return %c0_i32, %c0_i32_0 : i32, i32
  }
}

module attributes {stable_mosaic.version = 14 : i64} {
  func.func @body(%arg0: i32, %arg1: memref<1000x256xf32, #tpu.memory_space<vmem>>, %arg2: memref<2x256xf32, #tpu.memory_space<vmem>>, %arg3: memref<1x256xf32, #tpu.memory_space<vmem>>, %arg4: memref<1x256xf32, #tpu.memory_space<vmem>>, %arg5: memref<256x256xf32, #tpu.memory_space<vmem>>, %arg6: memref<1000x512xbf16, #tpu.memory_space<vmem>>) attributes {dimension_semantics = [#tpu.dimension_semantics<arbitrary>], iteration_bounds = array<i64: 10>, scalar_prefetch = 0 : i64, scratch_operands = 0 : i64, tpu.core_type = #tpu.core_type<tc>, window_params = [{transform_indices = @transform_0, window_bounds = array<i64: 1000, 256>}, {pipeline_mode = #tpu.pipeline_mode<synchronous>, transform_indices = @transform_1, window_bounds = array<i64: 2, 256>}, {pipeline_mode = #tpu.pipeline_mode<synchronous>, transform_indices = @transform_2, window_bounds = array<i64: 1, 256>}, {pipeline_mode = #tpu.pipeline_mode<synchronous>, transform_indices = @transform_3, window_bounds = array<i64: 1, 256>}, {pipeline_mode = #tpu.pipeline_mode<synchronous>, transform_indices = @transform_4, window_bounds = array<i64: 256, 256>}, {transform_indices = @transform_5, window_bounds = array<i64: 1000, 512>}]} {
    %get3A = arith.constant 0 : index
    %get3A_0 = arith.constant 0 : index
    %get3A_1 = vector.load %arg2[%get3A, %get3A_0] : memref<2x256xf32, #tpu.memory_space<vmem>>, vector<1x256xf32>
    %mul3A = arith.constant 9.99999974E-5 : f32
    %mul3A_2 = vector.broadcast %mul3A : f32 to vector<1x256xf32>
    %mul3A_3 = arith.mulf %get3A_1, %mul3A_2 : vector<1x256xf32>
    %get3A_4 = arith.constant 1 : index
    %get3A_5 = arith.constant 0 : index
    %get3A_6 = vector.load %arg2[%get3A_4, %get3A_5] : memref<2x256xf32, #tpu.memory_space<vmem>>, vector<1x256xf32>
    %mul3A_7 = arith.constant 9.99999974E-5 : f32
    %mul3A_8 = vector.broadcast %mul3A_7 : f32 to vector<1x256xf32>
    %mul3A_9 = arith.mulf %get3A_6, %mul3A_8 : vector<1x256xf32>
    %mul3A_10 = arith.mulf %mul3A_3, %mul3A_3 : vector<1x256xf32>
    %sub3A = arith.subf %mul3A_9, %mul3A_10 : vector<1x256xf32>
    %get3A_11 = arith.constant 0 : index
    %get3A_12 = arith.constant 0 : index
    %get3A_13 = vector.load %arg3[%get3A_11, %get3A_12] : memref<1x256xf32, #tpu.memory_space<vmem>>, vector<1x256xf32>
    %add3A = arith.constant 9.99999974E-6 : f32
    %add3A_14 = vector.broadcast %add3A : f32 to vector<1x256xf32>
    %add3A_15 = arith.addf %sub3A, %add3A_14 : vector<1x256xf32>
    %rsqrt3A = math.rsqrt %add3A_15 : vector<1x256xf32>
    %mul3A_16 = arith.mulf %get3A_13, %rsqrt3A : vector<1x256xf32>
    %get3A_17 = arith.constant 0 : index
    %get3A_18 = arith.constant 0 : index
    %get3A_19 = vector.load %arg4[%get3A_17, %get3A_18] : memref<1x256xf32, #tpu.memory_space<vmem>>, vector<1x256xf32>
    %mul3A_20 = arith.mulf %mul3A_3, %mul3A_16 : vector<1x256xf32>
    %sub3A_21 = arith.subf %get3A_19, %mul3A_20 : vector<1x256xf32>
    %get3A_22 = arith.constant 0 : index
    %get3A_23 = arith.constant 0 : index
    %get3A_24 = vector.load %arg1[%get3A_22, %get3A_23] : memref<1000x256xf32, #tpu.memory_space<vmem>>, vector<1000x256xf32>
    %mul3A_25 = vector.broadcast %mul3A_16 : vector<1x256xf32> to vector<1000x256xf32>
    %mul3A_26 = arith.mulf %get3A_24, %mul3A_25 : vector<1000x256xf32>
    %add3A_27 = vector.broadcast %sub3A_21 : vector<1x256xf32> to vector<1000x256xf32>
    %add3A_28 = arith.addf %mul3A_26, %add3A_27 : vector<1000x256xf32>
    %get3A_29 = arith.constant 0 : index
    %get3A_30 = arith.constant 0 : index
    %get3A_31 = vector.load %arg5[%get3A_29, %get3A_30] : memref<256x256xf32, #tpu.memory_space<vmem>>, vector<256x256xf32>
    %dot_general3A = arith.constant dense<0.000000e+00> : vector<1000x256xf32>
    %dot_general3A_32 = tpu.matmul %add3A_28, %get3A_31, %dot_general3A {dimension_numbers = #tpu.dot_dimension_numbers<[1], [0], [0], [1], [0, 0, 1, 1], [], []>, transpose_lhs_hint = false} : vector<1000x256xf32>, vector<256x256xf32>, vector<1000x256xf32> -> vector<1000x256xf32>
    %convert_element_type3A = arith.truncf %dot_general3A_32 : vector<1000x256xf32> to vector<1000x256xbf16>
    %convert_element_type3A_33 = arith.extf %convert_element_type3A : vector<1000x256xbf16> to vector<1000x256xf32>
    %sub3A_34 = arith.subf %dot_general3A_32, %convert_element_type3A_33 : vector<1000x256xf32>
    %convert_element_type3A_35 = arith.truncf %sub3A_34 : vector<1000x256xf32> to vector<1000x256xbf16>
    %concatenate3A = tpu.concatenate %convert_element_type3A, %convert_element_type3A_35 in 1 : vector<1000x256xbf16>, vector<1000x256xbf16> -> vector<1000x512xbf16>
    %swap3A = arith.constant 0 : index
    %swap3A_36 = arith.constant 0 : index
    %swap3A_37 = vector.load %arg6[%swap3A, %swap3A_36] : memref<1000x512xbf16, #tpu.memory_space<vmem>>, vector<1000x512xbf16>
    tpu.vector_store %arg6[%swap3A, %swap3A_36], %concatenate3A {strides = array<i32>} : memref<1000x512xbf16, #tpu.memory_space<vmem>>, vector<1000x512xbf16>,
    return
  }
  func.func @transform_0(%arg0: i32) -> (i32, i32) {
    %c0_i32 = arith.constant 0 : i32
    %c0_i32_0 = arith.constant 0 : i32
    return %arg0, %c0_i32 : i32, i32
  }
  func.func @transform_1(%arg0: i32) -> (i32, i32) {
    %c0_i32 = arith.constant 0 : i32
    %c0_i32_0 = arith.constant 0 : i32
    %c0_i32_1 = arith.constant 0 : i32
    return %c0_i32, %c0_i32_0 : i32, i32
  }
  func.func @transform_2(%arg0: i32) -> (i32, i32) {
    %c0_i32 = arith.constant 0 : i32
    %c0_i32_0 = arith.constant 0 : i32
    %c0_i32_1 = arith.constant 0 : i32
    return %c0_i32, %c0_i32_0 : i32, i32
  }
  func.func @transform_3(%arg0: i32) -> (i32, i32) {
    %c0_i32 = arith.constant 0 : i32
    %c0_i32_0 = arith.constant 0 : i32
    %c0_i32_1 = arith.constant 0 : i32
    return %c0_i32, %c0_i32_0 : i32, i32
  }
  func.func @transform_4(%arg0: i32) -> (i32, i32) {
    %c0_i32 = arith.constant 0 : i32
    %c0_i32_0 = arith.constant 0 : i32
    %c0_i32_1 = arith.constant 0 : i32
    return %c0_i32, %c0_i32_0 : i32, i32
  }
  func.func @transform_5(%arg0: i32) -> (i32, i32) {
    %c0_i32 = arith.constant 0 : i32
    %c0_i32_0 = arith.constant 0 : i32
    return %arg0, %c0_i32 : i32, i32
  }
}

module attributes {stable_mosaic.version = 14 : i64} {
  func.func @body(%arg0: i32, %arg1: memref<10000x512xbf16, #tpu.memory_space<vmem>>, %arg2: memref<10000x512xbf16, #tpu.memory_space<vmem>>, %arg3: memref<512x1xf32, #tpu.memory_space<vmem>>, %arg4: memref<512x512xbf16, #tpu.memory_space<vmem>>) attributes {dimension_semantics = [#tpu.dimension_semantics<arbitrary>], iteration_bounds = array<i64: 20>, scalar_prefetch = 0 : i64, scratch_operands = 0 : i64, tpu.core_type = #tpu.core_type<tc>, window_params = [{transform_indices = @transform_0, window_bounds = array<i64: 10000, 512>}, {pipeline_mode = #tpu.pipeline_mode<synchronous>, transform_indices = @transform_1, window_bounds = array<i64: 10000, 512>}, {transform_indices = @transform_2, window_bounds = array<i64: 512, 1>}, {transform_indices = @transform_3, window_bounds = array<i64: 512, 512>}]} {
    %get3A = arith.constant 0 : index
    %get3A_0 = arith.constant 0 : index
    %get3A_1 = vector.load %arg1[%get3A, %get3A_0] : memref<10000x512xbf16, #tpu.memory_space<vmem>>, vector<10000x512xbf16>
    %get3A_2 = arith.constant 0 : index
    %get3A_3 = arith.constant 0 : index
    %get3A_4 = vector.load %arg2[%get3A_2, %get3A_3] : memref<10000x512xbf16, #tpu.memory_space<vmem>>, vector<10000x512xbf16>
    %dot_general3A = arith.constant dense<0.000000e+00> : vector<512x512xf32>
    %dot_general3A_5 = tpu.matmul %get3A_1, %get3A_4, %dot_general3A {dimension_numbers = #tpu.dot_dimension_numbers<[0], [0], [1], [1], [0, 1, 1, 1], [], []>, transpose_lhs_hint = false} : vector<10000x512xbf16>, vector<10000x512xbf16>, vector<512x512xf32> -> vector<512x512xf32>
    %get3A_6 = arith.constant 0 : index
    %get3A_7 = arith.constant 0 : index
    %get3A_8 = vector.load %arg3[%get3A_6, %get3A_7] : memref<512x1xf32, #tpu.memory_space<vmem>>, vector<512x1xf32>
    %gt3A = arith.constant 0.000000e+00 : f32
    %gt3A_9 = vector.broadcast %gt3A : f32 to vector<512x1xf32>
    %gt3A_10 = arith.cmpf ogt, %get3A_8, %gt3A_9 : vector<512x1xf32>
    %div3A = arith.constant 1.000000e+00 : f32
    %div3A_11 = vector.broadcast %div3A : f32 to vector<512x1xf32>
    %div3A_12 = arith.divf %div3A_11, %get3A_8 : vector<512x1xf32>
    %jit3A = arith.constant 0.000000e+00 : f32
    %broadcast_in_dim3A = vector.broadcast %jit3A : f32 to vector<512x1xf32>
    %select_n3A = arith.select %gt3A_10, %div3A_12, %broadcast_in_dim3A : vector<512x1xi1>, vector<512x1xf32>
    %slice3A = vector.extract_strided_slice %dot_general3A_5 {offsets = [0, 0], sizes = [512, 256], strides = [1, 1]} : vector<512x512xf32> to vector<512x256xf32>
    %slice3A_13 = vector.extract_strided_slice %dot_general3A_5 {offsets = [0, 256], sizes = [512, 256], strides = [1, 1]} : vector<512x512xf32> to vector<512x256xf32>
    %add3A = arith.addf %slice3A, %slice3A_13 : vector<512x256xf32>
    %mul3A = vector.broadcast %select_n3A : vector<512x1xf32> to vector<512x256xf32>
    %mul3A_14 = arith.mulf %add3A, %mul3A : vector<512x256xf32>
    %convert_element_type3A = arith.truncf %mul3A_14 : vector<512x256xf32> to vector<512x256xbf16>
    %convert_element_type3A_15 = arith.extf %convert_element_type3A : vector<512x256xbf16> to vector<512x256xf32>
    %sub3A = arith.subf %mul3A_14, %convert_element_type3A_15 : vector<512x256xf32>
    %convert_element_type3A_16 = arith.truncf %sub3A : vector<512x256xf32> to vector<512x256xbf16>
    %concatenate3A = tpu.concatenate %convert_element_type3A, %convert_element_type3A_16 in 1 : vector<512x256xbf16>, vector<512x256xbf16> -> vector<512x512xbf16>
    %swap3A = arith.constant 0 : index
    %swap3A_17 = arith.constant 0 : index
    %swap3A_18 = vector.load %arg4[%swap3A, %swap3A_17] : memref<512x512xbf16, #tpu.memory_space<vmem>>, vector<512x512xbf16>
    tpu.vector_store %arg4[%swap3A, %swap3A_17], %concatenate3A {strides = array<i32>} : memref<512x512xbf16, #tpu.memory_space<vmem>>, vector<512x512xbf16>,
    return
  }
  func.func @transform_0(%arg0: i32) -> (i32, i32) {
    %c0_i32 = arith.constant 0 : i32
    %c0_i32_0 = arith.constant 0 : i32
    return %c0_i32, %arg0 : i32, i32
  }
  func.func @transform_1(%arg0: i32) -> (i32, i32) {
    %c0_i32 = arith.constant 0 : i32
    %c0_i32_0 = arith.constant 0 : i32
    %c0_i32_1 = arith.constant 0 : i32
    return %c0_i32, %c0_i32_0 : i32, i32
  }
  func.func @transform_2(%arg0: i32) -> (i32, i32) {
    %c0_i32 = arith.constant 0 : i32
    %c0_i32_0 = arith.constant 0 : i32
    return %arg0, %c0_i32 : i32, i32
  }
  func.func @transform_3(%arg0: i32) -> (i32, i32) {
    %c0_i32 = arith.constant 0 : i32
    %c0_i32_0 = arith.constant 0 : i32
    return %arg0, %c0_i32 : i32, i32
  }
}

module attributes {stable_mosaic.version = 14 : i64} {
  func.func @body(%arg0: i32, %arg1: memref<400x10240xbf16, #tpu.memory_space<vmem>>, %arg2: memref<10240x512xbf16, #tpu.memory_space<vmem>>, %arg3: memref<400x1xf32, #tpu.memory_space<vmem>>, %arg4: memref<1x256xf32, #tpu.memory_space<vmem>>, %arg5: memref<400x256xf32, #tpu.memory_space<vmem>>) attributes {dimension_semantics = [#tpu.dimension_semantics<arbitrary>], iteration_bounds = array<i64: 25>, scalar_prefetch = 0 : i64, scratch_operands = 0 : i64, tpu.core_type = #tpu.core_type<tc>, window_params = [{transform_indices = @transform_0, window_bounds = array<i64: 400, 10240>}, {pipeline_mode = #tpu.pipeline_mode<synchronous>, transform_indices = @transform_1, window_bounds = array<i64: 10240, 512>}, {transform_indices = @transform_2, window_bounds = array<i64: 400, 1>}, {pipeline_mode = #tpu.pipeline_mode<synchronous>, transform_indices = @transform_3, window_bounds = array<i64: 1, 256>}, {transform_indices = @transform_4, window_bounds = array<i64: 400, 256>}]} {
    %get3A = arith.constant 0 : index
    %get3A_0 = arith.constant 0 : index
    %get3A_1 = vector.load %arg1[%get3A, %get3A_0] : memref<400x10240xbf16, #tpu.memory_space<vmem>>, vector<400x10240xbf16>
    %get3A_2 = arith.constant 0 : index
    %get3A_3 = arith.constant 0 : index
    %get3A_4 = vector.load %arg2[%get3A_2, %get3A_3] : memref<10240x512xbf16, #tpu.memory_space<vmem>>, vector<10240x512xbf16>
    %dot_general3A = arith.constant dense<0.000000e+00> : vector<400x512xf32>
    %dot_general3A_5 = tpu.matmul %get3A_1, %get3A_4, %dot_general3A {dimension_numbers = #tpu.dot_dimension_numbers<[1], [0], [0], [1], [0, 0, 1, 1], [], []>, transpose_lhs_hint = false} : vector<400x10240xbf16>, vector<10240x512xbf16>, vector<400x512xf32> -> vector<400x512xf32>
    %slice3A = vector.extract_strided_slice %dot_general3A_5 {offsets = [0, 0], sizes = [400, 256], strides = [1, 1]} : vector<400x512xf32> to vector<400x256xf32>
    %slice3A_6 = vector.extract_strided_slice %dot_general3A_5 {offsets = [0, 256], sizes = [400, 256], strides = [1, 1]} : vector<400x512xf32> to vector<400x256xf32>
    %add3A = arith.addf %slice3A, %slice3A_6 : vector<400x256xf32>
    %get3A_7 = arith.constant 0 : index
    %get3A_8 = arith.constant 0 : index
    %get3A_9 = vector.load %arg3[%get3A_7, %get3A_8] : memref<400x1xf32, #tpu.memory_space<vmem>>, vector<400x1xf32>
    %gt3A = arith.constant 0.000000e+00 : f32
    %gt3A_10 = vector.broadcast %gt3A : f32 to vector<400x1xf32>
    %gt3A_11 = arith.cmpf ogt, %get3A_9, %gt3A_10 : vector<400x1xf32>
    %div3A = arith.constant 1.000000e+00 : f32
    %div3A_12 = vector.broadcast %div3A : f32 to vector<400x1xf32>
    %div3A_13 = arith.divf %div3A_12, %get3A_9 : vector<400x1xf32>
    %jit3A = arith.constant 0.000000e+00 : f32
    %broadcast_in_dim3A = vector.broadcast %jit3A : f32 to vector<400x1xf32>
    %select_n3A = arith.select %gt3A_11, %div3A_13, %broadcast_in_dim3A : vector<400x1xi1>, vector<400x1xf32>
    %mul3A = vector.broadcast %select_n3A : vector<400x1xf32> to vector<400x256xf32>
    %mul3A_14 = arith.mulf %add3A, %mul3A : vector<400x256xf32>
    %get3A_15 = arith.constant 0 : index
    %get3A_16 = arith.constant 0 : index
    %get3A_17 = vector.load %arg4[%get3A_15, %get3A_16] : memref<1x256xf32, #tpu.memory_space<vmem>>, vector<1x256xf32>
    %add3A_18 = vector.broadcast %get3A_17 : vector<1x256xf32> to vector<400x256xf32>
    %add3A_19 = arith.addf %mul3A_14, %add3A_18 : vector<400x256xf32>
    %max3A = arith.constant 0.000000e+00 : f32
    %max3A_20 = vector.broadcast %max3A : f32 to vector<400x256xf32>
    %max3A_21 = arith.maximumf %add3A_19, %max3A_20 : vector<400x256xf32>
    %swap3A = arith.constant 0 : index
    %swap3A_22 = arith.constant 0 : index
    %swap3A_23 = vector.load %arg5[%swap3A, %swap3A_22] : memref<400x256xf32, #tpu.memory_space<vmem>>, vector<400x256xf32>
    tpu.vector_store %arg5[%swap3A, %swap3A_22], %max3A_21 {strides = array<i32>} : memref<400x256xf32, #tpu.memory_space<vmem>>, vector<400x256xf32>,
    return
  }
  func.func @transform_0(%arg0: i32) -> (i32, i32) {
    %c0_i32 = arith.constant 0 : i32
    %c0_i32_0 = arith.constant 0 : i32
    return %arg0, %c0_i32 : i32, i32
  }
  func.func @transform_1(%arg0: i32) -> (i32, i32) {
    %c0_i32 = arith.constant 0 : i32
    %c0_i32_0 = arith.constant 0 : i32
    %c0_i32_1 = arith.constant 0 : i32
    return %c0_i32, %c0_i32_0 : i32, i32
  }
  func.func @transform_2(%arg0: i32) -> (i32, i32) {
    %c0_i32 = arith.constant 0 : i32
    %c0_i32_0 = arith.constant 0 : i32
    return %arg0, %c0_i32 : i32, i32
  }
  func.func @transform_3(%arg0: i32) -> (i32, i32) {
    %c0_i32 = arith.constant 0 : i32
    %c0_i32_0 = arith.constant 0 : i32
    %c0_i32_1 = arith.constant 0 : i32
    return %c0_i32, %c0_i32_0 : i32, i32
  }
  func.func @transform_4(%arg0: i32) -> (i32, i32) {
    %c0_i32 = arith.constant 0 : i32
    %c0_i32_0 = arith.constant 0 : i32
    return %arg0, %c0_i32 : i32, i32
  }
}

</mosaic_0001>

<sc_bundles>
// kernel: kernel.14.cloned.1.call-start
scs
__scs_entry_jumppad:
0x0: {  	(pc) =	sbr.rel $0x88, $3  }
0x1: {  	(tag) =	ssettag $0x0;
	lr =	simm.s32 $0x1  }
0x2: {  	[smem:$0x3F95] =	sst lr;
	_ =	strace $0xD0000000  }
0x3: {  	_ = 	snop  }
0x4: {  	_ = 	snop  }
0x5: {  	_ = 	snop  }
0x6: {  	_ = 	snop  }
0x7: {  	_ = 	snop  }
__scs_overlays_trampoline_lowered:
0x8: {  	[smem:$0x3FA4] =	sst s0  }
0x9: {  	[smem:$0x3FA5] =	sst s1  }
0xa: {  	[smem:$0x3FA6] =	sst s2  }
0xb: {  	[smem:$0x3FA7] =	sst s3  }
0xc: {  	[smem:$0x3FA8] =	sst s4  }
0xd: {  	[smem:$0x3FA9] =	sst s5  }
0xe: {  	[smem:$0x3FAA] =	sst s6  }
0xf: {  	[smem:$0x3FAB] =	sst s7  }
0x10: {  	[smem:$0x3FAC] =	sst s8  }
0x11: {  	[smem:$0x3FAD] =	sst s9;
	s0 =	simm.s32 @!p0 $0x0  }
0x12: {  	s1 =	sld [smem:$0x3F93];
	s0 =	simm.s32 @p0 $0x1  }
0x13: {  	[smem:$0x3FAE] =	sst s0;
	s0 =	simm.s32 @!p1 $0x0  }
0x14: {  	s2 =	sld [smem:$0x3F92];
	s0 =	simm.s32 @p1 $0x1  }
0x15: {  	[smem:$0x3FAF] =	sst s0;
	s0 =	simm.s32 @!p2 $0x0  }
0x16: {  	s3 =	sld [smem:$0x3FDB];
	s0 =	simm.s32 @p2 $0x1  }
0x17: {  	s4 =	simm.s32 $0x1BF5;
	[smem:$0x3FB1] =	sst s0  }
0x18: {  	s0 =	sld [smem:$0x3F94];
	_ =	swait.ge [sflag:s4], $0x0  }
0x19: {  	s7 =	sld [smem:$0x3F95]  }
0x1a: {  	s8 =	sadd.s32 $0xFFFFE003, lr  }
0x1b: {  	s9 =	sadd.s32 $0xFFFFFEF7, lr;
	s5 =	simm.s32 $0xFFFFFFFF;
	p2 =	slt.u32 s8, $0xFFFFF086  }
0x1c: {  	p1 =	slt.u32 s9, $0xF7A;
	s5 =	simm.s32 @!p2 $0x0  }
0x1d: {  	s5 =	simm.s32 @p1 $0x1;
	p0 =	seq.s32 s7, s2  }
0x1e: {  	s7 =	smul.u32 @!p0 $0xF7A, s2;
	p2 =	seq.s32 @!p0 s5, $0x0  }
0x1f: {  	s9 =	smul.u32 $0xF7A, s1;
	s8 =	simm.s32 @!p0 $0x1BF5;
	p2 =	por !p2, p0  }
0x20: {  	[sflag:s8] =	ssyncset.s32 @!p0 $0xFFFFF086;
	s6 =	sadd.s32 @!p0 s3, s7;
	s7 =	simm.s32 @!p0 $0x108  }
0x21: {  	s3 =	sadd.s32 s3, s9;
	s6 =	sadd.s32 @!p0 $0x88, s6;
	s7 =	simm.s32 @p2 $0x1082  }
0x22: {  	[simem:s7], [sflag:s8] =	dma.local @!p0 [hbm:s6], $0xF7A  }
0x23: {  	s9 =	sor.u32 $0xD0000000, s2;
	s6 =	simm.s32 $0x108;
	_ =	swait.ge @!p0 [sflag:s8], $0x0  }
0x24: {  	s3 =	sadd.s32 $0x88, s3;
	s6 =	simm.s32 @!p1 $0x1082;
	[sflag:s4] =	ssyncset.s32 $0xFFFFF086  }
0x25: {  	[simem:s6], [sflag:s4] =	dma.local [hbm:s3], $0xF7A  }
0x26: {  	[smem:$0x3F95] =	sst s1;
	(tag) =	ssettag s2;
	_ =	strace s9  }
0x27: {  	s1 =	sld [smem:$0x3FA5]  }
0x28: {  	s2 =	sld [smem:$0x3FA6]  }
0x29: {  	s4 =	sld [smem:$0x3FA8]  }
0x2a: {  	p0 =	seq.s32 s5, $0x0;
	s5 =	sld [smem:$0x3FA9]  }
0x2b: {  	s6 =	sld [smem:$0x3FAA]  }
0x2c: {  	s7 =	sld [smem:$0x3FAB]  }
0x2d: {  	s3 =	simm.s32 $0x108;
	s8 =	sld [smem:$0x3FAC]  }
0x2e: {  	s3 =	simm.s32 @!p0 $0x1082;
	s9 =	sld [smem:$0x3FAD]  }
0x2f: {  	lr =	sadd.s32 s0, s3;
	s0 =	sld [smem:$0x3FA4]  }
0x30: {  	s3 =	sld [smem:$0x3FA7]  }
0x31: {  	[smem:$0x3FB0] =	sst s10  }
0x32: {  	s10 =	sld [smem:$0x3FAE];
	_ =	sdelay $0x3  }
0x33: {  	p0 =	seq.s32 s10, $0x1;
	s10 =	sld [smem:$0x3FB0];
	_ =	sdelay $0x3  }
0x34: {  	[smem:$0x3FB0] =	sst s10  }
0x35: {  	s10 =	sld [smem:$0x3FAF];
	_ =	sdelay $0x3  }
0x36: {  	p1 =	seq.s32 s10, $0x1;
	s10 =	sld [smem:$0x3FB0];
	_ =	sdelay $0x3  }
0x37: {  	[smem:$0x3FB0] =	sst s10  }
0x38: {  	s10 =	sld [smem:$0x3FB1]  }
0x39: {  	_ = 	snop;
	(pc) =	sbr.ind lr, $3  }
0x3a: {  	_ = 	snop  }
0x3b: {  	_ = 	snop  }
0x3c: {  	p2 =	seq.s32 s10, $0x1;
	s10 =	sld [smem:$0x3FB0]  }
0x3d: {  	_ =	shalt  }
0x3e: {  	_ =	shalt  }
0x3f: {  	_ =	shalt  }
0x40: {  	_ =	shalt  }
0x41: {  	_ =	shalt  }
0x42: {  	_ =	shalt  }
0x43: {  	_ =	shalt  }
0x44: {  	_ =	shalt  }
0x45: {  	_ =	shalt  }
0x46: {  	_ =	shalt  }
0x47: {  	_ =	shalt  }
0x48: {  	_ =	shalt  }
0x49: {  	_ =	shalt  }
0x4a: {  	_ =	shalt  }
0x4b: {  	_ =	shalt  }
0x4c: {  	_ =	shalt  }
0x4d: {  	_ =	shalt  }
0x4e: {  	_ =	shalt  }
0x4f: {  	_ =	shalt  }
0x50: {  	_ =	shalt  }
0x51: {  	_ =	shalt  }
0x52: {  	_ =	shalt  }
0x53: {  	_ =	shalt  }
0x54: {  	_ =	shalt  }
0x55: {  	_ =	shalt  }
0x56: {  	_ =	shalt  }
0x57: {  	_ =	shalt  }
0x58: {  	_ =	shalt  }
0x59: {  	_ =	shalt  }
0x5a: {  	_ =	shalt  }
0x5b: {  	_ =	shalt  }
0x5c: {  	_ =	shalt  }
0x5d: {  	_ =	shalt  }
0x5e: {  	_ =	shalt  }
0x5f: {  	_ =	shalt  }
0x60: {  	_ =	shalt  }
0x61: {  	_ =	shalt  }
0x62: {  	_ =	shalt  }
0x63: {  	_ =	shalt  }
0x64: {  	_ =	shalt  }
0x65: {  	_ =	shalt  }
0x66: {  	_ =	shalt  }
0x67: {  	_ =	shalt  }
0x68: {  	_ =	shalt  }
0x69: {  	_ =	shalt  }
0x6a: {  	_ =	shalt  }
0x6b: {  	_ =	shalt  }
0x6c: {  	_ =	shalt  }
0x6d: {  	_ =	shalt  }
0x6e: {  	_ =	shalt  }
0x6f: {  	_ =	shalt  }
0x70: {  	_ =	shalt  }
0x71: {  	_ =	shalt  }
0x72: {  	_ =	shalt  }
0x73: {  	_ =	shalt  }
0x74: {  	_ =	shalt  }
0x75: {  	_ =	shalt  }
0x76: {  	_ =	shalt  }
0x77: {  	_ =	shalt  }
0x78: {  	_ =	shalt  }
0x79: {  	_ =	shalt  }
0x7a: {  	_ =	shalt  }
0x7b: {  	_ =	shalt  }
0x7c: {  	_ =	shalt  }
0x7d: {  	_ =	shalt  }
0x7e: {  	_ =	shalt  }
0x7f: {  	_ =	shalt  }
0x80: {  	_ =	shalt  }
0x81: {  	_ =	shalt  }
0x82: {  	_ =	shalt  }
0x83: {  	_ =	shalt  }
0x84: {  	_ =	shalt  }
0x85: {  	_ =	shalt  }
0x86: {  	_ =	shalt  }
0x87: {  	_ =	shalt  }
.Lfunc_end0:
.L_simem_size_0:
called_computation_lowered:
.L_overlay_start_0:
0x88: {  	s2 =	sld [smem:$0x3FD9]  }
0x89: {  	s3 =	sld [smem:$0x3FFE];
	_ =	sdelay $0x1  }
0x8a: {  	s1 =	srdreg.scid  }
0x8b: {  	s0 =	sand.u32 $0x1, s1  }
0x8c: {  	s16 =	sshll.u32 s0, $0xA;
	s2 =	sadd.s32 s3, s2  }
0x8d: {  	s2 =	sadd.s32 s2, s16  }
0x8e: {  	[smem:$0x3FBC] =	sst s2  }
0x8f: {  	_ = 	snop  }
0x90: {  	(tm) =	ssettm $0x1  }
0x91: {  	s17 =	sld [smem:$0x3FFB];
	_ =	sdelay $0x3  }
0x92: {  	_ =	strace s17  }
0x93: {  	s2 =	sld [smem:$0x3FFC];
	_ =	sdelay $0x3  }
0x94: {  	_ =	strace s2  }
0x95: {  	s2 =	sld [smem:$0x3FFD];
	_ =	sdelay $0x3  }
0x96: {  	_ =	strace s2  }
0x97: {  	_ =	strace $0x8FFFFFFF  }
0x98: {  	s18 =	sld [smem:$0x3FDB];
	_ =	sdelay $0x1  }
0x99: {  	s19 =	simm.s32 $_scs_section_size  }
0x9a: {  	s4 =	simm.s32 $_size__tile_overlayer_lowered;
	s5 =	simm.s32 $_tile_overlayer_lowered  }
0x9b: {  	s22 =	simm.s32 $0x1BFF;
	s21 =	sshll.u32 s5, $0x1;
	s2 =	sadd.s32 s19, s18  }
0x9c: {  	s6 =	simm.s32 $0x0;
	s20 =	sshll.u32 s4, $0x1;
	s4 =	sadd.s32 s21, s2  }
0x9d: {  	[timem:s6], [sflag:s22] =	dma.local [hbm:s4], s20  }
0x9e: {  	_ =	swait.ge [sflag:s22], s20  }
0x9f: {  	s3 =	ssub.s32 $0x0, s20;
	[sflag:s22] =	ssyncset.done $0x0  }
0xa0: {  	[sflag:s22] =	ssyncadd.s32 s3;
	_ =	sdelay $0x1  }
0xa1: {  	s23 =	simm.s32 $0x1B8B  }
0xa2: {  	_ =	swait.ge [sflag:s23], $0x1  }
0xa3: {  	[sflag:s23] =	ssyncset.done $0x0  }
0xa4: {  	s25 =	simm.s32 $0x1B8E;
	s24 =	sld [smem:$0x3FFE];
	[sflag:s23] =	ssyncadd.s32 $0xFFFFFFFF  }
0xa5: {  	s26 =	simm.s32 $execute0_lowered;
	[smem:$0x3FD2] =	sst s25  }
0xa6: {  	s4 =	sshll.u32 s26, $0x1;
	_ =	strace $0x80000046;
	[dreg:$0x1] =	wrdreg $0xFFFFFFFF  }
0xa7: {  	s28 =	simm.s32 $_size_execute0_lowered;
	s2 =	sadd.s32 s2, s4;
	[dreg:$0x0] =	wrdreg $0x0  }
0xa8: {  	s4 =	sshll.u32 s28, $0x1;
	[dreg:$0x2] =	wrdreg s2  }
0xa9: {  	[dreg:$0x3] =	wrdreg s4  }
0xaa: {  	[dreg:$0x4] =	wrdreg $0xC0  }
0xab: {  	_ =	task [dreg:s6], $0x5FFFF  }
0xac: {  	[dreg:$0x1] =	wrdreg $0xFFFFFFFF  }
0xad: {  	[dreg:$0x0] =	wrdreg $0x60  }
0xae: {  	[dreg:$0x2] =	wrdreg s24  }
0xaf: {  	[dreg:$0x3] =	wrdreg $0xF0000  }
0xb0: {  	[dreg:$0x4] =	wrdreg $0x1EA400  }
0xb1: {  	[dreg:$0x5] =	wrdreg $0x9  }
0xb2: {  	_ =	task.clear_ibuf [dreg:s6], $0x6FFFF;
	_ =	strace $0x90000046  }
0xb3: {  	s29 =	simm.s32 $0x9;
	_ =	strace $0x80000048  }
0xb4: {  	_ =	swait.ge [sflag:s29], $0x1  }
0xb5: {  	[sflag:s29] =	ssyncadd.s32 $0xFFFFFFFF  }
0xb6: {  	_ =	strace $0x90000048  }
0xb7: {  	_ =	sfence  }
0xb8: {  	s30 =	sld [smem:$0x0];
	_ =	sdelay $0x2  }
0xb9: {  	s31 =	sshll.u32 s1, $0xD;
	s1 =	sshrl.u32 s1, $0x2  }
0xba: {  	s3 =	sand.u32 $0x4000, s31;
	s1 =	sadd.s32 s1, s30  }
0xbb: {  	s0 =	sor.u32 s3, s0;
	s1 =	sshll.u32 s1, $0x11  }
0xbc: {  	s0 =	sor.u32 s1, s0  }
0xbd: {  	s0 =	sadd.s32 $0x8F2B, s0  }
0xbe: {  	[sflag:s0] =	ssyncadd.remote.s32 $0x1  }
0xbf: {  	_ =	sfence.sel $0xFFFF  }
0xc0: {  	[dreg:$0x0] =	wrdreg $0xFFFFFFFF;
	(pc) =	sbr.abs _section_cstart, $3  }
0xc1: {  	[dreg:$0x1] =	wrdreg $0xFFFFFFFF  }
0xc2: {  	_ =	task.clear_ibuf [dreg:s6], $0x2FFFF;
	_ =	strace $0x9FFFFFFF  }
0xc3: {  	(tm) =	ssettm $0x7FFFFFFF  }
tec
execute0_lowered:
.L_overlay_start_1:
0x0: {  	(tag) =	ssettag $0x1  }
0x1: {  	s0 =	rddreg [dreg:$0x0]  }
0x2: {  	s1 =	rddreg [dreg:$0x1]  }
0x3: {  	s2 =	stileid.u32;
	s3 =	rddreg [dreg:$0x2]  }
0x4: {  	s4 =	simm.s32 $0x0;
	s6 =	srdreg.scid;
	s18 =	simm.s32 $0x2800  }
0x5: {  	s19 =	simm.s32 $0x5000;
	s20 =	simm.s32 $0x7800;
	s22 =	simm.s32 $0xA000  }
0x6: {  	s23 =	simm.s32 $0xC800;
	s5 =	smul.u32 $0x2800, s2;
	[smem:$0x7FF] =	sst s4  }
0x7: {  	s17 =	simm.s32 $0x1;
	s8 =	sadd.s32 $0xC50400, s0;
	s9 =	sadd.s32 $0xC4FE00, s0  }
0x8: {  	s12 =	smul.u32 $0xFA00, s2;
	p1 =	seq.s32 s2, $0x0;
	s21 =	sadd.s32 $0xFA000, s1  }
0x9: {  	_ =	strace $0x80000047;
	s7 =	sshrl.u32 s5, $0x3;
	s5 =	sand.u32 $0x1, s6  }
0xa: {  	s6 =	sadd.s32 $0x18E00, s0;
	s15 =	sadd.s32 s12, s1;
	s14 =	sadd.s32 s7, s0  }
0xb: {  	s10 =	ssub.s32 $0x2, s5;
	s7 =	sadd.s32 $0x1AE00, s0;
	p0 =	seq.s32 s5, $0x1  }
0xc: {  	s24 =	sor.u32 s5, s2;
	p3 =	sne.s32 s5, $0x0;
	s11 =	sshrl.u32 s10, $0x1  }
0xd: {  	s13 =	sadd.s32 $0x9E00, s14;
	p1 =	por !p1, !p0;
	p4 =	sne.s32 s24, $0x0  }
0xe: {  	s24 =	simm.s32 $0x0;
	s31 =	ssub.s32 s10, s11;
	s10 =	sadd.s32 $0x4E00, s14  }
0xf: {  	s11 =	sadd.s32 $0xEE00, s14;
	p2 =	por !p1, !p1;
	p1 =	sne.s32 s2, $0x0  }
0x10: {  	v0 =	vimm.f32 $1.000000000e+00;
	s14 =	sadd.s32 $0x13E00, s14;
	s16 =	smax.u32 s31, $0x1;
	s21 =	sshrl.u32 @!p1 s21, $0x3  }
.LBB2_1:
0x11: {  	s0 =	simm.s32 $0xC840  }
0x12: {  	[tilespmem:s0+$0xFFFFFFC0] =	vst v0  }
0x13: {  	[tilespmem:s0+$0x30] =	vst v0  }
0x14: {  	[tilespmem:s0+$0x20] =	vst v0  }
0x15: {  	[tilespmem:s0+$0x10] =	vst v0  }
0x16: {  	[tilespmem:s0+$0x0] =	vst v0  }
0x17: {  	[tilespmem:s0+$0xFFFFFFF0] =	vst v0  }
0x18: {  	s25 =	simm.s32 $0x0;
	[tilespmem:s0+$0xFFFFFFE0] =	vst v0  }
.LBB2_2:
0x19: {  	s25 =	sadd.s32 $0x8, s25;
	[tilespmem:s0+$0xFFFFFFD0] =	vst v0;
	s0 =	sadd.s32 $0x80, s0  }
0x1a: {  	[tilespmem:s0+$0xFFFFFFC0] =	vst v0;
	p5 =	slt.u32 s25, $0x278  }
0x1b: {  	[tilespmem:s0+$0x30] =	vst v0  }
.Ltmp0:
0x1c: {  	[tilespmem:s0+$0x20] =	vst v0;
	(pc) =	sbr.rel @p5 .LBB2_2-.Ltmp0, $4  }
0x1d: {  	[tilespmem:s0+$0x10] =	vst v0  }
0x1e: {  	[tilespmem:s0+$0x0] =	vst v0  }
0x1f: {  	[tilespmem:s0+$0xFFFFFFF0] =	vst v0  }
0x20: {  	[tilespmem:s0+$0xFFFFFFE0] =	vst v0  }
0x21: {  	[tilespmem:s0+$0xFFFFFFD0] =	vst v0  }
0x22: {  	[tilespmem:s4], [sflag:$0x1] =	stream.linear.gather [hbm4b:s10+s4], $0x2800, $0x38;
	[tilespmem:$0x1ED00] =	vst v63  }
0x23: {  	_ =	swait.ge [sflag:s17], $0x2800  }
0x24: {  	[sflag:s17] =	ssyncset.done $0x0  }
0x25: {  	[sflag:s17] =	ssyncadd.s32 $0xFFFFD800  }
0x26: {  	[tilespmem:s18], [sflag:$0x1] =	stream.linear.gather [hbm4b:s11+s4], $0x2800, $0x38;
	[tilespmem:$0x1ED00] =	vst v63  }
0x27: {  	_ =	swait.ge [sflag:s17], $0x2800  }
0x28: {  	[sflag:s17] =	ssyncset.done $0x0  }
0x29: {  	[sflag:s17] =	ssyncadd.s32 $0xFFFFD800  }
0x2a: {  	[tilespmem:s19], [sflag:$0x1] =	stream.linear.gather [hbm4b:s13+s4], $0x2800, $0x38;
	[tilespmem:$0x1ED00] =	vst v63  }
0x2b: {  	_ =	swait.ge [sflag:s17], $0x2800  }
0x2c: {  	[sflag:s17] =	ssyncset.done $0x0  }
0x2d: {  	[sflag:s17] =	ssyncadd.s32 $0xFFFFD800  }
0x2e: {  	[tilespmem:s20], [sflag:$0x1] =	stream.linear.gather [hbm4b:s14+s4], $0x2800, $0x38;
	[tilespmem:$0x1ED00] =	vst v63  }
0x2f: {  	_ =	swait.ge [sflag:s17], $0x2800  }
0x30: {  	s31 =	sshll.u32 s2, $0x6;
	[sflag:s17] =	ssyncset.done $0x0  }
0x31: {  	s26 =	sshrl.u32 s15, $0x3;
	s25 =	sor.u32 $0x1C01, s31;
	[sflag:s17] =	ssyncadd.s32 $0xFFFFD800  }
0x32: {  	[spmem:s26], [sflag:s25] =	dma.local [hbm:s6], $0x1F40  }
0x33: {  	_ =	swait.ge [sflag:s17], $0x1F40  }
0x34: {  	[sflag:s17] =	ssyncset.done $0x0  }
0x35: {  	s0 =	simm.s32 @!p1 $0x1;
	[sflag:s17] =	ssyncadd.s32 $0xFFFFE0C0  }
0x36: {  	[spmem:s21], [sflag:s25] =	dma.local @!p1 [hbm:s6], $0x80  }
0x37: {  	_ =	swait.ge @!p1 [sflag:s0], $0x80  }
0x38: {  	[sflag:s0] =	ssyncset.done @!p1 $0x0  }
0x39: {  	s28 =	sshrl.u32 @!p1 s3, $0x3;
	[sflag:s0] =	ssyncadd.s32 @!p1 $0xFFFFFF80  }
0x3a: {  	[spmem:s28], [sflag:s25] =	dma.local @!p1 [hbm:s6], $0x580  }
.Ltmp1:
0x3b: {  	_ =	swait.ge @!p1 [sflag:s0], $0x580;
	(pc) =	sbr.rel @p3 .LBB2_7-.Ltmp1, $3  }
0x3c: {  	[sflag:s0] =	ssyncset.done @!p1 $0x0  }
0x3d: {  	[sflag:s0] =	ssyncadd.s32 @!p1 $0xFFFFFA80  }
0x3e: {  	[bflag:$0x0] =	sbarrier.arrive $0xFFFF;
	_ =	sdelay $0x1  }
0x3f: {  	s29 =	simm.s32 $0x0  }
0x40: {  	v1 =	vld [tilespmem:s29+$0x70]  }
0x41: {  	v3 =	vld [tilespmem:s29+$0x10]  }
0x42: {  	v4 =	vld [tilespmem:s29+$0x20]  }
0x43: {  	v5 =	vld [tilespmem:s29+$0x30]  }
0x44: {  	v8 =	vld [tilespmem:s29+$0x40]  }
0x45: {  	v9 =	vld [tilespmem:s29+$0x50]  }
0x46: {  	v10 =	vld [tilespmem:s29+$0x60];
	_ =	sdelay $0x1  }
0x47: {  	v2 =	vld [tilespmem:s29+$0x0];
	v6 =	vand.u32 $0x3FF, v1;
	vm0 =	vlt.u32 v1, $0x2800;
	vm1 =	vlt.u32 v3, $0x2800  }
0x48: {  	v14 =	vand.u32 $0x3FF, v5;
	vm2 =	vlt.u32 v4, $0x2800;
	v6 =	vor.u32 $0x2800, v6  }
0x49: {  	v16 =	vand.u32 $0x3FF, v8;
	vm3 =	vlt.u32 v5, $0x2800;
	v1 =	vsel vm0, v1, v6  }
0x4a: {  	s28 =	simm.s32 $0x80;
	v17 =	vand.u32 $0x3FF, v9;
	v62 =	vand.u32 $0x3FF, v10;
	vm4 =	vlt.u32 v10, $0x2800;
	[tilespmem:s29+$0xA070] =	vst v1  }
0x4b: {  	v14 =	vor.u32 $0x2800, v14;
	v16 =	vor.u32 $0x2800, v16;
	v6 =	vand.u32 $0x3FF, v3;
	v11 =	vld [tilespmem:s28+$0x70]  }
0x4c: {  	vm0 =	vlt.u32 v2, $0x2800;
	v1 =	vand.u32 $0x3FF, v2;
	v13 =	vor.u32 $0x2800, v6;
	v6 =	vld [tilespmem:s28+$0x0]  }
0x4d: {  	v14 =	vsel vm3, v5, v14;
	v12 =	vor.u32 $0x2800, v1;
	v1 =	vand.u32 $0x3FF, v4;
	v7 =	vld [tilespmem:s28+$0x10]  }
0x4e: {  	v13 =	vsel vm1, v3, v13;
	v15 =	vor.u32 $0x2800, v1;
	v1 =	vld [tilespmem:s28+$0x20];
	v12 =	vsel vm0, v2, v12  }
0x4f: {  	vm1 =	vlt.u32 v9, $0x2800;
	v2 =	vld [tilespmem:s28+$0x30];
	vm0 =	vlt.u32 v8, $0x2800;
	[tilespmem:s29+$0xA000] =	vst v12;
	v12 =	vor.u32 $0x2800, v17  }
0x50: {  	v17 =	vor.u32 $0x2800, v62;
	v3 =	vld [tilespmem:s28+$0x40];
	[tilespmem:s29+$0xA010] =	vst v13;
	v13 =	vsel vm2, v4, v15;
	v15 =	vsel vm0, v8, v16  }
0x51: {  	v63 =	vsel vm1, v9, v12;
	v9 =	vsel vm4, v10, v17;
	v5 =	vand.u32 $0x3FF, v11  }
0x52: {  	v4 =	vld [tilespmem:s28+$0x50];
	[tilespmem:s29+$0xA020] =	vst v13;
	v8 =	vand.u32 $0x3FF, v6;
	vm0 =	vlt.u32 v11, $0x2800;
	v10 =	vor.u32 $0x2800, v5  }
0x53: {  	v12 =	vand.u32 $0x3FF, v7;
	vm1 =	vlt.u32 v7, $0x2800;
	v5 =	vld [tilespmem:s28+$0x60];
	[tilespmem:s29+$0xA030] =	vst v14;
	v11 =	vsel vm0, v11, v10  }
0x54: {  	v8 =	vor.u32 $0x2800, v8;
	v10 =	vor.u32 $0x2800, v12;
	v12 =	vand.u32 $0x3FF, v1;
	[tilespmem:s28+$0xA070] =	vst v11  }
0x55: {  	vm2 =	vlt.u32 v1, $0x2800;
	v11 =	vor.u32 $0x2800, v12;
	v12 =	vand.u32 $0x3FF, v2;
	[tilespmem:s29+$0xA040] =	vst v15  }
0x56: {  	s30 =	simm.s32 $0x100;
	s0 =	simm.s32 $0x600;
	vm0 =	vlt.u32 v6, $0x2800;
	v13 =	vand.u32 $0x3FF, v3;
	v12 =	vor.u32 $0x2800, v12;
	[tilespmem:s29+$0xA050] =	vst v63  }
.LBB2_5:
0x57: {  	p5 =	sne.s32 s0, $0x9E00;
	v14 =	vld [tilespmem:s30+$0x70];
	vm3 =	vlt.u32 v2, $0x2800;
	v13 =	vor.u32 $0x2800, v13;
	v15 =	vand.u32 $0x3FF, v4;
	[tilespmem:s29+$0xA060] =	vst v9;
	s29 =	smov.u32 s28;
	s28 =	smov.u32 s30  }
0x58: {  	vm4 =	vlt.u32 v3, $0x2800;
	v16 =	vld [tilespmem:s28+$0x0];
	v9 =	vor.u32 $0x2800, v15;
	v15 =	vand.u32 $0x3FF, v5  }
0x59: {  	vm5 =	vlt.u32 v4, $0x2800;
	vm6 =	vlt.u32 v5, $0x2800;
	v17 =	vld [tilespmem:s28+$0x10];
	v15 =	vor.u32 $0x2800, v15  }
0x5a: {  	v6 =	vsel vm0, v6, v8;
	v7 =	vsel vm1, v7, v10;
	v8 =	vsel vm2, v1, v11;
	v1 =	vld [tilespmem:s28+$0x20]  }
0x5b: {  	v10 =	vsel vm3, v2, v12;
	v12 =	vsel vm4, v3, v13;
	v18 =	vsel vm5, v4, v9;
	[tilespmem:s29+$0xA000] =	vst v6;
	v2 =	vld [tilespmem:s28+$0x30]  }
0x5c: {  	v9 =	vsel vm6, v5, v15;
	v3 =	vld [tilespmem:s28+$0x40];
	v11 =	vand.u32 $0x3FF, v14;
	[tilespmem:s29+$0xA010] =	vst v7  }
.Ltmp2:
0x5d: {  	vm0 =	vlt.u32 v14, $0x2800;
	v5 =	vand.u32 $0x3FF, v16;
	v4 =	vld [tilespmem:s28+$0x50];
	v15 =	vor.u32 $0x2800, v11;
	[tilespmem:s29+$0xA020] =	vst v8;
	v6 =	vmovc v16;
	(pc) =	sbr.rel @p5 .LBB2_5-.Ltmp2, $4  }
0x5e: {  	v8 =	vor.u32 $0x2800, v5;
	v11 =	vand.u32 $0x3FF, v17;
	v5 =	vld [tilespmem:s28+$0x60];
	v13 =	vsel vm0, v14, v15;
	[tilespmem:s29+$0xA030] =	vst v10;
	v7 =	vmovc v17  }
0x5f: {  	vm0 =	vlt.u32 v6, $0x2800;
	v10 =	vor.u32 $0x2800, v11;
	v11 =	vand.u32 $0x3FF, v1;
	[tilespmem:s28+$0xA070] =	vst v13  }
0x60: {  	vm1 =	vlt.u32 v7, $0x2800;
	v11 =	vor.u32 $0x2800, v11;
	v13 =	vand.u32 $0x3FF, v2;
	[tilespmem:s29+$0xA040] =	vst v12  }
0x61: {  	s30 =	sshra.s32 s0, $0x2;
	s0 =	sadd.s32 $0x200, s0;
	vm2 =	vlt.u32 v1, $0x2800;
	v12 =	vor.u32 $0x2800, v13;
	v13 =	vand.u32 $0x3FF, v3;
	[tilespmem:s29+$0xA050] =	vst v18  }
0x62: {  	v14 =	vld [tilespmem:s30+$0x70];
	[tilespmem:s29+$0xA060] =	vst v9  }
0x63: {  	v6 =	vsel vm0, v6, v8;
	vm14 =	vlt.u32 v2, $0x2800;
	v9 =	vld [tilespmem:s30+$0x0]  }
0x64: {  	v50 =	vor.u32 $0x2800, v13;
	v51 =	vand.u32 $0x3FF, v4;
	v7 =	vsel vm1, v7, v10;
	v15 =	vld [tilespmem:s30+$0x10]  }
0x65: {  	vm15 =	vlt.u32 v3, $0x2800;
	vm3 =	vlt.u32 v4, $0x2800;
	v1 =	vsel vm2, v1, v11;
	v16 =	vld [tilespmem:s30+$0x20]  }
0x66: {  	v49 =	vld [tilespmem:s30+$0x30];
	[tilespmem:s28+$0xA000] =	vst v6;
	v13 =	vor.u32 $0x2800, v51;
	v17 =	vand.u32 $0x3FF, v5;
	vm4 =	vlt.u32 v5, $0x2800  }
0x67: {  	v2 =	vsel vm14, v2, v12;
	v52 =	vld [tilespmem:s30+$0x40];
	[tilespmem:s28+$0xA010] =	vst v7;
	v53 =	vor.u32 $0x2800, v17;
	v54 =	vand.u32 $0x3FF, v14  }
0x68: {  	v7 =	vld [tilespmem:s30+$0x50];
	[tilespmem:s28+$0xA020] =	vst v1;
	v1 =	vsel vm15, v3, v50;
	vm8 =	vlt.u32 v14, $0x2800;
	v3 =	vor.u32 $0x2800, v54  }
0x69: {  	v4 =	vsel vm3, v4, v13;
	v55 =	vld [tilespmem:s30+$0x60];
	[tilespmem:s28+$0xA030] =	vst v2;
	v2 =	vsel vm4, v5, v53;
	v3 =	vsel vm8, v14, v3  }
0x6a: {  	v56 =	vand.u32 $0x3FF, v9;
	v58 =	vand.u32 $0x3FF, v15;
	vm9 =	vlt.u32 v9, $0x2800;
	[tilespmem:s30+$0xA070] =	vst v3  }
0x6b: {  	v59 =	vand.u32 $0x3FF, v16;
	vm10 =	vlt.u32 v15, $0x2800;
	v60 =	vand.u32 $0x3FF, v49;
	[tilespmem:s28+$0xA040] =	vst v1  }
0x6c: {  	vm11 =	vlt.u32 v16, $0x2800;
	vm12 =	vlt.u32 v49, $0x2800;
	v57 =	vor.u32 $0x2800, v56;
	[tilespmem:s28+$0xA050] =	vst v4  }
0x6d: {  	v61 =	vor.u32 $0x2800, v60;
	v3 =	vor.u32 $0x2800, v58;
	[tilespmem:s28+$0xA060] =	vst v2;
	v2 =	vsel vm9, v9, v57  }
0x6e: {  	v62 =	vand.u32 $0x3FF, v52;
	vm13 =	vlt.u32 v52, $0x2800;
	v3 =	vsel vm10, v15, v3;
	[tilespmem:s30+$0xA000] =	vst v2  }
0x6f: {  	v63 =	vand.u32 $0x3FF, v7;
	v1 =	vor.u32 $0x2800, v59;
	v4 =	vsel vm12, v49, v61;
	[tilespmem:s30+$0xA010] =	vst v3  }
0x70: {  	vm14 =	vlt.u32 v7, $0x2800;
	v2 =	vor.u32 $0x2800, v62;
	v1 =	vsel vm11, v16, v1;
	[tilespmem:s30+$0xA030] =	vst v4  }
0x71: {  	v3 =	vor.u32 $0x2800, v63;
	[tilespmem:s30+$0xA020] =	vst v1;
	v1 =	vand.u32 $0x3FF, v55;
	v2 =	vsel vm13, v52, v2  }
0x72: {  	vm15 =	vlt.u32 v55, $0x2800;
	v3 =	vsel vm14, v7, v3;
	v1 =	vor.u32 $0x2800, v1;
	[tilespmem:s30+$0xA040] =	vst v2  }
0x73: {  	[tilespmem:s30+$0xA050] =	vst v3;
	v1 =	vsel vm15, v55, v1  }
0x74: {  	[tilespmem:s30+$0xA060] =	vst v1  }
.LBB2_7:
.Ltmp3:
0x75: {  	(pc) =	sbr.rel @!p0 .LBB2_11-.Ltmp3, $1  }
0x76: {  	_ =	sdelay $0x3  }
0x77: {  	s29 =	simm.s32 $0x0  }
0x78: {  	v1 =	vld [tilespmem:s29+$0x2870]  }
0x79: {  	v3 =	vld [tilespmem:s29+$0x2810]  }
0x7a: {  	v4 =	vld [tilespmem:s29+$0x2820]  }
0x7b: {  	v5 =	vld [tilespmem:s29+$0x2830]  }
0x7c: {  	v8 =	vld [tilespmem:s29+$0x2840]  }
0x7d: {  	v9 =	vld [tilespmem:s29+$0x2850]  }
0x7e: {  	v10 =	vld [tilespmem:s29+$0x2860];
	_ =	sdelay $0x1  }
0x7f: {  	v2 =	vld [tilespmem:s29+$0x2800];
	v6 =	vand.u32 $0x3FF, v1;
	vm0 =	vlt.u32 v1, $0x2800;
	vm1 =	vlt.u32 v3, $0x2800  }
0x80: {  	v14 =	vand.u32 $0x3FF, v5;
	vm2 =	vlt.u32 v4, $0x2800;
	v6 =	vor.u32 $0x2800, v6  }
0x81: {  	v16 =	vand.u32 $0x3FF, v8;
	vm3 =	vlt.u32 v5, $0x2800;
	v1 =	vsel vm0, v1, v6  }
0x82: {  	s28 =	simm.s32 $0x80;
	v17 =	vand.u32 $0x3FF, v9;
	v62 =	vand.u32 $0x3FF, v10;
	vm4 =	vlt.u32 v10, $0x2800;
	[tilespmem:s29+$0xA070] =	vst v1  }
0x83: {  	v14 =	vor.u32 $0x2800, v14;
	v16 =	vor.u32 $0x2800, v16;
	v6 =	vand.u32 $0x3FF, v3;
	v11 =	vld [tilespmem:s28+$0x2870]  }
0x84: {  	vm0 =	vlt.u32 v2, $0x2800;
	v1 =	vand.u32 $0x3FF, v2;
	v13 =	vor.u32 $0x2800, v6;
	v6 =	vld [tilespmem:s28+$0x2800]  }
0x85: {  	v14 =	vsel vm3, v5, v14;
	v12 =	vor.u32 $0x2800, v1;
	v1 =	vand.u32 $0x3FF, v4;
	v7 =	vld [tilespmem:s28+$0x2810]  }
0x86: {  	v13 =	vsel vm1, v3, v13;
	v15 =	vor.u32 $0x2800, v1;
	v1 =	vld [tilespmem:s28+$0x2820];
	v12 =	vsel vm0, v2, v12  }
0x87: {  	vm1 =	vlt.u32 v9, $0x2800;
	v2 =	vld [tilespmem:s28+$0x2830];
	vm0 =	vlt.u32 v8, $0x2800;
	[tilespmem:s29+$0xA000] =	vst v12;
	v12 =	vor.u32 $0x2800, v17  }
0x88: {  	v17 =	vor.u32 $0x2800, v62;
	v3 =	vld [tilespmem:s28+$0x2840];
	[tilespmem:s29+$0xA010] =	vst v13;
	v13 =	vsel vm2, v4, v15;
	v15 =	vsel vm0, v8, v16  }
0x89: {  	v63 =	vsel vm1, v9, v12;
	v9 =	vsel vm4, v10, v17;
	v5 =	vand.u32 $0x3FF, v11  }
0x8a: {  	v4 =	vld [tilespmem:s28+$0x2850];
	[tilespmem:s29+$0xA020] =	vst v13;
	v8 =	vand.u32 $0x3FF, v6;
	vm0 =	vlt.u32 v11, $0x2800;
	v10 =	vor.u32 $0x2800, v5  }
0x8b: {  	v12 =	vand.u32 $0x3FF, v7;
	vm1 =	vlt.u32 v7, $0x2800;
	v5 =	vld [tilespmem:s28+$0x2860];
	[tilespmem:s29+$0xA030] =	vst v14;
	v11 =	vsel vm0, v11, v10  }
0x8c: {  	v8 =	vor.u32 $0x2800, v8;
	v10 =	vor.u32 $0x2800, v12;
	v12 =	vand.u32 $0x3FF, v1;
	[tilespmem:s28+$0xA070] =	vst v11  }
0x8d: {  	vm2 =	vlt.u32 v1, $0x2800;
	v11 =	vor.u32 $0x2800, v12;
	v12 =	vand.u32 $0x3FF, v2;
	[tilespmem:s29+$0xA040] =	vst v15  }
0x8e: {  	s30 =	simm.s32 $0x100;
	s0 =	simm.s32 $0x600;
	vm0 =	vlt.u32 v6, $0x2800;
	v13 =	vand.u32 $0x3FF, v3;
	v12 =	vor.u32 $0x2800, v12;
	[tilespmem:s29+$0xA050] =	vst v63  }
.LBB2_9:
0x8f: {  	p5 =	sne.s32 s0, $0x9E00;
	v14 =	vld [tilespmem:s30+$0x2870];
	vm3 =	vlt.u32 v2, $0x2800;
	v13 =	vor.u32 $0x2800, v13;
	v15 =	vand.u32 $0x3FF, v4;
	[tilespmem:s29+$0xA060] =	vst v9;
	s29 =	smov.u32 s28;
	s28 =	smov.u32 s30  }
0x90: {  	vm4 =	vlt.u32 v3, $0x2800;
	v16 =	vld [tilespmem:s28+$0x2800];
	v9 =	vor.u32 $0x2800, v15;
	v15 =	vand.u32 $0x3FF, v5  }
0x91: {  	vm5 =	vlt.u32 v4, $0x2800;
	vm6 =	vlt.u32 v5, $0x2800;
	v17 =	vld [tilespmem:s28+$0x2810];
	v15 =	vor.u32 $0x2800, v15  }
0x92: {  	v6 =	vsel vm0, v6, v8;
	v7 =	vsel vm1, v7, v10;
	v8 =	vsel vm2, v1, v11;
	v1 =	vld [tilespmem:s28+$0x2820]  }
0x93: {  	v10 =	vsel vm3, v2, v12;
	v12 =	vsel vm4, v3, v13;
	v18 =	vsel vm5, v4, v9;
	[tilespmem:s29+$0xA000] =	vst v6;
	v2 =	vld [tilespmem:s28+$0x2830]  }
0x94: {  	v9 =	vsel vm6, v5, v15;
	v3 =	vld [tilespmem:s28+$0x2840];
	v11 =	vand.u32 $0x3FF, v14;
	[tilespmem:s29+$0xA010] =	vst v7  }
.Ltmp4:
0x95: {  	vm0 =	vlt.u32 v14, $0x2800;
	v5 =	vand.u32 $0x3FF, v16;
	v4 =	vld [tilespmem:s28+$0x2850];
	v15 =	vor.u32 $0x2800, v11;
	[tilespmem:s29+$0xA020] =	vst v8;
	v6 =	vmovc v16;
	(pc) =	sbr.rel @p5 .LBB2_9-.Ltmp4, $4  }
0x96: {  	v8 =	vor.u32 $0x2800, v5;
	v11 =	vand.u32 $0x3FF, v17;
	v5 =	vld [tilespmem:s28+$0x2860];
	v13 =	vsel vm0, v14, v15;
	[tilespmem:s29+$0xA030] =	vst v10;
	v7 =	vmovc v17  }
0x97: {  	vm0 =	vlt.u32 v6, $0x2800;
	v10 =	vor.u32 $0x2800, v11;
	v11 =	vand.u32 $0x3FF, v1;
	[tilespmem:s28+$0xA070] =	vst v13  }
0x98: {  	vm1 =	vlt.u32 v7, $0x2800;
	v11 =	vor.u32 $0x2800, v11;
	v13 =	vand.u32 $0x3FF, v2;
	[tilespmem:s29+$0xA040] =	vst v12  }
0x99: {  	s30 =	sshra.s32 s0, $0x2;
	s0 =	sadd.s32 $0x200, s0;
	vm2 =	vlt.u32 v1, $0x2800;
	v12 =	vor.u32 $0x2800, v13;
	v13 =	vand.u32 $0x3FF, v3;
	[tilespmem:s29+$0xA050] =	vst v18  }
0x9a: {  	v14 =	vld [tilespmem:s30+$0x2870];
	[tilespmem:s29+$0xA060] =	vst v9  }
0x9b: {  	v6 =	vsel vm0, v6, v8;
	vm14 =	vlt.u32 v2, $0x2800;
	v9 =	vld [tilespmem:s30+$0x2800]  }
0x9c: {  	v50 =	vor.u32 $0x2800, v13;
	v51 =	vand.u32 $0x3FF, v4;
	v7 =	vsel vm1, v7, v10;
	v15 =	vld [tilespmem:s30+$0x2810]  }
0x9d: {  	vm15 =	vlt.u32 v3, $0x2800;
	vm3 =	vlt.u32 v4, $0x2800;
	v1 =	vsel vm2, v1, v11;
	v16 =	vld [tilespmem:s30+$0x2820]  }
0x9e: {  	v49 =	vld [tilespmem:s30+$0x2830];
	[tilespmem:s28+$0xA000] =	vst v6;
	v13 =	vor.u32 $0x2800, v51;
	v17 =	vand.u32 $0x3FF, v5;
	vm4 =	vlt.u32 v5, $0x2800  }
0x9f: {  	v2 =	vsel vm14, v2, v12;
	v52 =	vld [tilespmem:s30+$0x2840];
	[tilespmem:s28+$0xA010] =	vst v7;
	v53 =	vor.u32 $0x2800, v17;
	v54 =	vand.u32 $0x3FF, v14  }
0xa0: {  	v7 =	vld [tilespmem:s30+$0x2850];
	[tilespmem:s28+$0xA020] =	vst v1;
	v1 =	vsel vm15, v3, v50;
	vm8 =	vlt.u32 v14, $0x2800;
	v3 =	vor.u32 $0x2800, v54  }
0xa1: {  	v4 =	vsel vm3, v4, v13;
	v55 =	vld [tilespmem:s30+$0x2860];
	[tilespmem:s28+$0xA030] =	vst v2;
	v2 =	vsel vm4, v5, v53;
	v3 =	vsel vm8, v14, v3  }
0xa2: {  	v56 =	vand.u32 $0x3FF, v9;
	v58 =	vand.u32 $0x3FF, v15;
	vm9 =	vlt.u32 v9, $0x2800;
	[tilespmem:s30+$0xA070] =	vst v3  }
0xa3: {  	v59 =	vand.u32 $0x3FF, v16;
	vm10 =	vlt.u32 v15, $0x2800;
	v60 =	vand.u32 $0x3FF, v49;
	[tilespmem:s28+$0xA040] =	vst v1  }
0xa4: {  	vm11 =	vlt.u32 v16, $0x2800;
	vm12 =	vlt.u32 v49, $0x2800;
	v57 =	vor.u32 $0x2800, v56;
	[tilespmem:s28+$0xA050] =	vst v4  }
0xa5: {  	v61 =	vor.u32 $0x2800, v60;
	v3 =	vor.u32 $0x2800, v58;
	[tilespmem:s28+$0xA060] =	vst v2;
	v2 =	vsel vm9, v9, v57  }
0xa6: {  	v62 =	vand.u32 $0x3FF, v52;
	vm13 =	vlt.u32 v52, $0x2800;
	v3 =	vsel vm10, v15, v3;
	[tilespmem:s30+$0xA000] =	vst v2  }
0xa7: {  	v63 =	vand.u32 $0x3FF, v7;
	v1 =	vor.u32 $0x2800, v59;
	v4 =	vsel vm12, v49, v61;
	[tilespmem:s30+$0xA010] =	vst v3  }
0xa8: {  	vm14 =	vlt.u32 v7, $0x2800;
	v2 =	vor.u32 $0x2800, v62;
	v1 =	vsel vm11, v16, v1;
	[tilespmem:s30+$0xA030] =	vst v4  }
0xa9: {  	v3 =	vor.u32 $0x2800, v63;
	[tilespmem:s30+$0xA020] =	vst v1;
	v1 =	vand.u32 $0x3FF, v55;
	v2 =	vsel vm13, v52, v2  }
0xaa: {  	vm15 =	vlt.u32 v55, $0x2800;
	v3 =	vsel vm14, v7, v3;
	v1 =	vor.u32 $0x2800, v1;
	[tilespmem:s30+$0xA040] =	vst v2  }
0xab: {  	[tilespmem:s30+$0xA050] =	vst v3;
	v1 =	vsel vm15, v55, v1  }
0xac: {  	[tilespmem:s30+$0xA060] =	vst v1  }
.LBB2_11:
.Ltmp5:
0xad: {  	(pc) =	sbr.rel @p3 .LBB2_15-.Ltmp5, $4  }
0xae: {  	[spmem:s3] =	stream.indirect.scatter.add.f32 [tilespmem:s23], [sflag:$0x1], $0x1, s22, s18, $0xb8;
	[tilespmem:$0x1ED00] =	vst v63  }
0xaf: {  	_ =	swait.ge [sflag:s17], $0x2800  }
0xb0: {  	[sflag:s17] =	ssyncset.done $0x0  }
0xb1: {  	[sflag:s17] =	ssyncadd.s32 $0xFFFFD800  }
0xb2: {  	s29 =	simm.s32 $0x0  }
0xb3: {  	v1 =	vld [tilespmem:s29+$0x5070]  }
0xb4: {  	v3 =	vld [tilespmem:s29+$0x5010]  }
0xb5: {  	v4 =	vld [tilespmem:s29+$0x5020]  }
0xb6: {  	v5 =	vld [tilespmem:s29+$0x5030]  }
0xb7: {  	v8 =	vld [tilespmem:s29+$0x5040]  }
0xb8: {  	v9 =	vld [tilespmem:s29+$0x5050]  }
0xb9: {  	v10 =	vld [tilespmem:s29+$0x5060];
	_ =	sdelay $0x1  }
0xba: {  	v2 =	vld [tilespmem:s29+$0x5000];
	v6 =	vand.u32 $0x3FF, v1;
	vm0 =	vlt.u32 v1, $0x2800;
	vm1 =	vlt.u32 v3, $0x2800  }
0xbb: {  	v14 =	vand.u32 $0x3FF, v5;
	vm2 =	vlt.u32 v4, $0x2800;
	v6 =	vor.u32 $0x2800, v6  }
0xbc: {  	v16 =	vand.u32 $0x3FF, v8;
	vm3 =	vlt.u32 v5, $0x2800;
	v1 =	vsel vm0, v1, v6  }
0xbd: {  	s28 =	simm.s32 $0x80;
	v17 =	vand.u32 $0x3FF, v9;
	v62 =	vand.u32 $0x3FF, v10;
	vm4 =	vlt.u32 v10, $0x2800;
	[tilespmem:s29+$0xA070] =	vst v1  }
0xbe: {  	v14 =	vor.u32 $0x2800, v14;
	v16 =	vor.u32 $0x2800, v16;
	v6 =	vand.u32 $0x3FF, v3;
	v11 =	vld [tilespmem:s28+$0x5070]  }
0xbf: {  	vm0 =	vlt.u32 v2, $0x2800;
	v1 =	vand.u32 $0x3FF, v2;
	v13 =	vor.u32 $0x2800, v6;
	v6 =	vld [tilespmem:s28+$0x5000]  }
0xc0: {  	v14 =	vsel vm3, v5, v14;
	v12 =	vor.u32 $0x2800, v1;
	v1 =	vand.u32 $0x3FF, v4;
	v7 =	vld [tilespmem:s28+$0x5010]  }
0xc1: {  	v13 =	vsel vm1, v3, v13;
	v15 =	vor.u32 $0x2800, v1;
	v1 =	vld [tilespmem:s28+$0x5020];
	v12 =	vsel vm0, v2, v12  }
0xc2: {  	vm1 =	vlt.u32 v9, $0x2800;
	v2 =	vld [tilespmem:s28+$0x5030];
	vm0 =	vlt.u32 v8, $0x2800;
	[tilespmem:s29+$0xA000] =	vst v12;
	v12 =	vor.u32 $0x2800, v17  }
0xc3: {  	v17 =	vor.u32 $0x2800, v62;
	v3 =	vld [tilespmem:s28+$0x5040];
	[tilespmem:s29+$0xA010] =	vst v13;
	v13 =	vsel vm2, v4, v15;
	v15 =	vsel vm0, v8, v16  }
0xc4: {  	v63 =	vsel vm1, v9, v12;
	v9 =	vsel vm4, v10, v17;
	v5 =	vand.u32 $0x3FF, v11  }
0xc5: {  	v4 =	vld [tilespmem:s28+$0x5050];
	[tilespmem:s29+$0xA020] =	vst v13;
	v8 =	vand.u32 $0x3FF, v6;
	vm0 =	vlt.u32 v11, $0x2800;
	v10 =	vor.u32 $0x2800, v5  }
0xc6: {  	v12 =	vand.u32 $0x3FF, v7;
	vm1 =	vlt.u32 v7, $0x2800;
	v5 =	vld [tilespmem:s28+$0x5060];
	[tilespmem:s29+$0xA030] =	vst v14;
	v11 =	vsel vm0, v11, v10  }
0xc7: {  	v8 =	vor.u32 $0x2800, v8;
	v10 =	vor.u32 $0x2800, v12;
	v12 =	vand.u32 $0x3FF, v1;
	[tilespmem:s28+$0xA070] =	vst v11  }
0xc8: {  	vm2 =	vlt.u32 v1, $0x2800;
	v11 =	vor.u32 $0x2800, v12;
	v12 =	vand.u32 $0x3FF, v2;
	[tilespmem:s29+$0xA040] =	vst v15  }
0xc9: {  	s30 =	simm.s32 $0x100;
	s0 =	simm.s32 $0x600;
	vm0 =	vlt.u32 v6, $0x2800;
	v13 =	vand.u32 $0x3FF, v3;
	v12 =	vor.u32 $0x2800, v12;
	[tilespmem:s29+$0xA050] =	vst v63  }
.LBB2_13:
0xca: {  	p5 =	sne.s32 s0, $0x9E00;
	v14 =	vld [tilespmem:s30+$0x5070];
	vm3 =	vlt.u32 v2, $0x2800;
	v13 =	vor.u32 $0x2800, v13;
	v15 =	vand.u32 $0x3FF, v4;
	[tilespmem:s29+$0xA060] =	vst v9;
	s29 =	smov.u32 s28;
	s28 =	smov.u32 s30  }
0xcb: {  	vm4 =	vlt.u32 v3, $0x2800;
	v16 =	vld [tilespmem:s28+$0x5000];
	v9 =	vor.u32 $0x2800, v15;
	v15 =	vand.u32 $0x3FF, v5  }
0xcc: {  	vm5 =	vlt.u32 v4, $0x2800;
	vm6 =	vlt.u32 v5, $0x2800;
	v17 =	vld [tilespmem:s28+$0x5010];
	v15 =	vor.u32 $0x2800, v15  }
0xcd: {  	v6 =	vsel vm0, v6, v8;
	v7 =	vsel vm1, v7, v10;
	v8 =	vsel vm2, v1, v11;
	v1 =	vld [tilespmem:s28+$0x5020]  }
0xce: {  	v10 =	vsel vm3, v2, v12;
	v12 =	vsel vm4, v3, v13;
	v18 =	vsel vm5, v4, v9;
	[tilespmem:s29+$0xA000] =	vst v6;
	v2 =	vld [tilespmem:s28+$0x5030]  }
0xcf: {  	v9 =	vsel vm6, v5, v15;
	v3 =	vld [tilespmem:s28+$0x5040];
	v11 =	vand.u32 $0x3FF, v14;
	[tilespmem:s29+$0xA010] =	vst v7  }
.Ltmp6:
0xd0: {  	vm0 =	vlt.u32 v14, $0x2800;
	v5 =	vand.u32 $0x3FF, v16;
	v4 =	vld [tilespmem:s28+$0x5050];
	v15 =	vor.u32 $0x2800, v11;
	[tilespmem:s29+$0xA020] =	vst v8;
	v6 =	vmovc v16;
	(pc) =	sbr.rel @p5 .LBB2_13-.Ltmp6, $4  }
0xd1: {  	v8 =	vor.u32 $0x2800, v5;
	v11 =	vand.u32 $0x3FF, v17;
	v5 =	vld [tilespmem:s28+$0x5060];
	v13 =	vsel vm0, v14, v15;
	[tilespmem:s29+$0xA030] =	vst v10;
	v7 =	vmovc v17  }
0xd2: {  	vm0 =	vlt.u32 v6, $0x2800;
	v10 =	vor.u32 $0x2800, v11;
	v11 =	vand.u32 $0x3FF, v1;
	[tilespmem:s28+$0xA070] =	vst v13  }
0xd3: {  	vm1 =	vlt.u32 v7, $0x2800;
	v11 =	vor.u32 $0x2800, v11;
	v13 =	vand.u32 $0x3FF, v2;
	[tilespmem:s29+$0xA040] =	vst v12  }
0xd4: {  	s30 =	sshra.s32 s0, $0x2;
	s0 =	sadd.s32 $0x200, s0;
	vm2 =	vlt.u32 v1, $0x2800;
	v12 =	vor.u32 $0x2800, v13;
	v13 =	vand.u32 $0x3FF, v3;
	[tilespmem:s29+$0xA050] =	vst v18  }
0xd5: {  	v14 =	vld [tilespmem:s30+$0x5070];
	[tilespmem:s29+$0xA060] =	vst v9  }
0xd6: {  	v6 =	vsel vm0, v6, v8;
	vm14 =	vlt.u32 v2, $0x2800;
	v9 =	vld [tilespmem:s30+$0x5000]  }
0xd7: {  	v50 =	vor.u32 $0x2800, v13;
	v51 =	vand.u32 $0x3FF, v4;
	v7 =	vsel vm1, v7, v10;
	v15 =	vld [tilespmem:s30+$0x5010]  }
0xd8: {  	vm15 =	vlt.u32 v3, $0x2800;
	vm3 =	vlt.u32 v4, $0x2800;
	v1 =	vsel vm2, v1, v11;
	v16 =	vld [tilespmem:s30+$0x5020]  }
0xd9: {  	v49 =	vld [tilespmem:s30+$0x5030];
	[tilespmem:s28+$0xA000] =	vst v6;
	v13 =	vor.u32 $0x2800, v51;
	v17 =	vand.u32 $0x3FF, v5;
	vm4 =	vlt.u32 v5, $0x2800  }
0xda: {  	v2 =	vsel vm14, v2, v12;
	v52 =	vld [tilespmem:s30+$0x5040];
	[tilespmem:s28+$0xA010] =	vst v7;
	v53 =	vor.u32 $0x2800, v17;
	v54 =	vand.u32 $0x3FF, v14  }
0xdb: {  	v7 =	vld [tilespmem:s30+$0x5050];
	[tilespmem:s28+$0xA020] =	vst v1;
	v1 =	vsel vm15, v3, v50;
	vm8 =	vlt.u32 v14, $0x2800;
	v3 =	vor.u32 $0x2800, v54  }
0xdc: {  	v4 =	vsel vm3, v4, v13;
	v55 =	vld [tilespmem:s30+$0x5060];
	[tilespmem:s28+$0xA030] =	vst v2;
	v2 =	vsel vm4, v5, v53;
	v3 =	vsel vm8, v14, v3  }
0xdd: {  	v56 =	vand.u32 $0x3FF, v9;
	v58 =	vand.u32 $0x3FF, v15;
	vm9 =	vlt.u32 v9, $0x2800;
	[tilespmem:s30+$0xA070] =	vst v3  }
0xde: {  	v59 =	vand.u32 $0x3FF, v16;
	vm10 =	vlt.u32 v15, $0x2800;
	v60 =	vand.u32 $0x3FF, v49;
	[tilespmem:s28+$0xA040] =	vst v1  }
0xdf: {  	vm11 =	vlt.u32 v16, $0x2800;
	vm12 =	vlt.u32 v49, $0x2800;
	v57 =	vor.u32 $0x2800, v56;
	[tilespmem:s28+$0xA050] =	vst v4  }
0xe0: {  	v61 =	vor.u32 $0x2800, v60;
	v3 =	vor.u32 $0x2800, v58;
	[tilespmem:s28+$0xA060] =	vst v2;
	v2 =	vsel vm9, v9, v57  }
0xe1: {  	v62 =	vand.u32 $0x3FF, v52;
	vm13 =	vlt.u32 v52, $0x2800;
	v3 =	vsel vm10, v15, v3;
	[tilespmem:s30+$0xA000] =	vst v2  }
0xe2: {  	v63 =	vand.u32 $0x3FF, v7;
	v1 =	vor.u32 $0x2800, v59;
	v4 =	vsel vm12, v49, v61;
	[tilespmem:s30+$0xA010] =	vst v3  }
0xe3: {  	vm14 =	vlt.u32 v7, $0x2800;
	v2 =	vor.u32 $0x2800, v62;
	v1 =	vsel vm11, v16, v1;
	[tilespmem:s30+$0xA030] =	vst v4  }
0xe4: {  	v3 =	vor.u32 $0x2800, v63;
	[tilespmem:s30+$0xA020] =	vst v1;
	v1 =	vand.u32 $0x3FF, v55;
	v2 =	vsel vm13, v52, v2  }
0xe5: {  	vm15 =	vlt.u32 v55, $0x2800;
	v3 =	vsel vm14, v7, v3;
	v1 =	vor.u32 $0x2800, v1;
	[tilespmem:s30+$0xA040] =	vst v2  }
0xe6: {  	[tilespmem:s30+$0xA050] =	vst v3;
	v1 =	vsel vm15, v55, v1  }
0xe7: {  	[tilespmem:s30+$0xA060] =	vst v1  }
.LBB2_15:
.Ltmp7:
0xe8: {  	(pc) =	sbr.rel @!p0 .LBB2_19-.Ltmp7, $1  }
0xe9: {  	_ =	sdelay $0x3  }
0xea: {  	s29 =	simm.s32 $0x0  }
0xeb: {  	v1 =	vld [tilespmem:s29+$0x7870]  }
0xec: {  	v3 =	vld [tilespmem:s29+$0x7810]  }
0xed: {  	v4 =	vld [tilespmem:s29+$0x7820]  }
0xee: {  	v5 =	vld [tilespmem:s29+$0x7830]  }
0xef: {  	v8 =	vld [tilespmem:s29+$0x7840]  }
0xf0: {  	v9 =	vld [tilespmem:s29+$0x7850]  }
0xf1: {  	v10 =	vld [tilespmem:s29+$0x7860];
	_ =	sdelay $0x1  }
0xf2: {  	v2 =	vld [tilespmem:s29+$0x7800];
	v6 =	vand.u32 $0x3FF, v1;
	vm0 =	vlt.u32 v1, $0x2800;
	vm1 =	vlt.u32 v3, $0x2800  }
0xf3: {  	v14 =	vand.u32 $0x3FF, v5;
	vm2 =	vlt.u32 v4, $0x2800;
	v6 =	vor.u32 $0x2800, v6  }
0xf4: {  	v16 =	vand.u32 $0x3FF, v8;
	vm3 =	vlt.u32 v5, $0x2800;
	v1 =	vsel vm0, v1, v6  }
0xf5: {  	s28 =	simm.s32 $0x80;
	v17 =	vand.u32 $0x3FF, v9;
	v62 =	vand.u32 $0x3FF, v10;
	vm4 =	vlt.u32 v10, $0x2800;
	[tilespmem:s29+$0xA070] =	vst v1  }
0xf6: {  	v14 =	vor.u32 $0x2800, v14;
	v16 =	vor.u32 $0x2800, v16;
	v6 =	vand.u32 $0x3FF, v3;
	v11 =	vld [tilespmem:s28+$0x7870]  }
0xf7: {  	vm0 =	vlt.u32 v2, $0x2800;
	v1 =	vand.u32 $0x3FF, v2;
	v13 =	vor.u32 $0x2800, v6;
	v6 =	vld [tilespmem:s28+$0x7800]  }
0xf8: {  	v14 =	vsel vm3, v5, v14;
	v12 =	vor.u32 $0x2800, v1;
	v1 =	vand.u32 $0x3FF, v4;
	v7 =	vld [tilespmem:s28+$0x7810]  }
0xf9: {  	v13 =	vsel vm1, v3, v13;
	v15 =	vor.u32 $0x2800, v1;
	v1 =	vld [tilespmem:s28+$0x7820];
	v12 =	vsel vm0, v2, v12  }
0xfa: {  	vm1 =	vlt.u32 v9, $0x2800;
	v2 =	vld [tilespmem:s28+$0x7830];
	vm0 =	vlt.u32 v8, $0x2800;
	[tilespmem:s29+$0xA000] =	vst v12;
	v12 =	vor.u32 $0x2800, v17  }
0xfb: {  	v17 =	vor.u32 $0x2800, v62;
	v3 =	vld [tilespmem:s28+$0x7840];
	[tilespmem:s29+$0xA010] =	vst v13;
	v13 =	vsel vm2, v4, v15;
	v15 =	vsel vm0, v8, v16  }
0xfc: {  	v63 =	vsel vm1, v9, v12;
	v9 =	vsel vm4, v10, v17;
	v5 =	vand.u32 $0x3FF, v11  }
0xfd: {  	v4 =	vld [tilespmem:s28+$0x7850];
	[tilespmem:s29+$0xA020] =	vst v13;
	v8 =	vand.u32 $0x3FF, v6;
	vm0 =	vlt.u32 v11, $0x2800;
	v10 =	vor.u32 $0x2800, v5  }
0xfe: {  	v12 =	vand.u32 $0x3FF, v7;
	vm1 =	vlt.u32 v7, $0x2800;
	v5 =	vld [tilespmem:s28+$0x7860];
	[tilespmem:s29+$0xA030] =	vst v14;
	v11 =	vsel vm0, v11, v10  }
0xff: {  	v8 =	vor.u32 $0x2800, v8;
	v10 =	vor.u32 $0x2800, v12;
	v12 =	vand.u32 $0x3FF, v1;
	[tilespmem:s28+$0xA070] =	vst v11  }
0x100: {  	vm2 =	vlt.u32 v1, $0x2800;
	v11 =	vor.u32 $0x2800, v12;
	v12 =	vand.u32 $0x3FF, v2;
	[tilespmem:s29+$0xA040] =	vst v15  }
0x101: {  	s30 =	simm.s32 $0x100;
	s0 =	simm.s32 $0x600;
	vm0 =	vlt.u32 v6, $0x2800;
	v13 =	vand.u32 $0x3FF, v3;
	v12 =	vor.u32 $0x2800, v12;
	[tilespmem:s29+$0xA050] =	vst v63  }
.LBB2_17:
0x102: {  	p5 =	sne.s32 s0, $0x9E00;
	v14 =	vld [tilespmem:s30+$0x7870];
	vm3 =	vlt.u32 v2, $0x2800;
	v13 =	vor.u32 $0x2800, v13;
	v15 =	vand.u32 $0x3FF, v4;
	[tilespmem:s29+$0xA060] =	vst v9;
	s29 =	smov.u32 s28;
	s28 =	smov.u32 s30  }
0x103: {  	vm4 =	vlt.u32 v3, $0x2800;
	v16 =	vld [tilespmem:s28+$0x7800];
	v9 =	vor.u32 $0x2800, v15;
	v15 =	vand.u32 $0x3FF, v5  }
0x104: {  	vm5 =	vlt.u32 v4, $0x2800;
	vm6 =	vlt.u32 v5, $0x2800;
	v17 =	vld [tilespmem:s28+$0x7810];
	v15 =	vor.u32 $0x2800, v15  }
0x105: {  	v6 =	vsel vm0, v6, v8;
	v7 =	vsel vm1, v7, v10;
	v8 =	vsel vm2, v1, v11;
	v1 =	vld [tilespmem:s28+$0x7820]  }
0x106: {  	v10 =	vsel vm3, v2, v12;
	v12 =	vsel vm4, v3, v13;
	v18 =	vsel vm5, v4, v9;
	[tilespmem:s29+$0xA000] =	vst v6;
	v2 =	vld [tilespmem:s28+$0x7830]  }
0x107: {  	v9 =	vsel vm6, v5, v15;
	v3 =	vld [tilespmem:s28+$0x7840];
	v11 =	vand.u32 $0x3FF, v14;
	[tilespmem:s29+$0xA010] =	vst v7  }
.Ltmp8:
0x108: {  	vm0 =	vlt.u32 v14, $0x2800;
	v5 =	vand.u32 $0x3FF, v16;
	v4 =	vld [tilespmem:s28+$0x7850];
	v15 =	vor.u32 $0x2800, v11;
	[tilespmem:s29+$0xA020] =	vst v8;
	v6 =	vmovc v16;
	(pc) =	sbr.rel @p5 .LBB2_17-.Ltmp8, $4  }
0x109: {  	v8 =	vor.u32 $0x2800, v5;
	v11 =	vand.u32 $0x3FF, v17;
	v5 =	vld [tilespmem:s28+$0x7860];
	v13 =	vsel vm0, v14, v15;
	[tilespmem:s29+$0xA030] =	vst v10;
	v7 =	vmovc v17  }
0x10a: {  	vm0 =	vlt.u32 v6, $0x2800;
	v10 =	vor.u32 $0x2800, v11;
	v11 =	vand.u32 $0x3FF, v1;
	[tilespmem:s28+$0xA070] =	vst v13  }
0x10b: {  	vm1 =	vlt.u32 v7, $0x2800;
	v11 =	vor.u32 $0x2800, v11;
	v13 =	vand.u32 $0x3FF, v2;
	[tilespmem:s29+$0xA040] =	vst v12  }
0x10c: {  	s30 =	sshra.s32 s0, $0x2;
	s0 =	sadd.s32 $0x200, s0;
	vm2 =	vlt.u32 v1, $0x2800;
	v12 =	vor.u32 $0x2800, v13;
	v13 =	vand.u32 $0x3FF, v3;
	[tilespmem:s29+$0xA050] =	vst v18  }
0x10d: {  	v14 =	vld [tilespmem:s30+$0x7870];
	[tilespmem:s29+$0xA060] =	vst v9  }
0x10e: {  	v6 =	vsel vm0, v6, v8;
	vm14 =	vlt.u32 v2, $0x2800;
	v9 =	vld [tilespmem:s30+$0x7800]  }
0x10f: {  	v50 =	vor.u32 $0x2800, v13;
	v51 =	vand.u32 $0x3FF, v4;
	v7 =	vsel vm1, v7, v10;
	v15 =	vld [tilespmem:s30+$0x7810]  }
0x110: {  	vm15 =	vlt.u32 v3, $0x2800;
	vm3 =	vlt.u32 v4, $0x2800;
	v1 =	vsel vm2, v1, v11;
	v16 =	vld [tilespmem:s30+$0x7820]  }
0x111: {  	v49 =	vld [tilespmem:s30+$0x7830];
	[tilespmem:s28+$0xA000] =	vst v6;
	v13 =	vor.u32 $0x2800, v51;
	v17 =	vand.u32 $0x3FF, v5;
	vm4 =	vlt.u32 v5, $0x2800  }
0x112: {  	v2 =	vsel vm14, v2, v12;
	v52 =	vld [tilespmem:s30+$0x7840];
	[tilespmem:s28+$0xA010] =	vst v7;
	v53 =	vor.u32 $0x2800, v17;
	v54 =	vand.u32 $0x3FF, v14  }
0x113: {  	v7 =	vld [tilespmem:s30+$0x7850];
	[tilespmem:s28+$0xA020] =	vst v1;
	v1 =	vsel vm15, v3, v50;
	vm8 =	vlt.u32 v14, $0x2800;
	v3 =	vor.u32 $0x2800, v54  }
0x114: {  	v4 =	vsel vm3, v4, v13;
	v55 =	vld [tilespmem:s30+$0x7860];
	[tilespmem:s28+$0xA030] =	vst v2;
	v2 =	vsel vm4, v5, v53;
	v3 =	vsel vm8, v14, v3  }
0x115: {  	v56 =	vand.u32 $0x3FF, v9;
	v58 =	vand.u32 $0x3FF, v15;
	vm9 =	vlt.u32 v9, $0x2800;
	[tilespmem:s30+$0xA070] =	vst v3  }
0x116: {  	v59 =	vand.u32 $0x3FF, v16;
	vm10 =	vlt.u32 v15, $0x2800;
	v60 =	vand.u32 $0x3FF, v49;
	[tilespmem:s28+$0xA040] =	vst v1  }
0x117: {  	vm11 =	vlt.u32 v16, $0x2800;
	vm12 =	vlt.u32 v49, $0x2800;
	v57 =	vor.u32 $0x2800, v56;
	[tilespmem:s28+$0xA050] =	vst v4  }
0x118: {  	v61 =	vor.u32 $0x2800, v60;
	v3 =	vor.u32 $0x2800, v58;
	[tilespmem:s28+$0xA060] =	vst v2;
	v2 =	vsel vm9, v9, v57  }
0x119: {  	v62 =	vand.u32 $0x3FF, v52;
	vm13 =	vlt.u32 v52, $0x2800;
	v3 =	vsel vm10, v15, v3;
	[tilespmem:s30+$0xA000] =	vst v2  }
0x11a: {  	v63 =	vand.u32 $0x3FF, v7;
	v1 =	vor.u32 $0x2800, v59;
	v4 =	vsel vm12, v49, v61;
	[tilespmem:s30+$0xA010] =	vst v3  }
0x11b: {  	vm14 =	vlt.u32 v7, $0x2800;
	v2 =	vor.u32 $0x2800, v62;
	v1 =	vsel vm11, v16, v1;
	[tilespmem:s30+$0xA030] =	vst v4  }
0x11c: {  	v3 =	vor.u32 $0x2800, v63;
	[tilespmem:s30+$0xA020] =	vst v1;
	v1 =	vand.u32 $0x3FF, v55;
	v2 =	vsel vm13, v52, v2  }
0x11d: {  	vm15 =	vlt.u32 v55, $0x2800;
	v3 =	vsel vm14, v7, v3;
	v1 =	vor.u32 $0x2800, v1;
	[tilespmem:s30+$0xA040] =	vst v2  }
0x11e: {  	[tilespmem:s30+$0xA050] =	vst v3;
	v1 =	vsel vm15, v55, v1  }
0x11f: {  	[tilespmem:s30+$0xA060] =	vst v1  }
.LBB2_19:
0x120: {  	[spmem:s3] =	stream.indirect.scatter.add.f32 [tilespmem:s23], [sflag:$0x1], $0x1, s22, s18, $0xb8;
	[tilespmem:$0x1ED00] =	vst v63  }
0x121: {  	_ =	swait.ge [sflag:s17], $0x2800  }
0x122: {  	[sflag:s17] =	ssyncset.done $0x0  }
0x123: {  	[sflag:s17] =	ssyncadd.s32 $0xFFFFD800  }
0x124: {  	s0 =	sshrl.u32 @!p4 s3, $0x3;
	[bflag:$0x0] =	sbarrier.arrive $0xFFFF  }
0x125: {  	[hbm:s8], [sflag:s25] =	dma.local @!p4 [spmem:s0], $0x500  }
0x126: {  	s0 =	simm.s32 @!p4 $0x1  }
0x127: {  	_ =	swait.ge @!p4 [sflag:s0], $0x500  }
0x128: {  	[sflag:s0] =	ssyncset.done @!p4 $0x0  }
0x129: {  	[sflag:s0] =	ssyncadd.s32 @!p4 $0xFFFFFB00;
	s0 =	sshrl.u32 @p2 s3, $0x3  }
0x12a: {  	[hbm:s9], [sflag:s25] =	dma.local @p2 [spmem:s0], $0x500  }
0x12b: {  	s0 =	simm.s32 @p2 $0x1  }
0x12c: {  	_ =	swait.ge @p2 [sflag:s0], $0x500  }
0x12d: {  	[sflag:s0] =	ssyncset.done @p2 $0x0  }
0x12e: {  	s29 =	simm.s32 $0x0;
	[sflag:s0] =	ssyncadd.s32 @p2 $0xFFFFFB00  }
0x12f: {  	v7 =	vld [tilespmem:s29+$0x2800]  }
0x130: {  	v8 =	vld [tilespmem:s29+$0x7800]  }
0x131: {  	v9 =	vld [tilespmem:s29+$0x2810]  }
0x132: {  	v10 =	vld [tilespmem:s29+$0x7810]  }
0x133: {  	v11 =	vld [tilespmem:s29+$0x2820]  }
0x134: {  	v12 =	vld [tilespmem:s29+$0x7820]  }
0x135: {  	v13 =	vld [tilespmem:s29+$0x2830]  }
0x136: {  	v14 =	vld [tilespmem:s29+$0x7830]  }
0x137: {  	v6 =	vld [tilespmem:s29+$0x2840]  }
0x138: {  	v5 =	vld [tilespmem:s29+$0x7840]  }
0x139: {  	v4 =	vld [tilespmem:s29+$0x2850]  }
0x13a: {  	v3 =	vld [tilespmem:s29+$0x7850]  }
0x13b: {  	v15 =	vld [tilespmem:s29+$0x0]  }
0x13c: {  	v16 =	vld [tilespmem:s29+$0x5000]  }
0x13d: {  	v2 =	vld [tilespmem:s29+$0x2860]  }
0x13e: {  	v17 =	vld [tilespmem:s29+$0x10]  }
0x13f: {  	v18 =	vld [tilespmem:s29+$0x5010]  }
0x140: {  	v1 =	vld [tilespmem:s29+$0x7860];
	v15 =	vmul.u32 $0x2800, v15  }
0x141: {  	v19 =	vld [tilespmem:s29+$0x20];
	v16 =	vmul.u32 $0x2800, v16  }
0x142: {  	v20 =	vld [tilespmem:s29+$0x5020];
	v7 =	vadd.s32 v7, v15  }
0x143: {  	v21 =	vld [tilespmem:s29+$0x30];
	v8 =	vadd.s32 v8, v16;
	[tilespmem:s29+$0x0] =	vst v7;
	v7 =	vmul.u32 $0x2800, v17  }
0x144: {  	v15 =	vld [tilespmem:s29+$0x5030];
	[tilespmem:s29+$0x5000] =	vst v8;
	v8 =	vmul.u32 $0x2800, v18  }
0x145: {  	v62 =	vld [tilespmem:s29+$0x40];
	v7 =	vadd.s32 v9, v7  }
0x146: {  	v63 =	vld [tilespmem:s29+$0x5040];
	v9 =	vmul.u32 $0x2800, v19;
	v8 =	vadd.s32 v10, v8;
	[tilespmem:s29+$0x10] =	vst v7  }
0x147: {  	v7 =	vld [tilespmem:s29+$0x50];
	[tilespmem:s29+$0x5010] =	vst v8;
	v8 =	vmul.u32 $0x2800, v20  }
0x148: {  	v10 =	vadd.s32 v11, v9;
	v9 =	vld [tilespmem:s29+$0x5050];
	v11 =	vmul.u32 $0x2800, v21  }
0x149: {  	[tilespmem:s29+$0x20] =	vst v10;
	v8 =	vadd.s32 v12, v8;
	v10 =	vld [tilespmem:s29+$0x60];
	v12 =	vmul.u32 $0x2800, v15  }
0x14a: {  	[tilespmem:s29+$0x5020] =	vst v8;
	v11 =	vadd.s32 v13, v11;
	v8 =	vld [tilespmem:s29+$0x5060];
	v13 =	vmul.u32 $0x2800, v62  }
0x14b: {  	s28 =	simm.s32 $0x0;
	s30 =	simm.s32 $0x200;
	[tilespmem:s29+$0x30] =	vst v11;
	v14 =	vadd.s32 v14, v12;
	v12 =	vmul.u32 $0x2800, v63;
	v11 =	vld [tilespmem:s29+$0x70]  }
.LBB2_20:
0x14c: {  	p5 =	sne.s32 s30, $0x9E00;
	[tilespmem:s29+$0x5030] =	vst v14;
	v6 =	vadd.s32 v6, v13;
	v7 =	vmul.u32 $0x2800, v7;
	v13 =	vld [tilespmem:s29+$0x5070]  }
0x14d: {  	[tilespmem:s29+$0x40] =	vst v6;
	v5 =	vadd.s32 v5, v12;
	v6 =	vmul.u32 $0x2800, v9;
	v9 =	vld [tilespmem:s29+$0x2870]  }
0x14e: {  	s0 =	sshra.s32 s30, $0x2;
	[tilespmem:s29+$0x5040] =	vst v5;
	v4 =	vadd.s32 v4, v7;
	v5 =	vmul.u32 $0x2800, v10;
	v7 =	vld [tilespmem:s29+$0x7870]  }
0x14f: {  	v10 =	vld [tilespmem:s0+$0x2800];
	[tilespmem:s29+$0x50] =	vst v4;
	v3 =	vadd.s32 v3, v6;
	v4 =	vmul.u32 $0x2800, v8  }
0x150: {  	v8 =	vld [tilespmem:s0+$0x7800];
	[tilespmem:s29+$0x5050] =	vst v3;
	v2 =	vadd.s32 v2, v5;
	v3 =	vmul.u32 $0x2800, v11  }
0x151: {  	v11 =	vld [tilespmem:s0+$0x2810];
	[tilespmem:s29+$0x60] =	vst v2;
	v1 =	vadd.s32 v1, v4;
	v2 =	vmul.u32 $0x2800, v13  }
0x152: {  	v12 =	vld [tilespmem:s0+$0x7810];
	[tilespmem:s29+$0x5060] =	vst v1;
	v1 =	vadd.s32 v9, v3  }
0x153: {  	v9 =	vld [tilespmem:s0+$0x2820];
	[tilespmem:s29+$0x70] =	vst v1;
	v1 =	vadd.s32 v7, v2  }
0x154: {  	v13 =	vld [tilespmem:s0+$0x7820];
	[tilespmem:s29+$0x5070] =	vst v1;
	s29 =	smov.u32 s0  }
0x155: {  	v14 =	vld [tilespmem:s29+$0x2830]  }
0x156: {  	v15 =	vld [tilespmem:s29+$0x7830]  }
0x157: {  	v6 =	vld [tilespmem:s29+$0x2840]  }
0x158: {  	v5 =	vld [tilespmem:s29+$0x7840]  }
0x159: {  	v4 =	vld [tilespmem:s29+$0x2850]  }
0x15a: {  	v3 =	vld [tilespmem:s29+$0x7850]  }
0x15b: {  	v2 =	vld [tilespmem:s29+$0x2860]  }
0x15c: {  	v1 =	vld [tilespmem:s29+$0x7860]  }
0x15d: {  	v7 =	vld [tilespmem:s29+$0x0]  }
0x15e: {  	v16 =	vld [tilespmem:s29+$0x5000]  }
0x15f: {  	v17 =	vld [tilespmem:s29+$0x10]  }
0x160: {  	v18 =	vld [tilespmem:s29+$0x5010]  }
0x161: {  	v19 =	vld [tilespmem:s29+$0x20]  }
0x162: {  	v7 =	vmul.u32 $0x2800, v7;
	v20 =	vld [tilespmem:s29+$0x5020]  }
0x163: {  	v16 =	vmul.u32 $0x2800, v16;
	v21 =	vld [tilespmem:s29+$0x30]  }
0x164: {  	v7 =	vadd.s32 v10, v7;
	v10 =	vmul.u32 $0x2800, v17;
	v17 =	vld [tilespmem:s29+$0x5030]  }
0x165: {  	[tilespmem:s29+$0x0] =	vst v7;
	v7 =	vadd.s32 v8, v16;
	v8 =	vmul.u32 $0x2800, v18;
	v16 =	vld [tilespmem:s29+$0x40]  }
0x166: {  	[tilespmem:s29+$0x5000] =	vst v7;
	v7 =	vadd.s32 v11, v10;
	v10 =	vmul.u32 $0x2800, v19;
	v11 =	vld [tilespmem:s29+$0x5040]  }
.Ltmp9:
0x167: {  	[tilespmem:s29+$0x10] =	vst v7;
	v8 =	vadd.s32 v12, v8;
	v12 =	vmul.u32 $0x2800, v20;
	v7 =	vld [tilespmem:s29+$0x50];
	(pc) =	sbr.rel @p5 .LBB2_20-.Ltmp9, $4  }
0x168: {  	[tilespmem:s29+$0x5010] =	vst v8;
	v8 =	vadd.s32 v9, v10;
	v18 =	vmul.u32 $0x2800, v21;
	v9 =	vld [tilespmem:s29+$0x5050]  }
0x169: {  	[tilespmem:s29+$0x20] =	vst v8;
	v8 =	vadd.s32 v13, v12;
	v12 =	vmul.u32 $0x2800, v17;
	v10 =	vld [tilespmem:s29+$0x60]  }
0x16a: {  	[tilespmem:s29+$0x5020] =	vst v8;
	v14 =	vadd.s32 v14, v18;
	v13 =	vmul.u32 $0x2800, v16;
	v8 =	vld [tilespmem:s29+$0x5060]  }
0x16b: {  	s30 =	sadd.s32 $0x200, s30;
	[tilespmem:s29+$0x30] =	vst v14;
	v14 =	vadd.s32 v15, v12;
	v12 =	vmul.u32 $0x2800, v11;
	v11 =	vld [tilespmem:s29+$0x70]  }
0x16c: {  	[tilespmem:s29+$0x5030] =	vst v14;
	v6 =	vadd.s32 v6, v13;
	v58 =	vld [tilespmem:s29+$0x5070];
	v59 =	vmul.u32 $0x2800, v7  }
0x16d: {  	v60 =	vld [tilespmem:s29+$0x2870];
	[tilespmem:s29+$0x40] =	vst v6;
	v5 =	vadd.s32 v5, v12;
	v9 =	vmul.u32 $0x2800, v9  }
0x16e: {  	v62 =	vld [tilespmem:s29+$0x7870];
	[tilespmem:s29+$0x5040] =	vst v5;
	v4 =	vadd.s32 v4, v59;
	v61 =	vmul.u32 $0x2800, v10  }
0x16f: {  	[tilespmem:s29+$0x50] =	vst v4;
	v3 =	vadd.s32 v3, v9;
	v63 =	vmul.u32 $0x2800, v8  }
0x170: {  	[tilespmem:s29+$0x5050] =	vst v3;
	v2 =	vadd.s32 v2, v61;
	v3 =	vmul.u32 $0x2800, v11  }
0x171: {  	[tilespmem:s29+$0x60] =	vst v2;
	v1 =	vadd.s32 v1, v63;
	v2 =	vmul.u32 $0x2800, v58  }
0x172: {  	[tilespmem:s29+$0x5060] =	vst v1;
	v1 =	vadd.s32 v60, v3  }
0x173: {  	[tilespmem:s29+$0x70] =	vst v1;
	v1 =	vadd.s32 v62, v2  }
0x174: {  	[tilespmem:s29+$0x5070] =	vst v1  }
.LBB2_22:
0x175: {  	s30 =	simm.s32 $0x0  }
0x176: {  	v2 =	vld [tilespmem:s30+$0x70]  }
0x177: {  	v3 =	vld [tilespmem:s30+$0x0]  }
0x178: {  	s0 =	sshll.u32 s28, $0x1;
	v5 =	vld [tilespmem:s30+$0x10]  }
0x179: {  	s0 =	sor.u32 s5, s0;
	v6 =	vld [tilespmem:s30+$0x20]  }
0x17a: {  	v8 =	vld [tilespmem:s30+$0x40];
	s29 =	smul.u32 $0xFA000, s0  }
0x17b: {  	v11 =	vld [tilespmem:s30+$0x50]  }
0x17c: {  	v7 =	vld [tilespmem:s30+$0x30];
	v1 =	vmov s29  }
0x17d: {  	v9 =	vsub.s32 v2, v1;
	v4 =	vand.u32 $0x3FF, v2  }
0x17e: {  	v2 =	vsub.s32 v3, v1;
	v12 =	vand.u32 $0x3FF, v3;
	v14 =	vand.u32 $0x3FF, v5  }
0x17f: {  	v15 =	vld [tilespmem:s30+$0x60];
	v3 =	vsub.s32 v6, v1;
	v17 =	vand.u32 $0x3FF, v6;
	v6 =	vsub.s32 v8, v1  }
0x180: {  	v13 =	vand.u32 $0x3FF, v11;
	vm0 =	vlt.u32 v9, $0xFA000;
	v10 =	vor.u32 $0xFA000, v4  }
0x181: {  	v4 =	vsub.s32 v5, v1;
	v5 =	vsub.s32 v7, v1;
	v14 =	vor.u32 $0xFA000, v14  }
0x182: {  	vm2 =	vlt.u32 v3, $0xFA000;
	v16 =	vsel vm0, v9, v10;
	vm0 =	vlt.u32 v2, $0xFA000  }
0x183: {  	v10 =	vand.u32 $0x3FF, v7;
	v9 =	vor.u32 $0xFA000, v12;
	v12 =	vand.u32 $0x3FF, v8  }
0x184: {  	vm1 =	vlt.u32 v4, $0xFA000;
	v7 =	vsub.s32 v11, v1;
	v8 =	vsub.s32 v15, v1  }
0x185: {  	s31 =	simm.s32 $0x80;
	s0 =	simm.s32 $0x400;
	v11 =	vand.u32 $0x3FF, v15;
	v15 =	vor.u32 $0xFA000, v17;
	vm3 =	vlt.u32 v5, $0xFA000;
	[tilespmem:s30+$0xA070] =	vst v16  }
.LBB2_23:
0x186: {  	p5 =	sne.s32 s0, $0x9E00;
	v16 =	vld [tilespmem:s31+$0x70];
	v10 =	vor.u32 $0xFA000, v10;
	vm4 =	vlt.u32 v6, $0xFA000;
	v12 =	vor.u32 $0xFA000, v12  }
0x187: {  	vm5 =	vlt.u32 v7, $0xFA000;
	v13 =	vor.u32 $0xFA000, v13;
	vm6 =	vlt.u32 v8, $0xFA000;
	v17 =	vld [tilespmem:s31+$0x0]  }
0x188: {  	v2 =	vsel vm0, v2, v9;
	v4 =	vsel vm1, v4, v14;
	v9 =	vor.u32 $0xFA000, v11;
	v18 =	vld [tilespmem:s31+$0x10]  }
0x189: {  	v11 =	vld [tilespmem:s31+$0x20];
	[tilespmem:s30+$0xA000] =	vst v2;
	v2 =	vsel vm2, v3, v15;
	v3 =	vsel vm3, v5, v10;
	v5 =	vsel vm4, v6, v12  }
0x18a: {  	v7 =	vsel vm5, v7, v13;
	v8 =	vsel vm6, v8, v9;
	v6 =	vld [tilespmem:s31+$0x30];
	[tilespmem:s30+$0xA010] =	vst v4  }
0x18b: {  	v12 =	vld [tilespmem:s31+$0x40];
	v9 =	vsub.s32 v16, v1;
	v4 =	vand.u32 $0x3FF, v16;
	[tilespmem:s30+$0xA020] =	vst v2  }
0x18c: {  	v2 =	vsub.s32 v17, v1;
	v13 =	vld [tilespmem:s31+$0x50];
	vm0 =	vlt.u32 v9, $0xFA000;
	v10 =	vor.u32 $0xFA000, v4;
	[tilespmem:s30+$0xA030] =	vst v3  }
0x18d: {  	v14 =	vand.u32 $0x3FF, v17;
	v4 =	vsub.s32 v18, v1;
	v15 =	vld [tilespmem:s31+$0x60];
	v9 =	vsel vm0, v9, v10;
	[tilespmem:s30+$0xA040] =	vst v5  }
0x18e: {  	v16 =	vand.u32 $0x3FF, v18;
	v3 =	vsub.s32 v11, v1;
	v17 =	vand.u32 $0x3FF, v11;
	[tilespmem:s31+$0xA070] =	vst v9  }
.Ltmp10:
0x18f: {  	vm0 =	vlt.u32 v2, $0xFA000;
	v5 =	vsub.s32 v6, v1;
	v10 =	vand.u32 $0x3FF, v6;
	[tilespmem:s30+$0xA050] =	vst v7;
	(pc) =	sbr.rel @p5 .LBB2_23-.Ltmp10, $4  }
0x190: {  	v9 =	vor.u32 $0xFA000, v14;
	v6 =	vsub.s32 v12, v1;
	v12 =	vand.u32 $0x3FF, v12;
	[tilespmem:s30+$0xA060] =	vst v8;
	s30 =	smov.u32 s31  }
0x191: {  	vm1 =	vlt.u32 v4, $0xFA000;
	v7 =	vsub.s32 v13, v1;
	v13 =	vand.u32 $0x3FF, v13  }
0x192: {  	v14 =	vor.u32 $0xFA000, v16;
	v8 =	vsub.s32 v15, v1;
	v11 =	vand.u32 $0x3FF, v15  }
0x193: {  	vm2 =	vlt.u32 v3, $0xFA000;
	s31 =	sshra.s32 s0, $0x2;
	s0 =	sadd.s32 $0x200, s0;
	vm3 =	vlt.u32 v5, $0xFA000;
	v15 =	vor.u32 $0xFA000, v17  }
0x194: {  	v16 =	vld [tilespmem:s31+$0x70]  }
0x195: {  	v17 =	vld [tilespmem:s31+$0x0]  }
0x196: {  	v18 =	vld [tilespmem:s31+$0x10];
	v2 =	vsel vm0, v2, v9;
	v10 =	vor.u32 $0xFA000, v10  }
0x197: {  	v9 =	vld [tilespmem:s31+$0x20];
	vm0 =	vlt.u32 v6, $0xFA000;
	v4 =	vsel vm1, v4, v14;
	vm1 =	vlt.u32 v7, $0xFA000  }
0x198: {  	v13 =	vor.u32 $0xFA000, v13;
	vm4 =	vlt.u32 v8, $0xFA000;
	v3 =	vsel vm2, v3, v15;
	[tilespmem:s30+$0xA000] =	vst v2  }
0x199: {  	v2 =	vor.u32 $0xFA000, v12;
	v5 =	vsel vm3, v5, v10;
	v12 =	vld [tilespmem:s31+$0x30];
	[tilespmem:s30+$0xA010] =	vst v4;
	v4 =	vor.u32 $0xFA000, v11  }
0x19a: {  	v2 =	vsel vm0, v6, v2;
	v6 =	vsel vm1, v7, v13;
	v4 =	vsel vm4, v8, v4  }
0x19b: {  	v10 =	vld [tilespmem:s31+$0x40];
	[tilespmem:s30+$0xA020] =	vst v3;
	v3 =	vsub.s32 v16, v1;
	v7 =	vand.u32 $0x3FF, v16;
	v8 =	vsub.s32 v17, v1  }
0x19c: {  	v11 =	vld [tilespmem:s31+$0x50];
	[tilespmem:s30+$0xA030] =	vst v5;
	v5 =	vand.u32 $0x3FF, v17;
	v13 =	vsub.s32 v18, v1;
	v15 =	vsub.s32 v9, v1  }
0x19d: {  	v9 =	vand.u32 $0x3FF, v9;
	vm0 =	vlt.u32 v3, $0xFA000;
	v7 =	vor.u32 $0xFA000, v7  }
0x19e: {  	v5 =	vor.u32 $0xFA000, v5;
	vm1 =	vlt.u32 v13, $0xFA000;
	v3 =	vsel vm0, v3, v7  }
0x19f: {  	v14 =	vld [tilespmem:s31+$0x60];
	[tilespmem:s30+$0xA040] =	vst v2;
	v7 =	vand.u32 $0x3FF, v18;
	vm0 =	vlt.u32 v8, $0xFA000;
	v2 =	vsub.s32 v12, v1  }
0x1a0: {  	v12 =	vand.u32 $0x3FF, v12;
	[tilespmem:s31+$0xA070] =	vst v3;
	v3 =	vsub.s32 v10, v1;
	v10 =	vand.u32 $0x3FF, v10  }
0x1a1: {  	v7 =	vor.u32 $0xFA000, v7;
	v5 =	vsel vm0, v8, v5;
	vm0 =	vlt.u32 v15, $0xFA000;
	[tilespmem:s30+$0xA050] =	vst v6  }
0x1a2: {  	v8 =	vor.u32 $0xFA000, v9;
	v6 =	vsub.s32 v11, v1;
	v11 =	vand.u32 $0x3FF, v11;
	[tilespmem:s30+$0xA060] =	vst v4  }
0x1a3: {  	v7 =	vsel vm1, v13, v7;
	vm1 =	vlt.u32 v2, $0xFA000;
	v8 =	vsel vm0, v15, v8;
	[tilespmem:s31+$0xA000] =	vst v5  }
0x1a4: {  	vm0 =	vlt.u32 v3, $0xFA000;
	v4 =	vsub.s32 v14, v1;
	v5 =	vor.u32 $0xFA000, v12;
	[tilespmem:s31+$0xA010] =	vst v7  }
0x1a5: {  	v14 =	vand.u32 $0x3FF, v14;
	v7 =	vor.u32 $0xFA000, v10;
	[tilespmem:s31+$0xA020] =	vst v8;
	v2 =	vsel vm1, v2, v5  }
0x1a6: {  	vm1 =	vlt.u32 v6, $0xFA000;
	v5 =	vor.u32 $0xFA000, v11;
	v3 =	vsel vm0, v3, v7;
	[tilespmem:s31+$0xA030] =	vst v2  }
0x1a7: {  	vm0 =	vlt.u32 v4, $0xFA000;
	v2 =	vor.u32 $0xFA000, v14;
	v5 =	vsel vm1, v6, v5;
	[tilespmem:s31+$0xA040] =	vst v3  }
0x1a8: {  	v2 =	vsel vm0, v4, v2;
	[tilespmem:s31+$0xA050] =	vst v5  }
0x1a9: {  	[tilespmem:s31+$0xA060] =	vst v2  }
0x1aa: {  	[spmem:s1] =	stream.indirect.scatter.add.f32 [tilespmem:s23], [sflag:$0x1], $0x1, s22, s18, $0xb8;
	[tilespmem:$0x1ED00] =	vst v63  }
0x1ab: {  	_ =	swait.ge [sflag:s17], $0x2800  }
0x1ac: {  	[sflag:s17] =	ssyncset.done $0x0  }
0x1ad: {  	s30 =	simm.s32 $0x0;
	[sflag:s17] =	ssyncadd.s32 $0xFFFFD800  }
0x1ae: {  	v2 =	vld [tilespmem:s30+$0x5070]  }
0x1af: {  	v3 =	vld [tilespmem:s30+$0x5000]  }
0x1b0: {  	v5 =	vld [tilespmem:s30+$0x5010]  }
0x1b1: {  	v6 =	vld [tilespmem:s30+$0x5020]  }
0x1b2: {  	v8 =	vld [tilespmem:s30+$0x5040]  }
0x1b3: {  	v11 =	vld [tilespmem:s30+$0x5050]  }
0x1b4: {  	v7 =	vld [tilespmem:s30+$0x5030]  }
0x1b5: {  	v9 =	vsub.s32 v2, v1;
	v4 =	vand.u32 $0x3FF, v2  }
0x1b6: {  	v2 =	vsub.s32 v3, v1;
	v12 =	vand.u32 $0x3FF, v3;
	v14 =	vand.u32 $0x3FF, v5  }
0x1b7: {  	v15 =	vld [tilespmem:s30+$0x5060];
	v3 =	vsub.s32 v6, v1;
	v17 =	vand.u32 $0x3FF, v6;
	v6 =	vsub.s32 v8, v1  }
0x1b8: {  	v13 =	vand.u32 $0x3FF, v11;
	vm0 =	vlt.u32 v9, $0xFA000;
	v10 =	vor.u32 $0xFA000, v4  }
0x1b9: {  	v4 =	vsub.s32 v5, v1;
	v5 =	vsub.s32 v7, v1;
	v14 =	vor.u32 $0xFA000, v14  }
0x1ba: {  	vm2 =	vlt.u32 v3, $0xFA000;
	v16 =	vsel vm0, v9, v10;
	vm0 =	vlt.u32 v2, $0xFA000  }
0x1bb: {  	v10 =	vand.u32 $0x3FF, v7;
	v9 =	vor.u32 $0xFA000, v12;
	v12 =	vand.u32 $0x3FF, v8  }
0x1bc: {  	vm1 =	vlt.u32 v4, $0xFA000;
	v7 =	vsub.s32 v11, v1;
	v8 =	vsub.s32 v15, v1  }
0x1bd: {  	s0 =	simm.s32 $0x400;
	s31 =	simm.s32 $0x80;
	v11 =	vand.u32 $0x3FF, v15;
	v15 =	vor.u32 $0xFA000, v17;
	vm3 =	vlt.u32 v5, $0xFA000;
	[tilespmem:s30+$0xA070] =	vst v16  }
.LBB2_25:
0x1be: {  	p5 =	sne.s32 s0, $0x9E00;
	v16 =	vld [tilespmem:s31+$0x5070];
	v10 =	vor.u32 $0xFA000, v10;
	vm4 =	vlt.u32 v6, $0xFA000;
	v12 =	vor.u32 $0xFA000, v12  }
0x1bf: {  	vm5 =	vlt.u32 v7, $0xFA000;
	v13 =	vor.u32 $0xFA000, v13;
	vm6 =	vlt.u32 v8, $0xFA000;
	v17 =	vld [tilespmem:s31+$0x5000]  }
0x1c0: {  	v2 =	vsel vm0, v2, v9;
	v4 =	vsel vm1, v4, v14;
	v9 =	vor.u32 $0xFA000, v11;
	v18 =	vld [tilespmem:s31+$0x5010]  }
0x1c1: {  	v11 =	vld [tilespmem:s31+$0x5020];
	[tilespmem:s30+$0xA000] =	vst v2;
	v2 =	vsel vm2, v3, v15;
	v3 =	vsel vm3, v5, v10;
	v5 =	vsel vm4, v6, v12  }
0x1c2: {  	v7 =	vsel vm5, v7, v13;
	v8 =	vsel vm6, v8, v9;
	v6 =	vld [tilespmem:s31+$0x5030];
	[tilespmem:s30+$0xA010] =	vst v4  }
0x1c3: {  	v12 =	vld [tilespmem:s31+$0x5040];
	v9 =	vsub.s32 v16, v1;
	v4 =	vand.u32 $0x3FF, v16;
	[tilespmem:s30+$0xA020] =	vst v2  }
0x1c4: {  	v2 =	vsub.s32 v17, v1;
	v13 =	vld [tilespmem:s31+$0x5050];
	vm0 =	vlt.u32 v9, $0xFA000;
	v10 =	vor.u32 $0xFA000, v4;
	[tilespmem:s30+$0xA030] =	vst v3  }
0x1c5: {  	v14 =	vand.u32 $0x3FF, v17;
	v4 =	vsub.s32 v18, v1;
	v15 =	vld [tilespmem:s31+$0x5060];
	v9 =	vsel vm0, v9, v10;
	[tilespmem:s30+$0xA040] =	vst v5  }
0x1c6: {  	v16 =	vand.u32 $0x3FF, v18;
	v3 =	vsub.s32 v11, v1;
	v17 =	vand.u32 $0x3FF, v11;
	[tilespmem:s31+$0xA070] =	vst v9  }
.Ltmp11:
0x1c7: {  	vm0 =	vlt.u32 v2, $0xFA000;
	v5 =	vsub.s32 v6, v1;
	v10 =	vand.u32 $0x3FF, v6;
	[tilespmem:s30+$0xA050] =	vst v7;
	(pc) =	sbr.rel @p5 .LBB2_25-.Ltmp11, $4  }
0x1c8: {  	v9 =	vor.u32 $0xFA000, v14;
	v6 =	vsub.s32 v12, v1;
	v12 =	vand.u32 $0x3FF, v12;
	[tilespmem:s30+$0xA060] =	vst v8;
	s30 =	smov.u32 s31  }
0x1c9: {  	vm1 =	vlt.u32 v4, $0xFA000;
	v7 =	vsub.s32 v13, v1;
	v13 =	vand.u32 $0x3FF, v13  }
0x1ca: {  	v14 =	vor.u32 $0xFA000, v16;
	v8 =	vsub.s32 v15, v1;
	v11 =	vand.u32 $0x3FF, v15  }
0x1cb: {  	vm2 =	vlt.u32 v3, $0xFA000;
	s31 =	sshra.s32 s0, $0x2;
	s0 =	sadd.s32 $0x200, s0;
	vm3 =	vlt.u32 v5, $0xFA000;
	v15 =	vor.u32 $0xFA000, v17  }
0x1cc: {  	v16 =	vld [tilespmem:s31+$0x5070]  }
0x1cd: {  	v17 =	vld [tilespmem:s31+$0x5000];
	v2 =	vsel vm0, v2, v9;
	v10 =	vor.u32 $0xFA000, v10  }
0x1ce: {  	v18 =	vld [tilespmem:s31+$0x5010];
	vm14 =	vlt.u32 v6, $0xFA000;
	v4 =	vsel vm1, v4, v14;
	vm15 =	vlt.u32 v7, $0xFA000  }
0x1cf: {  	v44 =	vld [tilespmem:s31+$0x5020];
	v13 =	vor.u32 $0xFA000, v13;
	vm4 =	vlt.u32 v8, $0xFA000;
	v46 =	vor.u32 $0xFA000, v11  }
0x1d0: {  	v3 =	vsel vm2, v3, v15;
	[tilespmem:s30+$0xA000] =	vst v2;
	v2 =	vor.u32 $0xFA000, v12;
	v5 =	vsel vm3, v5, v10  }
0x1d1: {  	v48 =	vsel vm15, v7, v13;
	v45 =	vld [tilespmem:s31+$0x5030];
	[tilespmem:s30+$0xA010] =	vst v4;
	v2 =	vsel vm14, v6, v2;
	v4 =	vsel vm4, v8, v46  }
0x1d2: {  	v47 =	vld [tilespmem:s31+$0x5040];
	[tilespmem:s30+$0xA020] =	vst v3;
	v3 =	vsub.s32 v16, v1;
	v49 =	vand.u32 $0x3FF, v16;
	v50 =	vsub.s32 v17, v1  }
0x1d3: {  	v52 =	vand.u32 $0x3FF, v17;
	v53 =	vsub.s32 v18, v1;
	v55 =	vand.u32 $0x3FF, v18  }
0x1d4: {  	v56 =	vsub.s32 v44, v1;
	v9 =	vand.u32 $0x3FF, v44;
	vm8 =	vlt.u32 v3, $0xFA000  }
0x1d5: {  	v51 =	vld [tilespmem:s31+$0x5050];
	[tilespmem:s30+$0xA030] =	vst v5;
	v7 =	vor.u32 $0xFA000, v49;
	vm9 =	vlt.u32 v50, $0xFA000;
	v5 =	vor.u32 $0xFA000, v52  }
0x1d6: {  	v54 =	vld [tilespmem:s31+$0x5060];
	[tilespmem:s30+$0xA040] =	vst v2;
	vm10 =	vlt.u32 v53, $0xFA000;
	vm11 =	vlt.u32 v56, $0xFA000;
	v3 =	vsel vm8, v3, v7  }
0x1d7: {  	v59 =	vor.u32 $0xFA000, v9;
	v2 =	vsub.s32 v45, v1;
	v12 =	vand.u32 $0x3FF, v45;
	[tilespmem:s31+$0xA070] =	vst v3  }
0x1d8: {  	v7 =	vor.u32 $0xFA000, v55;
	v5 =	vsel vm9, v50, v5;
	v8 =	vsel vm11, v56, v59;
	[tilespmem:s30+$0xA050] =	vst v48  }
0x1d9: {  	v3 =	vsub.s32 v47, v1;
	v10 =	vand.u32 $0x3FF, v47;
	v7 =	vsel vm10, v53, v7;
	[tilespmem:s30+$0xA060] =	vst v4  }
0x1da: {  	vm12 =	vlt.u32 v2, $0xFA000;
	v60 =	vor.u32 $0xFA000, v12;
	v57 =	vsub.s32 v51, v1;
	[tilespmem:s31+$0xA000] =	vst v5  }
0x1db: {  	v11 =	vand.u32 $0x3FF, v51;
	vm13 =	vlt.u32 v3, $0xFA000;
	v61 =	vor.u32 $0xFA000, v10;
	[tilespmem:s31+$0xA010] =	vst v7  }
0x1dc: {  	v2 =	vsel vm12, v2, v60;
	v1 =	vsub.s32 v54, v1;
	v58 =	vand.u32 $0x3FF, v54;
	[tilespmem:s31+$0xA020] =	vst v8  }
0x1dd: {  	vm14 =	vlt.u32 v57, $0xFA000;
	v62 =	vor.u32 $0xFA000, v11;
	v3 =	vsel vm13, v3, v61;
	[tilespmem:s31+$0xA030] =	vst v2  }
0x1de: {  	vm15 =	vlt.u32 v1, $0xFA000;
	v2 =	vor.u32 $0xFA000, v58;
	v63 =	vsel vm14, v57, v62;
	[tilespmem:s31+$0xA040] =	vst v3  }
0x1df: {  	v1 =	vsel vm15, v1, v2;
	[tilespmem:s31+$0xA050] =	vst v63  }
0x1e0: {  	[tilespmem:s31+$0xA060] =	vst v1  }
0x1e1: {  	[spmem:s1] =	stream.indirect.scatter.add.f32 [tilespmem:s23], [sflag:$0x1], $0x1, s22, s18, $0xb8;
	[tilespmem:$0x1ED00] =	vst v63  }
0x1e2: {  	_ =	swait.ge [sflag:s17], $0x2800  }
0x1e3: {  	s0 =	sadd.s32 s12, s29;
	[sflag:s17] =	ssyncset.done $0x0  }
0x1e4: {  	s0 =	sshrl.u32 s0, $0x3;
	[sflag:s17] =	ssyncadd.s32 $0xFFFFD800  }
0x1e5: {  	s0 =	sadd.s32 s7, s0;
	[bflag:$0x0] =	sbarrier.arrive $0xFFFF  }
0x1e6: {  	[hbm:s0], [sflag:s25] =	dma.local [spmem:s26], $0x1F40  }
0x1e7: {  	_ =	swait.ge [sflag:s17], $0x1F40  }
0x1e8: {  	s28 =	sadd.s32 $0x1, s28;
	[sflag:s17] =	ssyncset.done $0x0  }
0x1e9: {  	p5 =	sne.s32 s28, $0x32;
	[sflag:s17] =	ssyncadd.s32 $0xFFFFE0C0  }
0x1ea: {  	[spmem:s26], [sflag:s25] =	dma.local [hbm:s6], $0x1F40  }
.Ltmp12:
0x1eb: {  	_ =	swait.ge [sflag:s17], $0x1F40;
	(pc) =	sbr.rel @p5 .LBB2_22-.Ltmp12, $3  }
0x1ec: {  	[sflag:s17] =	ssyncset.done $0x0  }
0x1ed: {  	[sflag:s17] =	ssyncadd.s32 $0xFFFFE0C0  }
0x1ee: {  	[bflag:$0x0] =	sbarrier.arrive $0xFFFF;
	_ =	sdelay $0x1  }
0x1ef: {  	s24 =	sadd.s32 $0x1, s24  }
0x1f0: {  	p5 =	sne.s32 s24, s16  }
.Ltmp13:
0x1f1: {  	_ = 	snop;
	(pc) =	sbr.rel @p5 .LBB2_1-.Ltmp13, $1  }
0x1f2: {  	_ =	sdelay $0x3  }
0x1f3: {  	_ =	sfence.sel $0x180000  }
0x1f4: {  	[bflag:$0x0] =	sbarrier.arrive $0xFFFF  }
0x1f5: {  	_ =	strace $0x90000047  }
0x1f6: {  	[bflag:$0x2] =	sbarrier.arrive $0xFFFF  }
0x1f7: {  	s0 =	rddreg [dreg:$0x3]  }
0x1f8: {  	s0 =	sadd.s32 @!p1 $0x100000, s0  }
0x1f9: {  	[sflag:s0] =	ssyncadd.tile.s32 @!p1 $0x1;
	_ =	shalt  }
.Lfunc_end2:
_tile_overlayer_lowered:
.L_overlay_start_2:
0x1fa: {  	(tag) =	ssettag $0x2  }
0x1fb: {  	s0 =	rddreg [dreg:$0x0];
	s2 =	stileid.u32  }
0x1fc: {  	s1 =	rddreg [dreg:$0x1];
	p0 =	sne.s32 s2, $0x0  }
0x1fd: {  	s3 =	rddreg [dreg:$0x2];
	[bflag:$0x3] =	sbarrier.arrive $0xFFFF;
	s2 =	simm.s32 @!p0 $0x1C01  }
0x1fe: {  	[timem:s3], [sflag:s2] =	dma.local @!p0 [hbm:s0], s1  }
0x1ff: {  	s0 =	simm.s32 @!p0 $0x1  }
0x200: {  	_ =	swait.ge @!p0 [sflag:s0], s1  }
0x201: {  	s1 =	ssub.s32 @!p0 $0x0, s1;
	[sflag:s0] =	ssyncset.done @!p0 $0x0  }
0x202: {  	[sflag:s0] =	ssyncadd.s32 @!p0 s1  }
0x203: {  	[bflag:$0x3] =	sbarrier.arrive $0xFFFF  }
0x204: {  	_ =	shalt  }

</sc_bundles>
